<compile_context>
chip_gen: v7x
topology: tpu7x:2x2x1
jax: 0.10.2.dev20260603
libtpu: 0.0.44.dev20260713+nightly
codegen_flags: <defaults>
</compile_context>

<pallas_src>
import functools

import jax
import jax.numpy as jnp
from jax import lax
from jax.experimental import pallas as pl
from jax.experimental.pallas import tpu as pltpu
from jax.experimental.pallas import tpu_sc as plsc

B = 16
N = 384 * 384
BITS = 15
NB = 1 << BITS
SHIFT = 32 - BITS
HALF = 1 << (SHIFT - 1)
L = 16
CHUNK = 4096
NCHUNK = N // CHUNK
HCH = NCHUNK // 2
HIST = 2 * NB
NUP = (NB // 2) // L
UNROLL = 8
ZCH = HIST // L // 16


def _keys_chunk(lb, yb, ibuf, base_idx, ys):
    def vb(i, ysacc):
        for u in range(UNROLL):
            off = (i * UNROLL + u) * L
            l = lb[pl.ds(off, L)]
            y = yb[pl.ds(off, L)]
            yf = y.astype(jnp.float32)
            e = (1.0 + l) - 2.0 * (l * yf)
            bi = plsc.bitcast(e, jnp.int32)
            m = plsc.bitcast(bi >> 31, jnp.uint32) | jnp.uint32(0x80000000)
            key = plsc.bitcast(bi, jnp.uint32) ^ m
            bkt = (key + jnp.uint32(HALF)) >> SHIFT
            yu = plsc.bitcast(y, jnp.uint32)
            idx = plsc.bitcast(bkt | (yu << BITS), jnp.int32) + base_idx
            ibuf[pl.ds(off, L)] = idx
            ysacc = ysacc + yf
        return ysacc

    return lax.fori_loop(0, CHUNK // L // UNROLL, vb, ys)


def _make_kernel():
    mesh = plsc.VectorSubcoreMesh(
        core_axis_name="c", subcore_axis_name="s", num_cores=2,
        num_subcores=16)

    @functools.partial(
        pl.kernel,
        out_type=jax.ShapeDtypeStruct((B, L), jnp.float32),
        mesh=mesh,
        scratch_types=[
            pltpu.VMEM((CHUNK,), jnp.float32),
            pltpu.VMEM((CHUNK,), jnp.float32),
            pltpu.VMEM((CHUNK,), jnp.int32),
            pltpu.VMEM((CHUNK,), jnp.int32),
            pltpu.VMEM((CHUNK,), jnp.int32),
            pltpu.VMEM((CHUNK,), jnp.int32),
            pltpu.VMEM((CHUNK,), jnp.float32),
            pltpu.VMEM((HIST,), jnp.float32),
            pltpu.VMEM((L,), jnp.float32),
            pltpu.VMEM((L,), jnp.float32),
            pltpu.VMEM_SHARED((8 * HIST,), jnp.float32),
            pltpu.VMEM_SHARED((16, L), jnp.float32),
            pltpu.SemaphoreType.DMA,
            pltpu.SemaphoreType.DMA,
            pltpu.SemaphoreType.DMA,
            pltpu.SemaphoreType.DMA,
            pltpu.SemaphoreType.DMA,
            pltpu.SemaphoreType.DMA,
            pltpu.SemaphoreType.DMA,
        ],
        compiler_params=pltpu.CompilerParams(needs_layout_passes=False),
    )
    def kern(logits_hbm, labels_hbm, out_hbm, lbuf0, lbuf1, ybuf0, ybuf1,
             ibuf0, ibuf1, ones_c, hist, ysp, obuf, sh_hist, sh_ys,
             sl0, sy0, sl1, sy1, ss0, ss1, sz):
        c = lax.axis_index("c")
        s = lax.axis_index("s")
        slot = s % 8
        role = s // 8
        img = c * 8 + slot
        first = role * HCH
        base_idx = slot * HIST

        zeros = jnp.zeros((L,), jnp.float32)

        def start(k, lb, yb, sl, sy):
            off = img * N + k * CHUNK
            pltpu.async_copy(logits_hbm.at[pl.ds(off, CHUNK)], lb, sl)
            pltpu.async_copy(labels_hbm.at[pl.ds(off, CHUNK)], yb, sy)

        def wait(lb, yb, sl, sy, k):
            off = img * N + k * CHUNK
            pltpu.make_async_copy(
                logits_hbm.at[pl.ds(off, CHUNK)], lb, sl).wait()
            pltpu.make_async_copy(
                labels_hbm.at[pl.ds(off, CHUNK)], yb, sy).wait()

        start(first, lbuf0, ybuf0, sl0, sy0)

        with jax.named_scope("ph_zero"):
            ones = jnp.ones((L,), jnp.float32)

            def zero_body(i, _):
                for u in range(16):
                    hist[pl.ds((i * 16 + u) * L, L)] = zeros
                return 0

            lax.fori_loop(0, 8192 // L // 16, zero_body, 0)

            share = 8 * HIST // 16

            for i in range(4):
                pltpu.async_copy(
                    hist.at[pl.ds(0, 8192)],
                    sh_hist.at[pl.ds(s * share + i * 8192, 8192)], sz)

            def ones_body(i, _):
                for u in range(8):
                    ones_c[pl.ds((i * 8 + u) * L, L)] = ones
                return 0

            lax.fori_loop(0, CHUNK // L // 8, ones_body, 0)

            for i in range(4):
                pltpu.make_async_copy(
                    hist.at[pl.ds(0, 8192)],
                    sh_hist.at[pl.ds(s * share + i * 8192, 8192)], sz).wait()

        plsc.subcore_barrier()

        with jax.named_scope("ph_hist"):
            def scatter(ib, ss):
                pltpu.async_copy(ones_c, sh_hist.at[ib], ss, add=True)

            def scatter_wait(ib, ss):
                pltpu.make_async_copy(ones_c, sh_hist.at[ib], ss).wait()

            def body(jj, ys):
                k = first + jj * 2
                start(k + 1, lbuf1, ybuf1, sl1, sy1)
                wait(lbuf0, ybuf0, sl0, sy0, k)

                @pl.when(jj > 0)
                def _():
                    scatter_wait(ibuf0, ss0)

                ys = _keys_chunk(lbuf0, ybuf0, ibuf0, base_idx, ys)
                scatter(ibuf0, ss0)

                @pl.when(jj < HCH // 2 - 1)
                def _():
                    start(k + 2, lbuf0, ybuf0, sl0, sy0)

                wait(lbuf1, ybuf1, sl1, sy1, k + 1)

                @pl.when(jj > 0)
                def _():
                    scatter_wait(ibuf1, ss1)

                ys = _keys_chunk(lbuf1, ybuf1, ibuf1, base_idx, ys)
                scatter(ibuf1, ss1)
                return ys

            ys = lax.fori_loop(0, HCH // 2, body, zeros)
            scatter_wait(ibuf0, ss0)
            scatter_wait(ibuf1, ss1)

        with jax.named_scope("ph_sync"):
            obuf[...] = ys
            pltpu.sync_copy(obuf, sh_ys.at[s])
            plsc.subcore_barrier()

        @pl.when(role == 0)
        def _():
            with jax.named_scope("ph_scan"):
                pltpu.sync_copy(sh_hist.at[pl.ds(base_idx, HIST)], hist)
                pltpu.sync_copy(sh_ys.at[s + 8], ysp)
                G = jnp.sum(ys) + jnp.sum(ysp[...])
                G2 = jnp.float32(N) - G

                iota = lax.iota(jnp.int32, L)
                one = jnp.full((L,), 1.0, jnp.float32)
                lane15 = jnp.full((L,), L - 1, jnp.int32)

                def scan_step(j, acc, cnv, cpv):
                    base = NB - (j + 1) * L
                    Pd = lax.rev(hist[pl.ds(NB + base, L)], (0,))
                    Qd = lax.rev(hist[pl.ds(base, L)], (0,))
                    ip = plsc.cumsum(Pd)
                    iq = plsc.cumsum(Qd)
                    pbar = cpv + (ip - Pd)
                    nbar = cnv + (iq - Qd)
                    d1 = G + nbar
                    num1 = (G - pbar) * Qd + Pd * d1
                    diff1 = jnp.where(d1 == 0.0, one,
                                      num1 / (d1 * (d1 + Qd)))
                    d2 = G2 + pbar
                    num2 = (G2 - nbar) * Pd + Qd * d2
                    diff2 = jnp.where(d2 == 0.0, one,
                                      num2 / (d2 * (d2 + Pd)))
                    hvec = (NB - 1 - j * L) - iota
                    center = plsc.bitcast(hvec, jnp.uint32) << SHIFT
                    eh = plsc.bitcast(center ^ jnp.uint32(0x80000000),
                                      jnp.float32)
                    relu = jnp.maximum(eh, 0.0)
                    contrib = relu * (diff1 + diff2)
                    cnt = Pd + Qd
                    acc = acc + jnp.where(cnt > 0.0, contrib, zeros)
                    cnv = cnv + jnp.take_along_axis(iq, lane15, axis=0)
                    cpv = cpv + jnp.take_along_axis(ip, lane15, axis=0)
                    return acc, cnv, cpv

                def scan_body(jj, carry):
                    acc, cnv, cpv = carry
                    for u in range(4):
                        acc, cnv, cpv = scan_step(jj * 4 + u, acc, cnv, cpv)
                    return (acc, cnv, cpv)

                acc, _, _ = lax.fori_loop(
                    0, NUP // 4, scan_body, (zeros, zeros, zeros))
                loss = jnp.sum(acc) * 0.5
                obuf[...] = jnp.full((L,), loss)
                pltpu.sync_copy(obuf, out_hbm.at[img])

    return kern


_kern = _make_kernel()


def kernel(logits, labels):
    lf = logits.reshape(B * N)
    yf = labels.reshape(B * N)
    out = _kern(lf, yf)
    return jnp.mean(out[:, 0])

# --- scband reference (transcript-rebuilt; emitter-appended) ---
"""Pipeline reference for scband-symmetric-lovasz-loss-51032801411659 (READ-ONLY COPY).

The authoritative reference and input builder live on the scoring server;
editing this copy changes nothing except your own understanding.
"""

import jax, jax.numpy as jnp
import numpy as np


def lovasz_grad(gt_sorted):
    gts = jnp.sum(gt_sorted)
    intersection = gts - jnp.cumsum(gt_sorted)
    union = gts + jnp.cumsum(1.0 - gt_sorted)
    jaccard = 1.0 - intersection / union
    jaccard = jnp.concatenate([jaccard[:1], jaccard[1:] - jaccard[:-1]])
    return jaccard


def lovasz_hinge_flat(logits, labels):
    signs = 2.0 * labels - 1.0
    errors = 1.0 - logits * signs
    perm = jnp.argsort(-errors)
    errors_sorted = jnp.take(errors, perm)
    gt_sorted = jnp.take(labels, perm)
    grad = lovasz_grad(gt_sorted)
    return jnp.dot(jax.nn.relu(errors_sorted), grad)


def lovasz_hinge(logits, labels):
    B = logits.shape[0]
    lf = logits.reshape(B, -1)
    yf = labels.reshape(B, -1)
    losses = jax.vmap(lovasz_hinge_flat)(lf, yf)
    return jnp.mean(losses)


def setup_inputs(seed: int = 0):
    key = jax.random.key(seed)
    k1, k2 = jax.random.split(key)
    logits = jax.random.normal(k1, (16, 384, 384), dtype=jnp.float32)
    labels = jax.random.randint(k2, (16, 384, 384), 0, 2)
    return {"logits": logits, "labels": labels}


def reference(logits, labels):
    labels = labels.astype(jnp.float32)
    loss = (lovasz_hinge(logits, labels) + lovasz_hinge(-logits, 1.0 - labels)) / 2.0
    return loss

if __name__ == "__main__":
    import jax
    _d = setup_inputs()
    print(jax.jit(kernel)(*tuple(_d.values())))

</pallas_src>

<mosaic_0001>
#map = affine_map<(d0, d1) -> (0)>
#map1 = affine_map<(d0, d1) -> (0, 0)>
module attributes {stable_mosaic.version = 14 : i64} {
  func.func @kern(%arg0: i32, %arg1: i32, %arg2: memref<2359296xf32, #tpu.memory_space<hbm>>, %arg3: memref<2359296xi32, #tpu.memory_space<hbm>>, %arg4: memref<16x16xf32, #tpu.memory_space<hbm>>, %arg5: memref<4096xf32, #tpu.memory_space<vmem>>, %arg6: memref<4096xf32, #tpu.memory_space<vmem>>, %arg7: memref<4096xi32, #tpu.memory_space<vmem>>, %arg8: memref<4096xi32, #tpu.memory_space<vmem>>, %arg9: memref<4096xi32, #tpu.memory_space<vmem>>, %arg10: memref<4096xi32, #tpu.memory_space<vmem>>, %arg11: memref<4096xf32, #tpu.memory_space<vmem>>, %arg12: memref<65536xf32, #tpu.memory_space<vmem>>, %arg13: memref<16xf32, #tpu.memory_space<vmem>>, %arg14: memref<16xf32, #tpu.memory_space<vmem>>, %arg15: memref<524288xf32, #tpu.memory_space<vmem_shared>>, %arg16: memref<16x16xf32, #tpu.memory_space<vmem_shared>>, %arg17: memref<!tpu.dma_semaphore, #tpu.memory_space<semaphore_mem>>, %arg18: memref<!tpu.dma_semaphore, #tpu.memory_space<semaphore_mem>>, %arg19: memref<!tpu.dma_semaphore, #tpu.memory_space<semaphore_mem>>, %arg20: memref<!tpu.dma_semaphore, #tpu.memory_space<semaphore_mem>>, %arg21: memref<!tpu.dma_semaphore, #tpu.memory_space<semaphore_mem>>, %arg22: memref<!tpu.dma_semaphore, #tpu.memory_space<semaphore_mem>>, %arg23: memref<!tpu.dma_semaphore, #tpu.memory_space<semaphore_mem>>) attributes {dimension_semantics = [#tpu.dimension_semantics<core_parallel>, #tpu.dimension_semantics<subcore_parallel>], iteration_bounds = array<i64: 2, 16>, scalar_prefetch = 0 : i64, scratch_operands = 19 : i64, tpu.core_type = #tpu.core_type<sc_vector_subcore>, window_params = [{transform_indices = #map}, {transform_indices = #map}, {transform_indices = #map1}]} {
    %jit3A = arith.constant 8 : i32
    %eq3A = arith.constant 0 : i32
    %eq3A_0 = arith.cmpi eq, %jit3A, %eq3A : i32
    %jit3A_1 = arith.constant 1 : i32
    %select_n3A = arith.select %eq3A_0, %jit3A_1, %jit3A : i32
    %rem3A = arith.remsi %arg1, %select_n3A : i32
    %ne3A = arith.constant 0 : i32
    %ne3A_2 = arith.cmpi ne, %rem3A, %ne3A : i32
    %lt3A = arith.constant 0 : i32
    %lt3A_3 = arith.cmpi slt, %rem3A, %lt3A : i32
    %lt3A_4 = arith.constant 0 : i32
    %lt3A_5 = arith.cmpi slt, %select_n3A, %lt3A_4 : i32
    %ne3A_6 = arith.xori %lt3A_3, %lt3A_5 : i1
    %and3A = arith.andi %ne3A_6, %ne3A_2 : i1
    %add3A = arith.addi %rem3A, %select_n3A : i32
    %select_n3A_7 = arith.select %and3A, %add3A, %rem3A : i32
    %jit3A_8 = arith.constant 8 : i32
    %div3A = arith.divsi %arg1, %jit3A_8 : i32
    %sign3A = arith.constant 0 : i32
    %sign3A_9 = arith.cmpi sgt, %arg1, %sign3A : i32
    %sign3A_10 = arith.extui %sign3A_9 : i1 to i32
    %sign3A_11 = arith.constant 0 : i32
    %sign3A_12 = arith.cmpi slt, %arg1, %sign3A_11 : i32
    %sign3A_13 = arith.extui %sign3A_12 : i1 to i32
    %sign3A_14 = arith.subi %sign3A_10, %sign3A_13 : i32
    %sign3A_15 = arith.constant 0 : i32
    %sign3A_16 = arith.cmpi sgt, %jit3A_8, %sign3A_15 : i32
    %sign3A_17 = arith.extui %sign3A_16 : i1 to i32
    %sign3A_18 = arith.constant 0 : i32
    %sign3A_19 = arith.cmpi slt, %jit3A_8, %sign3A_18 : i32
    %sign3A_20 = arith.extui %sign3A_19 : i1 to i32
    %sign3A_21 = arith.subi %sign3A_17, %sign3A_20 : i32
    %ne3A_22 = arith.cmpi ne, %sign3A_14, %sign3A_21 : i32
    %rem3A_23 = arith.remsi %arg1, %jit3A_8 : i32
    %ne3A_24 = arith.constant 0 : i32
    %ne3A_25 = arith.cmpi ne, %rem3A_23, %ne3A_24 : i32
    %and3A_26 = arith.andi %ne3A_22, %ne3A_25 : i1
    %sub3A = arith.constant 1 : i32
    %sub3A_27 = arith.subi %div3A, %sub3A : i32
    %select_n3A_28 = arith.select %and3A_26, %sub3A_27, %div3A : i32
    %mul3A = arith.constant 8 : i32
    %mul3A_29 = arith.muli %arg0, %mul3A : i32
    %add3A_30 = arith.addi %mul3A_29, %select_n3A_7 : i32
    %mul3A_31 = arith.constant 18 : i32
    %mul3A_32 = arith.muli %select_n3A_28, %mul3A_31 : i32
    %mul3A_33 = arith.constant 65536 : i32
    %mul3A_34 = arith.muli %select_n3A_7, %mul3A_33 : i32
    %broadcast_in_dim3A = arith.constant 0.000000e+00 : f32
    %broadcast_in_dim3A_35 = vector.broadcast %broadcast_in_dim3A : f32 to vector<16xf32>
    %mul3A_36 = arith.constant 147456 : i32
    %mul3A_37 = arith.muli %add3A_30, %mul3A_36 : i32
    %mul3A_38 = arith.constant 4096 : i32
    %mul3A_39 = arith.muli %mul3A_32, %mul3A_38 : i32
    %add3A_40 = arith.addi %mul3A_37, %mul3A_39 : i32
    %dma_start3A = tpu.memref_slice %arg2[%add3A_40] : memref<2359296xf32, #tpu.memory_space<hbm>> -> memref<4096xf32, #tpu.memory_space<hbm>>
    %dma_start3A_41 = tpu.memref_slice %arg2[%add3A_40] : memref<2359296xf32, #tpu.memory_space<hbm>> -> memref<4096xf32, #tpu.memory_space<hbm>>
    tpu.enqueue_dma source(%dma_start3A_41 : memref<4096xf32, #tpu.memory_space<hbm>>) target(%arg5 : memref<4096xf32, #tpu.memory_space<vmem>>) target_semaphore(%arg17 : memref<!tpu.dma_semaphore, #tpu.memory_space<semaphore_mem>>)
    %dma_start3A_42 = tpu.memref_slice %arg3[%add3A_40] : memref<2359296xi32, #tpu.memory_space<hbm>> -> memref<4096xi32, #tpu.memory_space<hbm>>
    %dma_start3A_43 = tpu.memref_slice %arg3[%add3A_40] : memref<2359296xi32, #tpu.memory_space<hbm>> -> memref<4096xi32, #tpu.memory_space<hbm>>
    tpu.enqueue_dma source(%dma_start3A_43 : memref<4096xi32, #tpu.memory_space<hbm>>) target(%arg7 : memref<4096xi32, #tpu.memory_space<vmem>>) target_semaphore(%arg18 : memref<!tpu.dma_semaphore, #tpu.memory_space<semaphore_mem>>)
    %broadcast_in_dim3A_44 = arith.constant 1.000000e+00 : f32
    "tpu.trace_start"() <{level = 10 : i32, message = "ph_zero"}> : () -> ()
    %broadcast_in_dim3A_45 = vector.broadcast %broadcast_in_dim3A_44 : f32 to vector<16xf32>
    %scan3A = arith.constant 0 : i32
    %scan3A_46 = arith.constant 0 : i32
    %scan3A_47 = arith.constant 32 : i32
    %scan3A_48 = arith.addi %scan3A_46, %scan3A_47 : i32
    %scan3A_49 = arith.constant 1 : i32
    %scan3A_50 = scf.for %scan3A_153 = %scan3A_46 to %scan3A_48 step %scan3A_49 iter_args(%scan3A_154 = %scan3A) -> (i32)  : i32 {
      %mul3A_155 = arith.constant 16 : i32
      %mul3A_156 = arith.muli %scan3A_153, %mul3A_155 : i32
      %add3A_157 = arith.constant 0 : i32
      %add3A_158 = arith.addi %mul3A_156, %add3A_157 : i32
      %mul3A_159 = arith.constant 16 : i32
      %mul3A_160 = arith.muli %add3A_158, %mul3A_159 : i32
      %swap3A_161 = arith.index_cast %mul3A_160 : i32 to index
      %swap3A_162 = tpu.vector_load %arg12[%swap3A_161] {strides = array<i32>} : memref<65536xf32, #tpu.memory_space<vmem>>, vector<16xf32>,
      tpu.vector_store %arg12[%swap3A_161], %broadcast_in_dim3A_35 {strides = array<i32>} : memref<65536xf32, #tpu.memory_space<vmem>>, vector<16xf32>,
      %mul3A_163 = arith.constant 16 : i32
      %mul3A_164 = arith.muli %scan3A_153, %mul3A_163 : i32
      %add3A_165 = arith.constant 1 : i32
      %add3A_166 = arith.addi %mul3A_164, %add3A_165 : i32
      %mul3A_167 = arith.constant 16 : i32
      %mul3A_168 = arith.muli %add3A_166, %mul3A_167 : i32
      %swap3A_169 = arith.index_cast %mul3A_168 : i32 to index
      %swap3A_170 = tpu.vector_load %arg12[%swap3A_169] {strides = array<i32>} : memref<65536xf32, #tpu.memory_space<vmem>>, vector<16xf32>,
      tpu.vector_store %arg12[%swap3A_169], %broadcast_in_dim3A_35 {strides = array<i32>} : memref<65536xf32, #tpu.memory_space<vmem>>, vector<16xf32>,
      %mul3A_171 = arith.constant 16 : i32
      %mul3A_172 = arith.muli %scan3A_153, %mul3A_171 : i32
      %add3A_173 = arith.constant 2 : i32
      %add3A_174 = arith.addi %mul3A_172, %add3A_173 : i32
      %mul3A_175 = arith.constant 16 : i32
      %mul3A_176 = arith.muli %add3A_174, %mul3A_175 : i32
      %swap3A_177 = arith.index_cast %mul3A_176 : i32 to index
      %swap3A_178 = tpu.vector_load %arg12[%swap3A_177] {strides = array<i32>} : memref<65536xf32, #tpu.memory_space<vmem>>, vector<16xf32>,
      tpu.vector_store %arg12[%swap3A_177], %broadcast_in_dim3A_35 {strides = array<i32>} : memref<65536xf32, #tpu.memory_space<vmem>>, vector<16xf32>,
      %mul3A_179 = arith.constant 16 : i32
      %mul3A_180 = arith.muli %scan3A_153, %mul3A_179 : i32
      %add3A_181 = arith.constant 3 : i32
      %add3A_182 = arith.addi %mul3A_180, %add3A_181 : i32
      %mul3A_183 = arith.constant 16 : i32
      %mul3A_184 = arith.muli %add3A_182, %mul3A_183 : i32
      %swap3A_185 = arith.index_cast %mul3A_184 : i32 to index
      %swap3A_186 = tpu.vector_load %arg12[%swap3A_185] {strides = array<i32>} : memref<65536xf32, #tpu.memory_space<vmem>>, vector<16xf32>,
      tpu.vector_store %arg12[%swap3A_185], %broadcast_in_dim3A_35 {strides = array<i32>} : memref<65536xf32, #tpu.memory_space<vmem>>, vector<16xf32>,
      %mul3A_187 = arith.constant 16 : i32
      %mul3A_188 = arith.muli %scan3A_153, %mul3A_187 : i32
      %add3A_189 = arith.constant 4 : i32
      %add3A_190 = arith.addi %mul3A_188, %add3A_189 : i32
      %mul3A_191 = arith.constant 16 : i32
      %mul3A_192 = arith.muli %add3A_190, %mul3A_191 : i32
      %swap3A_193 = arith.index_cast %mul3A_192 : i32 to index
      %swap3A_194 = tpu.vector_load %arg12[%swap3A_193] {strides = array<i32>} : memref<65536xf32, #tpu.memory_space<vmem>>, vector<16xf32>,
      tpu.vector_store %arg12[%swap3A_193], %broadcast_in_dim3A_35 {strides = array<i32>} : memref<65536xf32, #tpu.memory_space<vmem>>, vector<16xf32>,
      %mul3A_195 = arith.constant 16 : i32
      %mul3A_196 = arith.muli %scan3A_153, %mul3A_195 : i32
      %add3A_197 = arith.constant 5 : i32
      %add3A_198 = arith.addi %mul3A_196, %add3A_197 : i32
      %mul3A_199 = arith.constant 16 : i32
      %mul3A_200 = arith.muli %add3A_198, %mul3A_199 : i32
      %swap3A_201 = arith.index_cast %mul3A_200 : i32 to index
      %swap3A_202 = tpu.vector_load %arg12[%swap3A_201] {strides = array<i32>} : memref<65536xf32, #tpu.memory_space<vmem>>, vector<16xf32>,
      tpu.vector_store %arg12[%swap3A_201], %broadcast_in_dim3A_35 {strides = array<i32>} : memref<65536xf32, #tpu.memory_space<vmem>>, vector<16xf32>,
      %mul3A_203 = arith.constant 16 : i32
      %mul3A_204 = arith.muli %scan3A_153, %mul3A_203 : i32
      %add3A_205 = arith.constant 6 : i32
      %add3A_206 = arith.addi %mul3A_204, %add3A_205 : i32
      %mul3A_207 = arith.constant 16 : i32
      %mul3A_208 = arith.muli %add3A_206, %mul3A_207 : i32
      %swap3A_209 = arith.index_cast %mul3A_208 : i32 to index
      %swap3A_210 = tpu.vector_load %arg12[%swap3A_209] {strides = array<i32>} : memref<65536xf32, #tpu.memory_space<vmem>>, vector<16xf32>,
      tpu.vector_store %arg12[%swap3A_209], %broadcast_in_dim3A_35 {strides = array<i32>} : memref<65536xf32, #tpu.memory_space<vmem>>, vector<16xf32>,
      %mul3A_211 = arith.constant 16 : i32
      %mul3A_212 = arith.muli %scan3A_153, %mul3A_211 : i32
      %add3A_213 = arith.constant 7 : i32
      %add3A_214 = arith.addi %mul3A_212, %add3A_213 : i32
      %mul3A_215 = arith.constant 16 : i32
      %mul3A_216 = arith.muli %add3A_214, %mul3A_215 : i32
      %swap3A_217 = arith.index_cast %mul3A_216 : i32 to index
      %swap3A_218 = tpu.vector_load %arg12[%swap3A_217] {strides = array<i32>} : memref<65536xf32, #tpu.memory_space<vmem>>, vector<16xf32>,
      tpu.vector_store %arg12[%swap3A_217], %broadcast_in_dim3A_35 {strides = array<i32>} : memref<65536xf32, #tpu.memory_space<vmem>>, vector<16xf32>,
      %mul3A_219 = arith.constant 16 : i32
      %mul3A_220 = arith.muli %scan3A_153, %mul3A_219 : i32
      %add3A_221 = arith.constant 8 : i32
      %add3A_222 = arith.addi %mul3A_220, %add3A_221 : i32
      %mul3A_223 = arith.constant 16 : i32
      %mul3A_224 = arith.muli %add3A_222, %mul3A_223 : i32
      %swap3A_225 = arith.index_cast %mul3A_224 : i32 to index
      %swap3A_226 = tpu.vector_load %arg12[%swap3A_225] {strides = array<i32>} : memref<65536xf32, #tpu.memory_space<vmem>>, vector<16xf32>,
      tpu.vector_store %arg12[%swap3A_225], %broadcast_in_dim3A_35 {strides = array<i32>} : memref<65536xf32, #tpu.memory_space<vmem>>, vector<16xf32>,
      %mul3A_227 = arith.constant 16 : i32
      %mul3A_228 = arith.muli %scan3A_153, %mul3A_227 : i32
      %add3A_229 = arith.constant 9 : i32
      %add3A_230 = arith.addi %mul3A_228, %add3A_229 : i32
      %mul3A_231 = arith.constant 16 : i32
      %mul3A_232 = arith.muli %add3A_230, %mul3A_231 : i32
      %swap3A_233 = arith.index_cast %mul3A_232 : i32 to index
      %swap3A_234 = tpu.vector_load %arg12[%swap3A_233] {strides = array<i32>} : memref<65536xf32, #tpu.memory_space<vmem>>, vector<16xf32>,
      tpu.vector_store %arg12[%swap3A_233], %broadcast_in_dim3A_35 {strides = array<i32>} : memref<65536xf32, #tpu.memory_space<vmem>>, vector<16xf32>,
      %mul3A_235 = arith.constant 16 : i32
      %mul3A_236 = arith.muli %scan3A_153, %mul3A_235 : i32
      %add3A_237 = arith.constant 10 : i32
      %add3A_238 = arith.addi %mul3A_236, %add3A_237 : i32
      %mul3A_239 = arith.constant 16 : i32
      %mul3A_240 = arith.muli %add3A_238, %mul3A_239 : i32
      %swap3A_241 = arith.index_cast %mul3A_240 : i32 to index
      %swap3A_242 = tpu.vector_load %arg12[%swap3A_241] {strides = array<i32>} : memref<65536xf32, #tpu.memory_space<vmem>>, vector<16xf32>,
      tpu.vector_store %arg12[%swap3A_241], %broadcast_in_dim3A_35 {strides = array<i32>} : memref<65536xf32, #tpu.memory_space<vmem>>, vector<16xf32>,
      %mul3A_243 = arith.constant 16 : i32
      %mul3A_244 = arith.muli %scan3A_153, %mul3A_243 : i32
      %add3A_245 = arith.constant 11 : i32
      %add3A_246 = arith.addi %mul3A_244, %add3A_245 : i32
      %mul3A_247 = arith.constant 16 : i32
      %mul3A_248 = arith.muli %add3A_246, %mul3A_247 : i32
      %swap3A_249 = arith.index_cast %mul3A_248 : i32 to index
      %swap3A_250 = tpu.vector_load %arg12[%swap3A_249] {strides = array<i32>} : memref<65536xf32, #tpu.memory_space<vmem>>, vector<16xf32>,
      tpu.vector_store %arg12[%swap3A_249], %broadcast_in_dim3A_35 {strides = array<i32>} : memref<65536xf32, #tpu.memory_space<vmem>>, vector<16xf32>,
      %mul3A_251 = arith.constant 16 : i32
      %mul3A_252 = arith.muli %scan3A_153, %mul3A_251 : i32
      %add3A_253 = arith.constant 12 : i32
      %add3A_254 = arith.addi %mul3A_252, %add3A_253 : i32
      %mul3A_255 = arith.constant 16 : i32
      %mul3A_256 = arith.muli %add3A_254, %mul3A_255 : i32
      %swap3A_257 = arith.index_cast %mul3A_256 : i32 to index
      %swap3A_258 = tpu.vector_load %arg12[%swap3A_257] {strides = array<i32>} : memref<65536xf32, #tpu.memory_space<vmem>>, vector<16xf32>,
      tpu.vector_store %arg12[%swap3A_257], %broadcast_in_dim3A_35 {strides = array<i32>} : memref<65536xf32, #tpu.memory_space<vmem>>, vector<16xf32>,
      %mul3A_259 = arith.constant 16 : i32
      %mul3A_260 = arith.muli %scan3A_153, %mul3A_259 : i32
      %add3A_261 = arith.constant 13 : i32
      %add3A_262 = arith.addi %mul3A_260, %add3A_261 : i32
      %mul3A_263 = arith.constant 16 : i32
      %mul3A_264 = arith.muli %add3A_262, %mul3A_263 : i32
      %swap3A_265 = arith.index_cast %mul3A_264 : i32 to index
      %swap3A_266 = tpu.vector_load %arg12[%swap3A_265] {strides = array<i32>} : memref<65536xf32, #tpu.memory_space<vmem>>, vector<16xf32>,
      tpu.vector_store %arg12[%swap3A_265], %broadcast_in_dim3A_35 {strides = array<i32>} : memref<65536xf32, #tpu.memory_space<vmem>>, vector<16xf32>,
      %mul3A_267 = arith.constant 16 : i32
      %mul3A_268 = arith.muli %scan3A_153, %mul3A_267 : i32
      %add3A_269 = arith.constant 14 : i32
      %add3A_270 = arith.addi %mul3A_268, %add3A_269 : i32
      %mul3A_271 = arith.constant 16 : i32
      %mul3A_272 = arith.muli %add3A_270, %mul3A_271 : i32
      %swap3A_273 = arith.index_cast %mul3A_272 : i32 to index
      %swap3A_274 = tpu.vector_load %arg12[%swap3A_273] {strides = array<i32>} : memref<65536xf32, #tpu.memory_space<vmem>>, vector<16xf32>,
      tpu.vector_store %arg12[%swap3A_273], %broadcast_in_dim3A_35 {strides = array<i32>} : memref<65536xf32, #tpu.memory_space<vmem>>, vector<16xf32>,
      %mul3A_275 = arith.constant 16 : i32
      %mul3A_276 = arith.muli %scan3A_153, %mul3A_275 : i32
      %add3A_277 = arith.constant 15 : i32
      %add3A_278 = arith.addi %mul3A_276, %add3A_277 : i32
      %mul3A_279 = arith.constant 16 : i32
      %mul3A_280 = arith.muli %add3A_278, %mul3A_279 : i32
      %swap3A_281 = arith.index_cast %mul3A_280 : i32 to index
      %swap3A_282 = tpu.vector_load %arg12[%swap3A_281] {strides = array<i32>} : memref<65536xf32, #tpu.memory_space<vmem>>, vector<16xf32>,
      tpu.vector_store %arg12[%swap3A_281], %broadcast_in_dim3A_35 {strides = array<i32>} : memref<65536xf32, #tpu.memory_space<vmem>>, vector<16xf32>,
      %scan3A_283 = arith.constant 0 : i32
      scf.yield %scan3A_283 : i32
    }
    %scan3A_51 = arith.constant 32 : i32
    %mul3A_52 = arith.constant 32768 : i32
    %mul3A_53 = arith.muli %arg1, %mul3A_52 : i32
    %add3A_54 = arith.constant 0 : i32
    %add3A_55 = arith.addi %mul3A_53, %add3A_54 : i32
    %dma_start3A_56 = arith.constant 0 : i32
    %dma_start3A_57 = tpu.memref_slice %arg12[%dma_start3A_56] : memref<65536xf32, #tpu.memory_space<vmem>> -> memref<8192xf32, #tpu.memory_space<vmem>>
    %dma_start3A_58 = tpu.memref_slice %arg15[%add3A_55] : memref<524288xf32, #tpu.memory_space<vmem_shared>> -> memref<8192xf32, #tpu.memory_space<vmem_shared>>
    %dma_start3A_59 = tpu.memref_slice %arg15[%add3A_55] : memref<524288xf32, #tpu.memory_space<vmem_shared>> -> memref<8192xf32, #tpu.memory_space<vmem_shared>>
    %dma_start3A_60 = arith.constant 0 : i32
    %dma_start3A_61 = tpu.memref_slice %arg12[%dma_start3A_60] : memref<65536xf32, #tpu.memory_space<vmem>> -> memref<8192xf32, #tpu.memory_space<vmem>>
    tpu.enqueue_dma source(%dma_start3A_61 : memref<8192xf32, #tpu.memory_space<vmem>>) target(%dma_start3A_59 : memref<8192xf32, #tpu.memory_space<vmem_shared>>) target_semaphore(%arg23 : memref<!tpu.dma_semaphore, #tpu.memory_space<semaphore_mem>>)
    %mul3A_62 = arith.constant 32768 : i32
    %mul3A_63 = arith.muli %arg1, %mul3A_62 : i32
    %add3A_64 = arith.constant 8192 : i32
    %add3A_65 = arith.addi %mul3A_63, %add3A_64 : i32
    %dma_start3A_66 = arith.constant 0 : i32
    %dma_start3A_67 = tpu.memref_slice %arg12[%dma_start3A_66] : memref<65536xf32, #tpu.memory_space<vmem>> -> memref<8192xf32, #tpu.memory_space<vmem>>
    %dma_start3A_68 = tpu.memref_slice %arg15[%add3A_65] : memref<524288xf32, #tpu.memory_space<vmem_shared>> -> memref<8192xf32, #tpu.memory_space<vmem_shared>>
    %dma_start3A_69 = tpu.memref_slice %arg15[%add3A_65] : memref<524288xf32, #tpu.memory_space<vmem_shared>> -> memref<8192xf32, #tpu.memory_space<vmem_shared>>
    %dma_start3A_70 = arith.constant 0 : i32
    %dma_start3A_71 = tpu.memref_slice %arg12[%dma_start3A_70] : memref<65536xf32, #tpu.memory_space<vmem>> -> memref<8192xf32, #tpu.memory_space<vmem>>
    tpu.enqueue_dma source(%dma_start3A_71 : memref<8192xf32, #tpu.memory_space<vmem>>) target(%dma_start3A_69 : memref<8192xf32, #tpu.memory_space<vmem_shared>>) target_semaphore(%arg23 : memref<!tpu.dma_semaphore, #tpu.memory_space<semaphore_mem>>)
    %mul3A_72 = arith.constant 32768 : i32
    %mul3A_73 = arith.muli %arg1, %mul3A_72 : i32
    %add3A_74 = arith.constant 16384 : i32
    %add3A_75 = arith.addi %mul3A_73, %add3A_74 : i32
    %dma_start3A_76 = arith.constant 0 : i32
    %dma_start3A_77 = tpu.memref_slice %arg12[%dma_start3A_76] : memref<65536xf32, #tpu.memory_space<vmem>> -> memref<8192xf32, #tpu.memory_space<vmem>>
    %dma_start3A_78 = tpu.memref_slice %arg15[%add3A_75] : memref<524288xf32, #tpu.memory_space<vmem_shared>> -> memref<8192xf32, #tpu.memory_space<vmem_shared>>
    %dma_start3A_79 = tpu.memref_slice %arg15[%add3A_75] : memref<524288xf32, #tpu.memory_space<vmem_shared>> -> memref<8192xf32, #tpu.memory_space<vmem_shared>>
    %dma_start3A_80 = arith.constant 0 : i32
    %dma_start3A_81 = tpu.memref_slice %arg12[%dma_start3A_80] : memref<65536xf32, #tpu.memory_space<vmem>> -> memref<8192xf32, #tpu.memory_space<vmem>>
    tpu.enqueue_dma source(%dma_start3A_81 : memref<8192xf32, #tpu.memory_space<vmem>>) target(%dma_start3A_79 : memref<8192xf32, #tpu.memory_space<vmem_shared>>) target_semaphore(%arg23 : memref<!tpu.dma_semaphore, #tpu.memory_space<semaphore_mem>>)
    %mul3A_82 = arith.constant 32768 : i32
    %mul3A_83 = arith.muli %arg1, %mul3A_82 : i32
    %add3A_84 = arith.constant 24576 : i32
    %add3A_85 = arith.addi %mul3A_83, %add3A_84 : i32
    %dma_start3A_86 = arith.constant 0 : i32
    %dma_start3A_87 = tpu.memref_slice %arg12[%dma_start3A_86] : memref<65536xf32, #tpu.memory_space<vmem>> -> memref<8192xf32, #tpu.memory_space<vmem>>
    %dma_start3A_88 = tpu.memref_slice %arg15[%add3A_85] : memref<524288xf32, #tpu.memory_space<vmem_shared>> -> memref<8192xf32, #tpu.memory_space<vmem_shared>>
    %dma_start3A_89 = tpu.memref_slice %arg15[%add3A_85] : memref<524288xf32, #tpu.memory_space<vmem_shared>> -> memref<8192xf32, #tpu.memory_space<vmem_shared>>
    %dma_start3A_90 = arith.constant 0 : i32
    %dma_start3A_91 = tpu.memref_slice %arg12[%dma_start3A_90] : memref<65536xf32, #tpu.memory_space<vmem>> -> memref<8192xf32, #tpu.memory_space<vmem>>
    tpu.enqueue_dma source(%dma_start3A_91 : memref<8192xf32, #tpu.memory_space<vmem>>) target(%dma_start3A_89 : memref<8192xf32, #tpu.memory_space<vmem_shared>>) target_semaphore(%arg23 : memref<!tpu.dma_semaphore, #tpu.memory_space<semaphore_mem>>)
    %scan3A_92 = arith.constant 0 : i32
    %scan3A_93 = arith.constant 0 : i32
    %scan3A_94 = arith.constant 32 : i32
    %scan3A_95 = arith.addi %scan3A_93, %scan3A_94 : i32
    %scan3A_96 = arith.constant 1 : i32
    %scan3A_97 = scf.for %scan3A_153 = %scan3A_93 to %scan3A_95 step %scan3A_96 iter_args(%scan3A_154 = %scan3A_92) -> (i32)  : i32 {
      %mul3A_155 = arith.constant 8 : i32
      %mul3A_156 = arith.muli %scan3A_153, %mul3A_155 : i32
      %add3A_157 = arith.constant 0 : i32
      %add3A_158 = arith.addi %mul3A_156, %add3A_157 : i32
      %mul3A_159 = arith.constant 16 : i32
      %mul3A_160 = arith.muli %add3A_158, %mul3A_159 : i32
      %swap3A_161 = arith.index_cast %mul3A_160 : i32 to index
      %swap3A_162 = tpu.vector_load %arg11[%swap3A_161] {strides = array<i32>} : memref<4096xf32, #tpu.memory_space<vmem>>, vector<16xf32>,
      tpu.vector_store %arg11[%swap3A_161], %broadcast_in_dim3A_45 {strides = array<i32>} : memref<4096xf32, #tpu.memory_space<vmem>>, vector<16xf32>,
      %mul3A_163 = arith.constant 8 : i32
      %mul3A_164 = arith.muli %scan3A_153, %mul3A_163 : i32
      %add3A_165 = arith.constant 1 : i32
      %add3A_166 = arith.addi %mul3A_164, %add3A_165 : i32
      %mul3A_167 = arith.constant 16 : i32
      %mul3A_168 = arith.muli %add3A_166, %mul3A_167 : i32
      %swap3A_169 = arith.index_cast %mul3A_168 : i32 to index
      %swap3A_170 = tpu.vector_load %arg11[%swap3A_169] {strides = array<i32>} : memref<4096xf32, #tpu.memory_space<vmem>>, vector<16xf32>,
      tpu.vector_store %arg11[%swap3A_169], %broadcast_in_dim3A_45 {strides = array<i32>} : memref<4096xf32, #tpu.memory_space<vmem>>, vector<16xf32>,
      %mul3A_171 = arith.constant 8 : i32
      %mul3A_172 = arith.muli %scan3A_153, %mul3A_171 : i32
      %add3A_173 = arith.constant 2 : i32
      %add3A_174 = arith.addi %mul3A_172, %add3A_173 : i32
      %mul3A_175 = arith.constant 16 : i32
      %mul3A_176 = arith.muli %add3A_174, %mul3A_175 : i32
      %swap3A_177 = arith.index_cast %mul3A_176 : i32 to index
      %swap3A_178 = tpu.vector_load %arg11[%swap3A_177] {strides = array<i32>} : memref<4096xf32, #tpu.memory_space<vmem>>, vector<16xf32>,
      tpu.vector_store %arg11[%swap3A_177], %broadcast_in_dim3A_45 {strides = array<i32>} : memref<4096xf32, #tpu.memory_space<vmem>>, vector<16xf32>,
      %mul3A_179 = arith.constant 8 : i32
      %mul3A_180 = arith.muli %scan3A_153, %mul3A_179 : i32
      %add3A_181 = arith.constant 3 : i32
      %add3A_182 = arith.addi %mul3A_180, %add3A_181 : i32
      %mul3A_183 = arith.constant 16 : i32
      %mul3A_184 = arith.muli %add3A_182, %mul3A_183 : i32
      %swap3A_185 = arith.index_cast %mul3A_184 : i32 to index
      %swap3A_186 = tpu.vector_load %arg11[%swap3A_185] {strides = array<i32>} : memref<4096xf32, #tpu.memory_space<vmem>>, vector<16xf32>,
      tpu.vector_store %arg11[%swap3A_185], %broadcast_in_dim3A_45 {strides = array<i32>} : memref<4096xf32, #tpu.memory_space<vmem>>, vector<16xf32>,
      %mul3A_187 = arith.constant 8 : i32
      %mul3A_188 = arith.muli %scan3A_153, %mul3A_187 : i32
      %add3A_189 = arith.constant 4 : i32
      %add3A_190 = arith.addi %mul3A_188, %add3A_189 : i32
      %mul3A_191 = arith.constant 16 : i32
      %mul3A_192 = arith.muli %add3A_190, %mul3A_191 : i32
      %swap3A_193 = arith.index_cast %mul3A_192 : i32 to index
      %swap3A_194 = tpu.vector_load %arg11[%swap3A_193] {strides = array<i32>} : memref<4096xf32, #tpu.memory_space<vmem>>, vector<16xf32>,
      tpu.vector_store %arg11[%swap3A_193], %broadcast_in_dim3A_45 {strides = array<i32>} : memref<4096xf32, #tpu.memory_space<vmem>>, vector<16xf32>,
      %mul3A_195 = arith.constant 8 : i32
      %mul3A_196 = arith.muli %scan3A_153, %mul3A_195 : i32
      %add3A_197 = arith.constant 5 : i32
      %add3A_198 = arith.addi %mul3A_196, %add3A_197 : i32
      %mul3A_199 = arith.constant 16 : i32
      %mul3A_200 = arith.muli %add3A_198, %mul3A_199 : i32
      %swap3A_201 = arith.index_cast %mul3A_200 : i32 to index
      %swap3A_202 = tpu.vector_load %arg11[%swap3A_201] {strides = array<i32>} : memref<4096xf32, #tpu.memory_space<vmem>>, vector<16xf32>,
      tpu.vector_store %arg11[%swap3A_201], %broadcast_in_dim3A_45 {strides = array<i32>} : memref<4096xf32, #tpu.memory_space<vmem>>, vector<16xf32>,
      %mul3A_203 = arith.constant 8 : i32
      %mul3A_204 = arith.muli %scan3A_153, %mul3A_203 : i32
      %add3A_205 = arith.constant 6 : i32
      %add3A_206 = arith.addi %mul3A_204, %add3A_205 : i32
      %mul3A_207 = arith.constant 16 : i32
      %mul3A_208 = arith.muli %add3A_206, %mul3A_207 : i32
      %swap3A_209 = arith.index_cast %mul3A_208 : i32 to index
      %swap3A_210 = tpu.vector_load %arg11[%swap3A_209] {strides = array<i32>} : memref<4096xf32, #tpu.memory_space<vmem>>, vector<16xf32>,
      tpu.vector_store %arg11[%swap3A_209], %broadcast_in_dim3A_45 {strides = array<i32>} : memref<4096xf32, #tpu.memory_space<vmem>>, vector<16xf32>,
      %mul3A_211 = arith.constant 8 : i32
      %mul3A_212 = arith.muli %scan3A_153, %mul3A_211 : i32
      %add3A_213 = arith.constant 7 : i32
      %add3A_214 = arith.addi %mul3A_212, %add3A_213 : i32
      %mul3A_215 = arith.constant 16 : i32
      %mul3A_216 = arith.muli %add3A_214, %mul3A_215 : i32
      %swap3A_217 = arith.index_cast %mul3A_216 : i32 to index
      %swap3A_218 = tpu.vector_load %arg11[%swap3A_217] {strides = array<i32>} : memref<4096xf32, #tpu.memory_space<vmem>>, vector<16xf32>,
      tpu.vector_store %arg11[%swap3A_217], %broadcast_in_dim3A_45 {strides = array<i32>} : memref<4096xf32, #tpu.memory_space<vmem>>, vector<16xf32>,
      %scan3A_219 = arith.constant 0 : i32
      scf.yield %scan3A_219 : i32
    }
    %scan3A_98 = arith.constant 32 : i32
    %mul3A_99 = arith.constant 32768 : i32
    %mul3A_100 = arith.muli %arg1, %mul3A_99 : i32
    %add3A_101 = arith.constant 0 : i32
    %add3A_102 = arith.addi %mul3A_100, %add3A_101 : i32
    %dma_wait3A = arith.constant 0 : i32
    %dma_wait3A_103 = tpu.memref_slice %arg12[%dma_wait3A] : memref<65536xf32, #tpu.memory_space<vmem>> -> memref<8192xf32, #tpu.memory_space<vmem>>
    %dma_wait3A_104 = tpu.memref_slice %arg15[%add3A_102] : memref<524288xf32, #tpu.memory_space<vmem_shared>> -> memref<8192xf32, #tpu.memory_space<vmem_shared>>
    %dma_wait3A_105 = tpu.memref_slice %arg15[%add3A_102] : memref<524288xf32, #tpu.memory_space<vmem_shared>> -> memref<8192xf32, #tpu.memory_space<vmem_shared>>
    %dma_wait3A_106 = arith.constant 0 : i32
    %dma_wait3A_107 = tpu.memref_slice %arg12[%dma_wait3A_106] : memref<65536xf32, #tpu.memory_space<vmem>> -> memref<8192xf32, #tpu.memory_space<vmem>>
    tpu.wait_dma2 semaphore(%arg23 : memref<!tpu.dma_semaphore, #tpu.memory_space<semaphore_mem>>) src(%dma_wait3A_107 : memref<8192xf32, #tpu.memory_space<vmem>>) dst(%dma_wait3A_105 : memref<8192xf32, #tpu.memory_space<vmem_shared>>)
    %mul3A_108 = arith.constant 32768 : i32
    %mul3A_109 = arith.muli %arg1, %mul3A_108 : i32
    %add3A_110 = arith.constant 8192 : i32
    %add3A_111 = arith.addi %mul3A_109, %add3A_110 : i32
    %dma_wait3A_112 = arith.constant 0 : i32
    %dma_wait3A_113 = tpu.memref_slice %arg12[%dma_wait3A_112] : memref<65536xf32, #tpu.memory_space<vmem>> -> memref<8192xf32, #tpu.memory_space<vmem>>
    %dma_wait3A_114 = tpu.memref_slice %arg15[%add3A_111] : memref<524288xf32, #tpu.memory_space<vmem_shared>> -> memref<8192xf32, #tpu.memory_space<vmem_shared>>
    %dma_wait3A_115 = tpu.memref_slice %arg15[%add3A_111] : memref<524288xf32, #tpu.memory_space<vmem_shared>> -> memref<8192xf32, #tpu.memory_space<vmem_shared>>
    %dma_wait3A_116 = arith.constant 0 : i32
    %dma_wait3A_117 = tpu.memref_slice %arg12[%dma_wait3A_116] : memref<65536xf32, #tpu.memory_space<vmem>> -> memref<8192xf32, #tpu.memory_space<vmem>>
    tpu.wait_dma2 semaphore(%arg23 : memref<!tpu.dma_semaphore, #tpu.memory_space<semaphore_mem>>) src(%dma_wait3A_117 : memref<8192xf32, #tpu.memory_space<vmem>>) dst(%dma_wait3A_115 : memref<8192xf32, #tpu.memory_space<vmem_shared>>)
    %mul3A_118 = arith.constant 32768 : i32
    %mul3A_119 = arith.muli %arg1, %mul3A_118 : i32
    %add3A_120 = arith.constant 16384 : i32
    %add3A_121 = arith.addi %mul3A_119, %add3A_120 : i32
    %dma_wait3A_122 = arith.constant 0 : i32
    %dma_wait3A_123 = tpu.memref_slice %arg12[%dma_wait3A_122] : memref<65536xf32, #tpu.memory_space<vmem>> -> memref<8192xf32, #tpu.memory_space<vmem>>
    %dma_wait3A_124 = tpu.memref_slice %arg15[%add3A_121] : memref<524288xf32, #tpu.memory_space<vmem_shared>> -> memref<8192xf32, #tpu.memory_space<vmem_shared>>
    %dma_wait3A_125 = tpu.memref_slice %arg15[%add3A_121] : memref<524288xf32, #tpu.memory_space<vmem_shared>> -> memref<8192xf32, #tpu.memory_space<vmem_shared>>
    %dma_wait3A_126 = arith.constant 0 : i32
    %dma_wait3A_127 = tpu.memref_slice %arg12[%dma_wait3A_126] : memref<65536xf32, #tpu.memory_space<vmem>> -> memref<8192xf32, #tpu.memory_space<vmem>>
    tpu.wait_dma2 semaphore(%arg23 : memref<!tpu.dma_semaphore, #tpu.memory_space<semaphore_mem>>) src(%dma_wait3A_127 : memref<8192xf32, #tpu.memory_space<vmem>>) dst(%dma_wait3A_125 : memref<8192xf32, #tpu.memory_space<vmem_shared>>)
    %mul3A_128 = arith.constant 32768 : i32
    %mul3A_129 = arith.muli %arg1, %mul3A_128 : i32
    %add3A_130 = arith.constant 24576 : i32
    %add3A_131 = arith.addi %mul3A_129, %add3A_130 : i32
    %dma_wait3A_132 = arith.constant 0 : i32
    %dma_wait3A_133 = tpu.memref_slice %arg12[%dma_wait3A_132] : memref<65536xf32, #tpu.memory_space<vmem>> -> memref<8192xf32, #tpu.memory_space<vmem>>
    %dma_wait3A_134 = tpu.memref_slice %arg15[%add3A_131] : memref<524288xf32, #tpu.memory_space<vmem_shared>> -> memref<8192xf32, #tpu.memory_space<vmem_shared>>
    %dma_wait3A_135 = tpu.memref_slice %arg15[%add3A_131] : memref<524288xf32, #tpu.memory_space<vmem_shared>> -> memref<8192xf32, #tpu.memory_space<vmem_shared>>
    %dma_wait3A_136 = arith.constant 0 : i32
    %dma_wait3A_137 = tpu.memref_slice %arg12[%dma_wait3A_136] : memref<65536xf32, #tpu.memory_space<vmem>> -> memref<8192xf32, #tpu.memory_space<vmem>>
    tpu.wait_dma2 semaphore(%arg23 : memref<!tpu.dma_semaphore, #tpu.memory_space<semaphore_mem>>) src(%dma_wait3A_137 : memref<8192xf32, #tpu.memory_space<vmem>>) dst(%dma_wait3A_135 : memref<8192xf32, #tpu.memory_space<vmem_shared>>)
    "tpu.trace_stop"() : () -> ()
    %barrier3A = arith.constant 0 : index
    tpu.barrier barrier_id(%barrier3A)
    "tpu.trace_start"() <{level = 10 : i32, message = "ph_hist"}> : () -> ()
    %scan3A_138 = arith.constant 0 : i32
    %scan3A_139 = arith.constant 9 : i32
    %scan3A_140 = arith.addi %scan3A_138, %scan3A_139 : i32
    %scan3A_141 = arith.constant 1 : i32
    %scan3A_142 = scf.for %scan3A_153 = %scan3A_138 to %scan3A_140 step %scan3A_141 iter_args(%scan3A_154 = %broadcast_in_dim3A_35) -> (vector<16xf32>)  : i32 {
      %mul3A_155 = arith.constant 2 : i32
      %mul3A_156 = arith.muli %scan3A_153, %mul3A_155 : i32
      %add3A_157 = arith.addi %mul3A_32, %mul3A_156 : i32
      %add3A_158 = arith.constant 1 : i32
      %add3A_159 = arith.addi %add3A_157, %add3A_158 : i32
      %mul3A_160 = arith.constant 147456 : i32
      %mul3A_161 = arith.muli %add3A_30, %mul3A_160 : i32
      %mul3A_162 = arith.constant 4096 : i32
      %mul3A_163 = arith.muli %add3A_159, %mul3A_162 : i32
      %add3A_164 = arith.addi %mul3A_161, %mul3A_163 : i32
      %dma_start3A_165 = tpu.memref_slice %arg2[%add3A_164] : memref<2359296xf32, #tpu.memory_space<hbm>> -> memref<4096xf32, #tpu.memory_space<hbm>>
      %dma_start3A_166 = tpu.memref_slice %arg2[%add3A_164] : memref<2359296xf32, #tpu.memory_space<hbm>> -> memref<4096xf32, #tpu.memory_space<hbm>>
      tpu.enqueue_dma source(%dma_start3A_166 : memref<4096xf32, #tpu.memory_space<hbm>>) target(%arg6 : memref<4096xf32, #tpu.memory_space<vmem>>) target_semaphore(%arg19 : memref<!tpu.dma_semaphore, #tpu.memory_space<semaphore_mem>>)
      %dma_start3A_167 = tpu.memref_slice %arg3[%add3A_164] : memref<2359296xi32, #tpu.memory_space<hbm>> -> memref<4096xi32, #tpu.memory_space<hbm>>
      %dma_start3A_168 = tpu.memref_slice %arg3[%add3A_164] : memref<2359296xi32, #tpu.memory_space<hbm>> -> memref<4096xi32, #tpu.memory_space<hbm>>
      tpu.enqueue_dma source(%dma_start3A_168 : memref<4096xi32, #tpu.memory_space<hbm>>) target(%arg8 : memref<4096xi32, #tpu.memory_space<vmem>>) target_semaphore(%arg20 : memref<!tpu.dma_semaphore, #tpu.memory_space<semaphore_mem>>)
      %mul3A_169 = arith.constant 147456 : i32
      %mul3A_170 = arith.muli %add3A_30, %mul3A_169 : i32
      %mul3A_171 = arith.constant 4096 : i32
      %mul3A_172 = arith.muli %add3A_157, %mul3A_171 : i32
      %add3A_173 = arith.addi %mul3A_170, %mul3A_172 : i32
      %dma_wait3A_174 = tpu.memref_slice %arg2[%add3A_173] : memref<2359296xf32, #tpu.memory_space<hbm>> -> memref<4096xf32, #tpu.memory_space<hbm>>
      %dma_wait3A_175 = tpu.memref_slice %arg2[%add3A_173] : memref<2359296xf32, #tpu.memory_space<hbm>> -> memref<4096xf32, #tpu.memory_space<hbm>>
      tpu.wait_dma2 semaphore(%arg17 : memref<!tpu.dma_semaphore, #tpu.memory_space<semaphore_mem>>) src(%dma_wait3A_175 : memref<4096xf32, #tpu.memory_space<hbm>>) dst(%arg5 : memref<4096xf32, #tpu.memory_space<vmem>>)
      %dma_wait3A_176 = tpu.memref_slice %arg3[%add3A_173] : memref<2359296xi32, #tpu.memory_space<hbm>> -> memref<4096xi32, #tpu.memory_space<hbm>>
      %dma_wait3A_177 = tpu.memref_slice %arg3[%add3A_173] : memref<2359296xi32, #tpu.memory_space<hbm>> -> memref<4096xi32, #tpu.memory_space<hbm>>
      tpu.wait_dma2 semaphore(%arg18 : memref<!tpu.dma_semaphore, #tpu.memory_space<semaphore_mem>>) src(%dma_wait3A_177 : memref<4096xi32, #tpu.memory_space<hbm>>) dst(%arg7 : memref<4096xi32, #tpu.memory_space<vmem>>)
      %gt3A = arith.constant 0 : i32
      %gt3A_178 = arith.cmpi sgt, %scan3A_153, %gt3A : i32
      %convert_element_type3A_179 = arith.extui %gt3A_178 : i1 to i32
      %cond3A_180 = arith.constant 0 : i32
      %cond3A_181 = arith.cmpi ne, %convert_element_type3A_179, %cond3A_180 : i32
      scf.if %cond3A_181 {
        %dma_wait3A_219 = arith.constant 0 : i32
        %dma_wait3A_220 = tpu.memref_slice %arg15[%dma_wait3A_219] : memref<524288xf32, #tpu.memory_space<vmem_shared>> -> memref<524288xf32, #tpu.memory_space<vmem_shared>>
        tpu.wait_indirect_dma semaphore(%arg21 : memref<!tpu.dma_semaphore, #tpu.memory_space<semaphore_mem>>) src(%arg11 : memref<4096xf32, #tpu.memory_space<vmem>>) dst(%dma_wait3A_220 : memref<524288xf32, #tpu.memory_space<vmem_shared>>)
      } else {
      }
      %scan3A_182 = arith.constant 0 : i32
      %scan3A_183 = arith.constant 32 : i32
      %scan3A_184 = arith.addi %scan3A_182, %scan3A_183 : i32
      %scan3A_185 = arith.constant 1 : i32
      %scan3A_186 = scf.for %scan3A_219 = %scan3A_182 to %scan3A_184 step %scan3A_185 iter_args(%scan3A_220 = %scan3A_154) -> (vector<16xf32>)  : i32 {
        %mul3A_221 = arith.constant 8 : i32
        %mul3A_222 = arith.muli %scan3A_219, %mul3A_221 : i32
        %add3A_223 = arith.constant 0 : i32
        %add3A_224 = arith.addi %mul3A_222, %add3A_223 : i32
        %mul3A_225 = arith.constant 16 : i32
        %mul3A_226 = arith.muli %add3A_224, %mul3A_225 : i32
        %get3A = arith.index_cast %mul3A_226 : i32 to index
        %get3A_227 = tpu.vector_load %arg5[%get3A] {strides = array<i32>} : memref<4096xf32, #tpu.memory_space<vmem>>, vector<16xf32>,
        %get3A_228 = arith.index_cast %mul3A_226 : i32 to index
        %get3A_229 = tpu.vector_load %arg7[%get3A_228] {strides = array<i32>} : memref<4096xi32, #tpu.memory_space<vmem>>, vector<16xi32>,
        %convert_element_type3A_230 = arith.sitofp %get3A_229 : vector<16xi32> to vector<16xf32>
        %add3A_231 = arith.constant 1.000000e+00 : f32
        %add3A_232 = vector.broadcast %add3A_231 : f32 to vector<16xf32>
        %add3A_233 = arith.addf %add3A_232, %get3A_227 : vector<16xf32>
        %mul3A_234 = arith.mulf %get3A_227, %convert_element_type3A_230 : vector<16xf32>
        %mul3A_235 = arith.constant 2.000000e+00 : f32
        %mul3A_236 = vector.broadcast %mul3A_235 : f32 to vector<16xf32>
        %mul3A_237 = arith.mulf %mul3A_236, %mul3A_234 : vector<16xf32>
        %sub3A_238 = arith.subf %add3A_233, %mul3A_237 : vector<16xf32>
        %bitcast3A = vector.bitcast %sub3A_238 : vector<16xf32> to vector<16xi32>
        %shift_right_arithmetic3A = arith.constant 31 : i32
        %shift_right_arithmetic3A_239 = vector.broadcast %shift_right_arithmetic3A : i32 to vector<16xi32>
        %shift_right_arithmetic3A_240 = arith.shrsi %bitcast3A, %shift_right_arithmetic3A_239 : vector<16xi32>
        %bitcast3A_241 = vector.bitcast %shift_right_arithmetic3A_240 : vector<16xi32> to vector<16xi32>
        %or3A = arith.constant -2147483648 : i32
        %or3A_242 = vector.broadcast %or3A : i32 to vector<16xi32>
        %or3A_243 = arith.ori %bitcast3A_241, %or3A_242 : vector<16xi32>
        %bitcast3A_244 = vector.bitcast %bitcast3A : vector<16xi32> to vector<16xi32>
        %xor3A = arith.xori %bitcast3A_244, %or3A_243 : vector<16xi32>
        %add3A_245 = arith.constant 65536 : i32
        %add3A_246 = vector.broadcast %add3A_245 : i32 to vector<16xi32>
        %add3A_247 = arith.addi %xor3A, %add3A_246 : vector<16xi32>
        %shift_right_logical3A = arith.constant 17 : i32
        %shift_right_logical3A_248 = vector.broadcast %shift_right_logical3A : i32 to vector<16xi32>
        %shift_right_logical3A_249 = arith.shrui %add3A_247, %shift_right_logical3A_248 : vector<16xi32>
        %bitcast3A_250 = vector.bitcast %get3A_229 : vector<16xi32> to vector<16xi32>
        %shift_left3A = arith.constant 15 : i32
        %shift_left3A_251 = vector.broadcast %shift_left3A : i32 to vector<16xi32>
        %shift_left3A_252 = arith.shli %bitcast3A_250, %shift_left3A_251 : vector<16xi32>
        %or3A_253 = arith.ori %shift_right_logical3A_249, %shift_left3A_252 : vector<16xi32>
        %bitcast3A_254 = vector.bitcast %or3A_253 : vector<16xi32> to vector<16xi32>
        %add3A_255 = vector.broadcast %mul3A_34 : i32 to vector<16xi32>
        %add3A_256 = arith.addi %bitcast3A_254, %add3A_255 : vector<16xi32>
        %swap3A_257 = arith.index_cast %mul3A_226 : i32 to index
        %swap3A_258 = tpu.vector_load %arg9[%swap3A_257] {strides = array<i32>} : memref<4096xi32, #tpu.memory_space<vmem>>, vector<16xi32>,
        tpu.vector_store %arg9[%swap3A_257], %add3A_256 {strides = array<i32>} : memref<4096xi32, #tpu.memory_space<vmem>>, vector<16xi32>,
        %add3A_259 = arith.addf %scan3A_220, %convert_element_type3A_230 : vector<16xf32>
        %mul3A_260 = arith.constant 8 : i32
        %mul3A_261 = arith.muli %scan3A_219, %mul3A_260 : i32
        %add3A_262 = arith.constant 1 : i32
        %add3A_263 = arith.addi %mul3A_261, %add3A_262 : i32
        %mul3A_264 = arith.constant 16 : i32
        %mul3A_265 = arith.muli %add3A_263, %mul3A_264 : i32
        %get3A_266 = arith.index_cast %mul3A_265 : i32 to index
        %get3A_267 = tpu.vector_load %arg5[%get3A_266] {strides = array<i32>} : memref<4096xf32, #tpu.memory_space<vmem>>, vector<16xf32>,
        %get3A_268 = arith.index_cast %mul3A_265 : i32 to index
        %get3A_269 = tpu.vector_load %arg7[%get3A_268] {strides = array<i32>} : memref<4096xi32, #tpu.memory_space<vmem>>, vector<16xi32>,
        %convert_element_type3A_270 = arith.sitofp %get3A_269 : vector<16xi32> to vector<16xf32>
        %add3A_271 = arith.constant 1.000000e+00 : f32
        %add3A_272 = vector.broadcast %add3A_271 : f32 to vector<16xf32>
        %add3A_273 = arith.addf %add3A_272, %get3A_267 : vector<16xf32>
        %mul3A_274 = arith.mulf %get3A_267, %convert_element_type3A_270 : vector<16xf32>
        %mul3A_275 = arith.constant 2.000000e+00 : f32
        %mul3A_276 = vector.broadcast %mul3A_275 : f32 to vector<16xf32>
        %mul3A_277 = arith.mulf %mul3A_276, %mul3A_274 : vector<16xf32>
        %sub3A_278 = arith.subf %add3A_273, %mul3A_277 : vector<16xf32>
        %bitcast3A_279 = vector.bitcast %sub3A_278 : vector<16xf32> to vector<16xi32>
        %shift_right_arithmetic3A_280 = arith.constant 31 : i32
        %shift_right_arithmetic3A_281 = vector.broadcast %shift_right_arithmetic3A_280 : i32 to vector<16xi32>
        %shift_right_arithmetic3A_282 = arith.shrsi %bitcast3A_279, %shift_right_arithmetic3A_281 : vector<16xi32>
        %bitcast3A_283 = vector.bitcast %shift_right_arithmetic3A_282 : vector<16xi32> to vector<16xi32>
        %or3A_284 = arith.constant -2147483648 : i32
        %or3A_285 = vector.broadcast %or3A_284 : i32 to vector<16xi32>
        %or3A_286 = arith.ori %bitcast3A_283, %or3A_285 : vector<16xi32>
        %bitcast3A_287 = vector.bitcast %bitcast3A_279 : vector<16xi32> to vector<16xi32>
        %xor3A_288 = arith.xori %bitcast3A_287, %or3A_286 : vector<16xi32>
        %add3A_289 = arith.constant 65536 : i32
        %add3A_290 = vector.broadcast %add3A_289 : i32 to vector<16xi32>
        %add3A_291 = arith.addi %xor3A_288, %add3A_290 : vector<16xi32>
        %shift_right_logical3A_292 = arith.constant 17 : i32
        %shift_right_logical3A_293 = vector.broadcast %shift_right_logical3A_292 : i32 to vector<16xi32>
        %shift_right_logical3A_294 = arith.shrui %add3A_291, %shift_right_logical3A_293 : vector<16xi32>
        %bitcast3A_295 = vector.bitcast %get3A_269 : vector<16xi32> to vector<16xi32>
        %shift_left3A_296 = arith.constant 15 : i32
        %shift_left3A_297 = vector.broadcast %shift_left3A_296 : i32 to vector<16xi32>
        %shift_left3A_298 = arith.shli %bitcast3A_295, %shift_left3A_297 : vector<16xi32>
        %or3A_299 = arith.ori %shift_right_logical3A_294, %shift_left3A_298 : vector<16xi32>
        %bitcast3A_300 = vector.bitcast %or3A_299 : vector<16xi32> to vector<16xi32>
        %add3A_301 = vector.broadcast %mul3A_34 : i32 to vector<16xi32>
        %add3A_302 = arith.addi %bitcast3A_300, %add3A_301 : vector<16xi32>
        %swap3A_303 = arith.index_cast %mul3A_265 : i32 to index
        %swap3A_304 = tpu.vector_load %arg9[%swap3A_303] {strides = array<i32>} : memref<4096xi32, #tpu.memory_space<vmem>>, vector<16xi32>,
        tpu.vector_store %arg9[%swap3A_303], %add3A_302 {strides = array<i32>} : memref<4096xi32, #tpu.memory_space<vmem>>, vector<16xi32>,
        %add3A_305 = arith.addf %add3A_259, %convert_element_type3A_270 : vector<16xf32>
        %mul3A_306 = arith.constant 8 : i32
        %mul3A_307 = arith.muli %scan3A_219, %mul3A_306 : i32
        %add3A_308 = arith.constant 2 : i32
        %add3A_309 = arith.addi %mul3A_307, %add3A_308 : i32
        %mul3A_310 = arith.constant 16 : i32
        %mul3A_311 = arith.muli %add3A_309, %mul3A_310 : i32
        %get3A_312 = arith.index_cast %mul3A_311 : i32 to index
        %get3A_313 = tpu.vector_load %arg5[%get3A_312] {strides = array<i32>} : memref<4096xf32, #tpu.memory_space<vmem>>, vector<16xf32>,
        %get3A_314 = arith.index_cast %mul3A_311 : i32 to index
        %get3A_315 = tpu.vector_load %arg7[%get3A_314] {strides = array<i32>} : memref<4096xi32, #tpu.memory_space<vmem>>, vector<16xi32>,
        %convert_element_type3A_316 = arith.sitofp %get3A_315 : vector<16xi32> to vector<16xf32>
        %add3A_317 = arith.constant 1.000000e+00 : f32
        %add3A_318 = vector.broadcast %add3A_317 : f32 to vector<16xf32>
        %add3A_319 = arith.addf %add3A_318, %get3A_313 : vector<16xf32>
        %mul3A_320 = arith.mulf %get3A_313, %convert_element_type3A_316 : vector<16xf32>
        %mul3A_321 = arith.constant 2.000000e+00 : f32
        %mul3A_322 = vector.broadcast %mul3A_321 : f32 to vector<16xf32>
        %mul3A_323 = arith.mulf %mul3A_322, %mul3A_320 : vector<16xf32>
        %sub3A_324 = arith.subf %add3A_319, %mul3A_323 : vector<16xf32>
        %bitcast3A_325 = vector.bitcast %sub3A_324 : vector<16xf32> to vector<16xi32>
        %shift_right_arithmetic3A_326 = arith.constant 31 : i32
        %shift_right_arithmetic3A_327 = vector.broadcast %shift_right_arithmetic3A_326 : i32 to vector<16xi32>
        %shift_right_arithmetic3A_328 = arith.shrsi %bitcast3A_325, %shift_right_arithmetic3A_327 : vector<16xi32>
        %bitcast3A_329 = vector.bitcast %shift_right_arithmetic3A_328 : vector<16xi32> to vector<16xi32>
        %or3A_330 = arith.constant -2147483648 : i32
        %or3A_331 = vector.broadcast %or3A_330 : i32 to vector<16xi32>
        %or3A_332 = arith.ori %bitcast3A_329, %or3A_331 : vector<16xi32>
        %bitcast3A_333 = vector.bitcast %bitcast3A_325 : vector<16xi32> to vector<16xi32>
        %xor3A_334 = arith.xori %bitcast3A_333, %or3A_332 : vector<16xi32>
        %add3A_335 = arith.constant 65536 : i32
        %add3A_336 = vector.broadcast %add3A_335 : i32 to vector<16xi32>
        %add3A_337 = arith.addi %xor3A_334, %add3A_336 : vector<16xi32>
        %shift_right_logical3A_338 = arith.constant 17 : i32
        %shift_right_logical3A_339 = vector.broadcast %shift_right_logical3A_338 : i32 to vector<16xi32>
        %shift_right_logical3A_340 = arith.shrui %add3A_337, %shift_right_logical3A_339 : vector<16xi32>
        %bitcast3A_341 = vector.bitcast %get3A_315 : vector<16xi32> to vector<16xi32>
        %shift_left3A_342 = arith.constant 15 : i32
        %shift_left3A_343 = vector.broadcast %shift_left3A_342 : i32 to vector<16xi32>
        %shift_left3A_344 = arith.shli %bitcast3A_341, %shift_left3A_343 : vector<16xi32>
        %or3A_345 = arith.ori %shift_right_logical3A_340, %shift_left3A_344 : vector<16xi32>
        %bitcast3A_346 = vector.bitcast %or3A_345 : vector<16xi32> to vector<16xi32>
        %add3A_347 = vector.broadcast %mul3A_34 : i32 to vector<16xi32>
        %add3A_348 = arith.addi %bitcast3A_346, %add3A_347 : vector<16xi32>
        %swap3A_349 = arith.index_cast %mul3A_311 : i32 to index
        %swap3A_350 = tpu.vector_load %arg9[%swap3A_349] {strides = array<i32>} : memref<4096xi32, #tpu.memory_space<vmem>>, vector<16xi32>,
        tpu.vector_store %arg9[%swap3A_349], %add3A_348 {strides = array<i32>} : memref<4096xi32, #tpu.memory_space<vmem>>, vector<16xi32>,
        %add3A_351 = arith.addf %add3A_305, %convert_element_type3A_316 : vector<16xf32>
        %mul3A_352 = arith.constant 8 : i32
        %mul3A_353 = arith.muli %scan3A_219, %mul3A_352 : i32
        %add3A_354 = arith.constant 3 : i32
        %add3A_355 = arith.addi %mul3A_353, %add3A_354 : i32
        %mul3A_356 = arith.constant 16 : i32
        %mul3A_357 = arith.muli %add3A_355, %mul3A_356 : i32
        %get3A_358 = arith.index_cast %mul3A_357 : i32 to index
        %get3A_359 = tpu.vector_load %arg5[%get3A_358] {strides = array<i32>} : memref<4096xf32, #tpu.memory_space<vmem>>, vector<16xf32>,
        %get3A_360 = arith.index_cast %mul3A_357 : i32 to index
        %get3A_361 = tpu.vector_load %arg7[%get3A_360] {strides = array<i32>} : memref<4096xi32, #tpu.memory_space<vmem>>, vector<16xi32>,
        %convert_element_type3A_362 = arith.sitofp %get3A_361 : vector<16xi32> to vector<16xf32>
        %add3A_363 = arith.constant 1.000000e+00 : f32
        %add3A_364 = vector.broadcast %add3A_363 : f32 to vector<16xf32>
        %add3A_365 = arith.addf %add3A_364, %get3A_359 : vector<16xf32>
        %mul3A_366 = arith.mulf %get3A_359, %convert_element_type3A_362 : vector<16xf32>
        %mul3A_367 = arith.constant 2.000000e+00 : f32
        %mul3A_368 = vector.broadcast %mul3A_367 : f32 to vector<16xf32>
        %mul3A_369 = arith.mulf %mul3A_368, %mul3A_366 : vector<16xf32>
        %sub3A_370 = arith.subf %add3A_365, %mul3A_369 : vector<16xf32>
        %bitcast3A_371 = vector.bitcast %sub3A_370 : vector<16xf32> to vector<16xi32>
        %shift_right_arithmetic3A_372 = arith.constant 31 : i32
        %shift_right_arithmetic3A_373 = vector.broadcast %shift_right_arithmetic3A_372 : i32 to vector<16xi32>
        %shift_right_arithmetic3A_374 = arith.shrsi %bitcast3A_371, %shift_right_arithmetic3A_373 : vector<16xi32>
        %bitcast3A_375 = vector.bitcast %shift_right_arithmetic3A_374 : vector<16xi32> to vector<16xi32>
        %or3A_376 = arith.constant -2147483648 : i32
        %or3A_377 = vector.broadcast %or3A_376 : i32 to vector<16xi32>
        %or3A_378 = arith.ori %bitcast3A_375, %or3A_377 : vector<16xi32>
        %bitcast3A_379 = vector.bitcast %bitcast3A_371 : vector<16xi32> to vector<16xi32>
        %xor3A_380 = arith.xori %bitcast3A_379, %or3A_378 : vector<16xi32>
        %add3A_381 = arith.constant 65536 : i32
        %add3A_382 = vector.broadcast %add3A_381 : i32 to vector<16xi32>
        %add3A_383 = arith.addi %xor3A_380, %add3A_382 : vector<16xi32>
        %shift_right_logical3A_384 = arith.constant 17 : i32
        %shift_right_logical3A_385 = vector.broadcast %shift_right_logical3A_384 : i32 to vector<16xi32>
        %shift_right_logical3A_386 = arith.shrui %add3A_383, %shift_right_logical3A_385 : vector<16xi32>
        %bitcast3A_387 = vector.bitcast %get3A_361 : vector<16xi32> to vector<16xi32>
        %shift_left3A_388 = arith.constant 15 : i32
        %shift_left3A_389 = vector.broadcast %shift_left3A_388 : i32 to vector<16xi32>
        %shift_left3A_390 = arith.shli %bitcast3A_387, %shift_left3A_389 : vector<16xi32>
        %or3A_391 = arith.ori %shift_right_logical3A_386, %shift_left3A_390 : vector<16xi32>
        %bitcast3A_392 = vector.bitcast %or3A_391 : vector<16xi32> to vector<16xi32>
        %add3A_393 = vector.broadcast %mul3A_34 : i32 to vector<16xi32>
        %add3A_394 = arith.addi %bitcast3A_392, %add3A_393 : vector<16xi32>
        %swap3A_395 = arith.index_cast %mul3A_357 : i32 to index
        %swap3A_396 = tpu.vector_load %arg9[%swap3A_395] {strides = array<i32>} : memref<4096xi32, #tpu.memory_space<vmem>>, vector<16xi32>,
        tpu.vector_store %arg9[%swap3A_395], %add3A_394 {strides = array<i32>} : memref<4096xi32, #tpu.memory_space<vmem>>, vector<16xi32>,
        %add3A_397 = arith.addf %add3A_351, %convert_element_type3A_362 : vector<16xf32>
        %mul3A_398 = arith.constant 8 : i32
        %mul3A_399 = arith.muli %scan3A_219, %mul3A_398 : i32
        %add3A_400 = arith.constant 4 : i32
        %add3A_401 = arith.addi %mul3A_399, %add3A_400 : i32
        %mul3A_402 = arith.constant 16 : i32
        %mul3A_403 = arith.muli %add3A_401, %mul3A_402 : i32
        %get3A_404 = arith.index_cast %mul3A_403 : i32 to index
        %get3A_405 = tpu.vector_load %arg5[%get3A_404] {strides = array<i32>} : memref<4096xf32, #tpu.memory_space<vmem>>, vector<16xf32>,
        %get3A_406 = arith.index_cast %mul3A_403 : i32 to index
        %get3A_407 = tpu.vector_load %arg7[%get3A_406] {strides = array<i32>} : memref<4096xi32, #tpu.memory_space<vmem>>, vector<16xi32>,
        %convert_element_type3A_408 = arith.sitofp %get3A_407 : vector<16xi32> to vector<16xf32>
        %add3A_409 = arith.constant 1.000000e+00 : f32
        %add3A_410 = vector.broadcast %add3A_409 : f32 to vector<16xf32>
        %add3A_411 = arith.addf %add3A_410, %get3A_405 : vector<16xf32>
        %mul3A_412 = arith.mulf %get3A_405, %convert_element_type3A_408 : vector<16xf32>
        %mul3A_413 = arith.constant 2.000000e+00 : f32
        %mul3A_414 = vector.broadcast %mul3A_413 : f32 to vector<16xf32>
        %mul3A_415 = arith.mulf %mul3A_414, %mul3A_412 : vector<16xf32>
        %sub3A_416 = arith.subf %add3A_411, %mul3A_415 : vector<16xf32>
        %bitcast3A_417 = vector.bitcast %sub3A_416 : vector<16xf32> to vector<16xi32>
        %shift_right_arithmetic3A_418 = arith.constant 31 : i32
        %shift_right_arithmetic3A_419 = vector.broadcast %shift_right_arithmetic3A_418 : i32 to vector<16xi32>
        %shift_right_arithmetic3A_420 = arith.shrsi %bitcast3A_417, %shift_right_arithmetic3A_419 : vector<16xi32>
        %bitcast3A_421 = vector.bitcast %shift_right_arithmetic3A_420 : vector<16xi32> to vector<16xi32>
        %or3A_422 = arith.constant -2147483648 : i32
        %or3A_423 = vector.broadcast %or3A_422 : i32 to vector<16xi32>
        %or3A_424 = arith.ori %bitcast3A_421, %or3A_423 : vector<16xi32>
        %bitcast3A_425 = vector.bitcast %bitcast3A_417 : vector<16xi32> to vector<16xi32>
        %xor3A_426 = arith.xori %bitcast3A_425, %or3A_424 : vector<16xi32>
        %add3A_427 = arith.constant 65536 : i32
        %add3A_428 = vector.broadcast %add3A_427 : i32 to vector<16xi32>
        %add3A_429 = arith.addi %xor3A_426, %add3A_428 : vector<16xi32>
        %shift_right_logical3A_430 = arith.constant 17 : i32
        %shift_right_logical3A_431 = vector.broadcast %shift_right_logical3A_430 : i32 to vector<16xi32>
        %shift_right_logical3A_432 = arith.shrui %add3A_429, %shift_right_logical3A_431 : vector<16xi32>
        %bitcast3A_433 = vector.bitcast %get3A_407 : vector<16xi32> to vector<16xi32>
        %shift_left3A_434 = arith.constant 15 : i32
        %shift_left3A_435 = vector.broadcast %shift_left3A_434 : i32 to vector<16xi32>
        %shift_left3A_436 = arith.shli %bitcast3A_433, %shift_left3A_435 : vector<16xi32>
        %or3A_437 = arith.ori %shift_right_logical3A_432, %shift_left3A_436 : vector<16xi32>
        %bitcast3A_438 = vector.bitcast %or3A_437 : vector<16xi32> to vector<16xi32>
        %add3A_439 = vector.broadcast %mul3A_34 : i32 to vector<16xi32>
        %add3A_440 = arith.addi %bitcast3A_438, %add3A_439 : vector<16xi32>
        %swap3A_441 = arith.index_cast %mul3A_403 : i32 to index
        %swap3A_442 = tpu.vector_load %arg9[%swap3A_441] {strides = array<i32>} : memref<4096xi32, #tpu.memory_space<vmem>>, vector<16xi32>,
        tpu.vector_store %arg9[%swap3A_441], %add3A_440 {strides = array<i32>} : memref<4096xi32, #tpu.memory_space<vmem>>, vector<16xi32>,
        %add3A_443 = arith.addf %add3A_397, %convert_element_type3A_408 : vector<16xf32>
        %mul3A_444 = arith.constant 8 : i32
        %mul3A_445 = arith.muli %scan3A_219, %mul3A_444 : i32
        %add3A_446 = arith.constant 5 : i32
        %add3A_447 = arith.addi %mul3A_445, %add3A_446 : i32
        %mul3A_448 = arith.constant 16 : i32
        %mul3A_449 = arith.muli %add3A_447, %mul3A_448 : i32
        %get3A_450 = arith.index_cast %mul3A_449 : i32 to index
        %get3A_451 = tpu.vector_load %arg5[%get3A_450] {strides = array<i32>} : memref<4096xf32, #tpu.memory_space<vmem>>, vector<16xf32>,
        %get3A_452 = arith.index_cast %mul3A_449 : i32 to index
        %get3A_453 = tpu.vector_load %arg7[%get3A_452] {strides = array<i32>} : memref<4096xi32, #tpu.memory_space<vmem>>, vector<16xi32>,
        %convert_element_type3A_454 = arith.sitofp %get3A_453 : vector<16xi32> to vector<16xf32>
        %add3A_455 = arith.constant 1.000000e+00 : f32
        %add3A_456 = vector.broadcast %add3A_455 : f32 to vector<16xf32>
        %add3A_457 = arith.addf %add3A_456, %get3A_451 : vector<16xf32>
        %mul3A_458 = arith.mulf %get3A_451, %convert_element_type3A_454 : vector<16xf32>
        %mul3A_459 = arith.constant 2.000000e+00 : f32
        %mul3A_460 = vector.broadcast %mul3A_459 : f32 to vector<16xf32>
        %mul3A_461 = arith.mulf %mul3A_460, %mul3A_458 : vector<16xf32>
        %sub3A_462 = arith.subf %add3A_457, %mul3A_461 : vector<16xf32>
        %bitcast3A_463 = vector.bitcast %sub3A_462 : vector<16xf32> to vector<16xi32>
        %shift_right_arithmetic3A_464 = arith.constant 31 : i32
        %shift_right_arithmetic3A_465 = vector.broadcast %shift_right_arithmetic3A_464 : i32 to vector<16xi32>
        %shift_right_arithmetic3A_466 = arith.shrsi %bitcast3A_463, %shift_right_arithmetic3A_465 : vector<16xi32>
        %bitcast3A_467 = vector.bitcast %shift_right_arithmetic3A_466 : vector<16xi32> to vector<16xi32>
        %or3A_468 = arith.constant -2147483648 : i32
        %or3A_469 = vector.broadcast %or3A_468 : i32 to vector<16xi32>
        %or3A_470 = arith.ori %bitcast3A_467, %or3A_469 : vector<16xi32>
        %bitcast3A_471 = vector.bitcast %bitcast3A_463 : vector<16xi32> to vector<16xi32>
        %xor3A_472 = arith.xori %bitcast3A_471, %or3A_470 : vector<16xi32>
        %add3A_473 = arith.constant 65536 : i32
        %add3A_474 = vector.broadcast %add3A_473 : i32 to vector<16xi32>
        %add3A_475 = arith.addi %xor3A_472, %add3A_474 : vector<16xi32>
        %shift_right_logical3A_476 = arith.constant 17 : i32
        %shift_right_logical3A_477 = vector.broadcast %shift_right_logical3A_476 : i32 to vector<16xi32>
        %shift_right_logical3A_478 = arith.shrui %add3A_475, %shift_right_logical3A_477 : vector<16xi32>
        %bitcast3A_479 = vector.bitcast %get3A_453 : vector<16xi32> to vector<16xi32>
        %shift_left3A_480 = arith.constant 15 : i32
        %shift_left3A_481 = vector.broadcast %shift_left3A_480 : i32 to vector<16xi32>
        %shift_left3A_482 = arith.shli %bitcast3A_479, %shift_left3A_481 : vector<16xi32>
        %or3A_483 = arith.ori %shift_right_logical3A_478, %shift_left3A_482 : vector<16xi32>
        %bitcast3A_484 = vector.bitcast %or3A_483 : vector<16xi32> to vector<16xi32>
        %add3A_485 = vector.broadcast %mul3A_34 : i32 to vector<16xi32>
        %add3A_486 = arith.addi %bitcast3A_484, %add3A_485 : vector<16xi32>
        %swap3A_487 = arith.index_cast %mul3A_449 : i32 to index
        %swap3A_488 = tpu.vector_load %arg9[%swap3A_487] {strides = array<i32>} : memref<4096xi32, #tpu.memory_space<vmem>>, vector<16xi32>,
        tpu.vector_store %arg9[%swap3A_487], %add3A_486 {strides = array<i32>} : memref<4096xi32, #tpu.memory_space<vmem>>, vector<16xi32>,
        %add3A_489 = arith.addf %add3A_443, %convert_element_type3A_454 : vector<16xf32>
        %mul3A_490 = arith.constant 8 : i32
        %mul3A_491 = arith.muli %scan3A_219, %mul3A_490 : i32
        %add3A_492 = arith.constant 6 : i32
        %add3A_493 = arith.addi %mul3A_491, %add3A_492 : i32
        %mul3A_494 = arith.constant 16 : i32
        %mul3A_495 = arith.muli %add3A_493, %mul3A_494 : i32
        %get3A_496 = arith.index_cast %mul3A_495 : i32 to index
        %get3A_497 = tpu.vector_load %arg5[%get3A_496] {strides = array<i32>} : memref<4096xf32, #tpu.memory_space<vmem>>, vector<16xf32>,
        %get3A_498 = arith.index_cast %mul3A_495 : i32 to index
        %get3A_499 = tpu.vector_load %arg7[%get3A_498] {strides = array<i32>} : memref<4096xi32, #tpu.memory_space<vmem>>, vector<16xi32>,
        %convert_element_type3A_500 = arith.sitofp %get3A_499 : vector<16xi32> to vector<16xf32>
        %add3A_501 = arith.constant 1.000000e+00 : f32
        %add3A_502 = vector.broadcast %add3A_501 : f32 to vector<16xf32>
        %add3A_503 = arith.addf %add3A_502, %get3A_497 : vector<16xf32>
        %mul3A_504 = arith.mulf %get3A_497, %convert_element_type3A_500 : vector<16xf32>
        %mul3A_505 = arith.constant 2.000000e+00 : f32
        %mul3A_506 = vector.broadcast %mul3A_505 : f32 to vector<16xf32>
        %mul3A_507 = arith.mulf %mul3A_506, %mul3A_504 : vector<16xf32>
        %sub3A_508 = arith.subf %add3A_503, %mul3A_507 : vector<16xf32>
        %bitcast3A_509 = vector.bitcast %sub3A_508 : vector<16xf32> to vector<16xi32>
        %shift_right_arithmetic3A_510 = arith.constant 31 : i32
        %shift_right_arithmetic3A_511 = vector.broadcast %shift_right_arithmetic3A_510 : i32 to vector<16xi32>
        %shift_right_arithmetic3A_512 = arith.shrsi %bitcast3A_509, %shift_right_arithmetic3A_511 : vector<16xi32>
        %bitcast3A_513 = vector.bitcast %shift_right_arithmetic3A_512 : vector<16xi32> to vector<16xi32>
        %or3A_514 = arith.constant -2147483648 : i32
        %or3A_515 = vector.broadcast %or3A_514 : i32 to vector<16xi32>
        %or3A_516 = arith.ori %bitcast3A_513, %or3A_515 : vector<16xi32>
        %bitcast3A_517 = vector.bitcast %bitcast3A_509 : vector<16xi32> to vector<16xi32>
        %xor3A_518 = arith.xori %bitcast3A_517, %or3A_516 : vector<16xi32>
        %add3A_519 = arith.constant 65536 : i32
        %add3A_520 = vector.broadcast %add3A_519 : i32 to vector<16xi32>
        %add3A_521 = arith.addi %xor3A_518, %add3A_520 : vector<16xi32>
        %shift_right_logical3A_522 = arith.constant 17 : i32
        %shift_right_logical3A_523 = vector.broadcast %shift_right_logical3A_522 : i32 to vector<16xi32>
        %shift_right_logical3A_524 = arith.shrui %add3A_521, %shift_right_logical3A_523 : vector<16xi32>
        %bitcast3A_525 = vector.bitcast %get3A_499 : vector<16xi32> to vector<16xi32>
        %shift_left3A_526 = arith.constant 15 : i32
        %shift_left3A_527 = vector.broadcast %shift_left3A_526 : i32 to vector<16xi32>
        %shift_left3A_528 = arith.shli %bitcast3A_525, %shift_left3A_527 : vector<16xi32>
        %or3A_529 = arith.ori %shift_right_logical3A_524, %shift_left3A_528 : vector<16xi32>
        %bitcast3A_530 = vector.bitcast %or3A_529 : vector<16xi32> to vector<16xi32>
        %add3A_531 = vector.broadcast %mul3A_34 : i32 to vector<16xi32>
        %add3A_532 = arith.addi %bitcast3A_530, %add3A_531 : vector<16xi32>
        %swap3A_533 = arith.index_cast %mul3A_495 : i32 to index
        %swap3A_534 = tpu.vector_load %arg9[%swap3A_533] {strides = array<i32>} : memref<4096xi32, #tpu.memory_space<vmem>>, vector<16xi32>,
        tpu.vector_store %arg9[%swap3A_533], %add3A_532 {strides = array<i32>} : memref<4096xi32, #tpu.memory_space<vmem>>, vector<16xi32>,
        %add3A_535 = arith.addf %add3A_489, %convert_element_type3A_500 : vector<16xf32>
        %mul3A_536 = arith.constant 8 : i32
        %mul3A_537 = arith.muli %scan3A_219, %mul3A_536 : i32
        %add3A_538 = arith.constant 7 : i32
        %add3A_539 = arith.addi %mul3A_537, %add3A_538 : i32
        %mul3A_540 = arith.constant 16 : i32
        %mul3A_541 = arith.muli %add3A_539, %mul3A_540 : i32
        %get3A_542 = arith.index_cast %mul3A_541 : i32 to index
        %get3A_543 = tpu.vector_load %arg5[%get3A_542] {strides = array<i32>} : memref<4096xf32, #tpu.memory_space<vmem>>, vector<16xf32>,
        %get3A_544 = arith.index_cast %mul3A_541 : i32 to index
        %get3A_545 = tpu.vector_load %arg7[%get3A_544] {strides = array<i32>} : memref<4096xi32, #tpu.memory_space<vmem>>, vector<16xi32>,
        %convert_element_type3A_546 = arith.sitofp %get3A_545 : vector<16xi32> to vector<16xf32>
        %add3A_547 = arith.constant 1.000000e+00 : f32
        %add3A_548 = vector.broadcast %add3A_547 : f32 to vector<16xf32>
        %add3A_549 = arith.addf %add3A_548, %get3A_543 : vector<16xf32>
        %mul3A_550 = arith.mulf %get3A_543, %convert_element_type3A_546 : vector<16xf32>
        %mul3A_551 = arith.constant 2.000000e+00 : f32
        %mul3A_552 = vector.broadcast %mul3A_551 : f32 to vector<16xf32>
        %mul3A_553 = arith.mulf %mul3A_552, %mul3A_550 : vector<16xf32>
        %sub3A_554 = arith.subf %add3A_549, %mul3A_553 : vector<16xf32>
        %bitcast3A_555 = vector.bitcast %sub3A_554 : vector<16xf32> to vector<16xi32>
        %shift_right_arithmetic3A_556 = arith.constant 31 : i32
        %shift_right_arithmetic3A_557 = vector.broadcast %shift_right_arithmetic3A_556 : i32 to vector<16xi32>
        %shift_right_arithmetic3A_558 = arith.shrsi %bitcast3A_555, %shift_right_arithmetic3A_557 : vector<16xi32>
        %bitcast3A_559 = vector.bitcast %shift_right_arithmetic3A_558 : vector<16xi32> to vector<16xi32>
        %or3A_560 = arith.constant -2147483648 : i32
        %or3A_561 = vector.broadcast %or3A_560 : i32 to vector<16xi32>
        %or3A_562 = arith.ori %bitcast3A_559, %or3A_561 : vector<16xi32>
        %bitcast3A_563 = vector.bitcast %bitcast3A_555 : vector<16xi32> to vector<16xi32>
        %xor3A_564 = arith.xori %bitcast3A_563, %or3A_562 : vector<16xi32>
        %add3A_565 = arith.constant 65536 : i32
        %add3A_566 = vector.broadcast %add3A_565 : i32 to vector<16xi32>
        %add3A_567 = arith.addi %xor3A_564, %add3A_566 : vector<16xi32>
        %shift_right_logical3A_568 = arith.constant 17 : i32
        %shift_right_logical3A_569 = vector.broadcast %shift_right_logical3A_568 : i32 to vector<16xi32>
        %shift_right_logical3A_570 = arith.shrui %add3A_567, %shift_right_logical3A_569 : vector<16xi32>
        %bitcast3A_571 = vector.bitcast %get3A_545 : vector<16xi32> to vector<16xi32>
        %shift_left3A_572 = arith.constant 15 : i32
        %shift_left3A_573 = vector.broadcast %shift_left3A_572 : i32 to vector<16xi32>
        %shift_left3A_574 = arith.shli %bitcast3A_571, %shift_left3A_573 : vector<16xi32>
        %or3A_575 = arith.ori %shift_right_logical3A_570, %shift_left3A_574 : vector<16xi32>
        %bitcast3A_576 = vector.bitcast %or3A_575 : vector<16xi32> to vector<16xi32>
        %add3A_577 = vector.broadcast %mul3A_34 : i32 to vector<16xi32>
        %add3A_578 = arith.addi %bitcast3A_576, %add3A_577 : vector<16xi32>
        %swap3A_579 = arith.index_cast %mul3A_541 : i32 to index
        %swap3A_580 = tpu.vector_load %arg9[%swap3A_579] {strides = array<i32>} : memref<4096xi32, #tpu.memory_space<vmem>>, vector<16xi32>,
        tpu.vector_store %arg9[%swap3A_579], %add3A_578 {strides = array<i32>} : memref<4096xi32, #tpu.memory_space<vmem>>, vector<16xi32>,
        %add3A_581 = arith.addf %add3A_535, %convert_element_type3A_546 : vector<16xf32>
        scf.yield %add3A_581 : vector<16xf32>
      }
      %scan3A_187 = arith.constant 32 : i32
      %dma_start3A_188 = arith.constant 0 : i32
      %dma_start3A_189 = tpu.memref_slice %arg15[%dma_start3A_188] : memref<524288xf32, #tpu.memory_space<vmem_shared>> -> memref<524288xf32, #tpu.memory_space<vmem_shared>>
      tpu.enqueue_indirect_dma source(%arg11 : memref<4096xf32, #tpu.memory_space<vmem>>) target(%dma_start3A_189 : memref<524288xf32, #tpu.memory_space<vmem_shared>>) offsets(%arg9 : memref<4096xi32, #tpu.memory_space<vmem>>) semaphore(%arg21 : memref<!tpu.dma_semaphore, #tpu.memory_space<semaphore_mem>>) {add = true}
      %lt3A_190 = arith.constant 8 : i32
      %lt3A_191 = arith.cmpi slt, %scan3A_153, %lt3A_190 : i32
      %convert_element_type3A_192 = arith.extui %lt3A_191 : i1 to i32
      %cond3A_193 = arith.constant 0 : i32
      %cond3A_194 = arith.cmpi ne, %convert_element_type3A_192, %cond3A_193 : i32
      scf.if %cond3A_194 {
        %add3A_219 = arith.constant 2 : i32
        %add3A_220 = arith.addi %add3A_157, %add3A_219 : i32
        %mul3A_221 = arith.constant 147456 : i32
        %mul3A_222 = arith.muli %add3A_30, %mul3A_221 : i32
        %mul3A_223 = arith.constant 4096 : i32
        %mul3A_224 = arith.muli %add3A_220, %mul3A_223 : i32
        %add3A_225 = arith.addi %mul3A_222, %mul3A_224 : i32
        %dma_start3A_226 = tpu.memref_slice %arg2[%add3A_225] : memref<2359296xf32, #tpu.memory_space<hbm>> -> memref<4096xf32, #tpu.memory_space<hbm>>
        %dma_start3A_227 = tpu.memref_slice %arg2[%add3A_225] : memref<2359296xf32, #tpu.memory_space<hbm>> -> memref<4096xf32, #tpu.memory_space<hbm>>
        tpu.enqueue_dma source(%dma_start3A_227 : memref<4096xf32, #tpu.memory_space<hbm>>) target(%arg5 : memref<4096xf32, #tpu.memory_space<vmem>>) target_semaphore(%arg17 : memref<!tpu.dma_semaphore, #tpu.memory_space<semaphore_mem>>)
        %dma_start3A_228 = tpu.memref_slice %arg3[%add3A_225] : memref<2359296xi32, #tpu.memory_space<hbm>> -> memref<4096xi32, #tpu.memory_space<hbm>>
        %dma_start3A_229 = tpu.memref_slice %arg3[%add3A_225] : memref<2359296xi32, #tpu.memory_space<hbm>> -> memref<4096xi32, #tpu.memory_space<hbm>>
        tpu.enqueue_dma source(%dma_start3A_229 : memref<4096xi32, #tpu.memory_space<hbm>>) target(%arg7 : memref<4096xi32, #tpu.memory_space<vmem>>) target_semaphore(%arg18 : memref<!tpu.dma_semaphore, #tpu.memory_space<semaphore_mem>>)
      } else {
      }
      %add3A_195 = arith.constant 1 : i32
      %add3A_196 = arith.addi %add3A_157, %add3A_195 : i32
      %mul3A_197 = arith.constant 147456 : i32
      %mul3A_198 = arith.muli %add3A_30, %mul3A_197 : i32
      %mul3A_199 = arith.constant 4096 : i32
      %mul3A_200 = arith.muli %add3A_196, %mul3A_199 : i32
      %add3A_201 = arith.addi %mul3A_198, %mul3A_200 : i32
      %dma_wait3A_202 = tpu.memref_slice %arg2[%add3A_201] : memref<2359296xf32, #tpu.memory_space<hbm>> -> memref<4096xf32, #tpu.memory_space<hbm>>
      %dma_wait3A_203 = tpu.memref_slice %arg2[%add3A_201] : memref<2359296xf32, #tpu.memory_space<hbm>> -> memref<4096xf32, #tpu.memory_space<hbm>>
      tpu.wait_dma2 semaphore(%arg19 : memref<!tpu.dma_semaphore, #tpu.memory_space<semaphore_mem>>) src(%dma_wait3A_203 : memref<4096xf32, #tpu.memory_space<hbm>>) dst(%arg6 : memref<4096xf32, #tpu.memory_space<vmem>>)
      %dma_wait3A_204 = tpu.memref_slice %arg3[%add3A_201] : memref<2359296xi32, #tpu.memory_space<hbm>> -> memref<4096xi32, #tpu.memory_space<hbm>>
      %dma_wait3A_205 = tpu.memref_slice %arg3[%add3A_201] : memref<2359296xi32, #tpu.memory_space<hbm>> -> memref<4096xi32, #tpu.memory_space<hbm>>
      tpu.wait_dma2 semaphore(%arg20 : memref<!tpu.dma_semaphore, #tpu.memory_space<semaphore_mem>>) src(%dma_wait3A_205 : memref<4096xi32, #tpu.memory_space<hbm>>) dst(%arg8 : memref<4096xi32, #tpu.memory_space<vmem>>)
      %gt3A_206 = arith.constant 0 : i32
      %gt3A_207 = arith.cmpi sgt, %scan3A_153, %gt3A_206 : i32
      %convert_element_type3A_208 = arith.extui %gt3A_207 : i1 to i32
      %cond3A_209 = arith.constant 0 : i32
      %cond3A_210 = arith.cmpi ne, %convert_element_type3A_208, %cond3A_209 : i32
      scf.if %cond3A_210 {
        %dma_wait3A_219 = arith.constant 0 : i32
        %dma_wait3A_220 = tpu.memref_slice %arg15[%dma_wait3A_219] : memref<524288xf32, #tpu.memory_space<vmem_shared>> -> memref<524288xf32, #tpu.memory_space<vmem_shared>>
        tpu.wait_indirect_dma semaphore(%arg22 : memref<!tpu.dma_semaphore, #tpu.memory_space<semaphore_mem>>) src(%arg11 : memref<4096xf32, #tpu.memory_space<vmem>>) dst(%dma_wait3A_220 : memref<524288xf32, #tpu.memory_space<vmem_shared>>)
      } else {
      }
      %scan3A_211 = arith.constant 0 : i32
      %scan3A_212 = arith.constant 32 : i32
      %scan3A_213 = arith.addi %scan3A_211, %scan3A_212 : i32
      %scan3A_214 = arith.constant 1 : i32
      %scan3A_215 = scf.for %scan3A_219 = %scan3A_211 to %scan3A_213 step %scan3A_214 iter_args(%scan3A_220 = %scan3A_186) -> (vector<16xf32>)  : i32 {
        %mul3A_221 = arith.constant 8 : i32
        %mul3A_222 = arith.muli %scan3A_219, %mul3A_221 : i32
        %add3A_223 = arith.constant 0 : i32
        %add3A_224 = arith.addi %mul3A_222, %add3A_223 : i32
        %mul3A_225 = arith.constant 16 : i32
        %mul3A_226 = arith.muli %add3A_224, %mul3A_225 : i32
        %get3A = arith.index_cast %mul3A_226 : i32 to index
        %get3A_227 = tpu.vector_load %arg6[%get3A] {strides = array<i32>} : memref<4096xf32, #tpu.memory_space<vmem>>, vector<16xf32>,
        %get3A_228 = arith.index_cast %mul3A_226 : i32 to index
        %get3A_229 = tpu.vector_load %arg8[%get3A_228] {strides = array<i32>} : memref<4096xi32, #tpu.memory_space<vmem>>, vector<16xi32>,
        %convert_element_type3A_230 = arith.sitofp %get3A_229 : vector<16xi32> to vector<16xf32>
        %add3A_231 = arith.constant 1.000000e+00 : f32
        %add3A_232 = vector.broadcast %add3A_231 : f32 to vector<16xf32>
        %add3A_233 = arith.addf %add3A_232, %get3A_227 : vector<16xf32>
        %mul3A_234 = arith.mulf %get3A_227, %convert_element_type3A_230 : vector<16xf32>
        %mul3A_235 = arith.constant 2.000000e+00 : f32
        %mul3A_236 = vector.broadcast %mul3A_235 : f32 to vector<16xf32>
        %mul3A_237 = arith.mulf %mul3A_236, %mul3A_234 : vector<16xf32>
        %sub3A_238 = arith.subf %add3A_233, %mul3A_237 : vector<16xf32>
        %bitcast3A = vector.bitcast %sub3A_238 : vector<16xf32> to vector<16xi32>
        %shift_right_arithmetic3A = arith.constant 31 : i32
        %shift_right_arithmetic3A_239 = vector.broadcast %shift_right_arithmetic3A : i32 to vector<16xi32>
        %shift_right_arithmetic3A_240 = arith.shrsi %bitcast3A, %shift_right_arithmetic3A_239 : vector<16xi32>
        %bitcast3A_241 = vector.bitcast %shift_right_arithmetic3A_240 : vector<16xi32> to vector<16xi32>
        %or3A = arith.constant -2147483648 : i32
        %or3A_242 = vector.broadcast %or3A : i32 to vector<16xi32>
        %or3A_243 = arith.ori %bitcast3A_241, %or3A_242 : vector<16xi32>
        %bitcast3A_244 = vector.bitcast %bitcast3A : vector<16xi32> to vector<16xi32>
        %xor3A = arith.xori %bitcast3A_244, %or3A_243 : vector<16xi32>
        %add3A_245 = arith.constant 65536 : i32
        %add3A_246 = vector.broadcast %add3A_245 : i32 to vector<16xi32>
        %add3A_247 = arith.addi %xor3A, %add3A_246 : vector<16xi32>
        %shift_right_logical3A = arith.constant 17 : i32
        %shift_right_logical3A_248 = vector.broadcast %shift_right_logical3A : i32 to vector<16xi32>
        %shift_right_logical3A_249 = arith.shrui %add3A_247, %shift_right_logical3A_248 : vector<16xi32>
        %bitcast3A_250 = vector.bitcast %get3A_229 : vector<16xi32> to vector<16xi32>
        %shift_left3A = arith.constant 15 : i32
        %shift_left3A_251 = vector.broadcast %shift_left3A : i32 to vector<16xi32>
        %shift_left3A_252 = arith.shli %bitcast3A_250, %shift_left3A_251 : vector<16xi32>
        %or3A_253 = arith.ori %shift_right_logical3A_249, %shift_left3A_252 : vector<16xi32>
        %bitcast3A_254 = vector.bitcast %or3A_253 : vector<16xi32> to vector<16xi32>
        %add3A_255 = vector.broadcast %mul3A_34 : i32 to vector<16xi32>
        %add3A_256 = arith.addi %bitcast3A_254, %add3A_255 : vector<16xi32>
        %swap3A_257 = arith.index_cast %mul3A_226 : i32 to index
        %swap3A_258 = tpu.vector_load %arg10[%swap3A_257] {strides = array<i32>} : memref<4096xi32, #tpu.memory_space<vmem>>, vector<16xi32>,
        tpu.vector_store %arg10[%swap3A_257], %add3A_256 {strides = array<i32>} : memref<4096xi32, #tpu.memory_space<vmem>>, vector<16xi32>,
        %add3A_259 = arith.addf %scan3A_220, %convert_element_type3A_230 : vector<16xf32>
        %mul3A_260 = arith.constant 8 : i32
        %mul3A_261 = arith.muli %scan3A_219, %mul3A_260 : i32
        %add3A_262 = arith.constant 1 : i32
        %add3A_263 = arith.addi %mul3A_261, %add3A_262 : i32
        %mul3A_264 = arith.constant 16 : i32
        %mul3A_265 = arith.muli %add3A_263, %mul3A_264 : i32
        %get3A_266 = arith.index_cast %mul3A_265 : i32 to index
        %get3A_267 = tpu.vector_load %arg6[%get3A_266] {strides = array<i32>} : memref<4096xf32, #tpu.memory_space<vmem>>, vector<16xf32>,
        %get3A_268 = arith.index_cast %mul3A_265 : i32 to index
        %get3A_269 = tpu.vector_load %arg8[%get3A_268] {strides = array<i32>} : memref<4096xi32, #tpu.memory_space<vmem>>, vector<16xi32>,
        %convert_element_type3A_270 = arith.sitofp %get3A_269 : vector<16xi32> to vector<16xf32>
        %add3A_271 = arith.constant 1.000000e+00 : f32
        %add3A_272 = vector.broadcast %add3A_271 : f32 to vector<16xf32>
        %add3A_273 = arith.addf %add3A_272, %get3A_267 : vector<16xf32>
        %mul3A_274 = arith.mulf %get3A_267, %convert_element_type3A_270 : vector<16xf32>
        %mul3A_275 = arith.constant 2.000000e+00 : f32
        %mul3A_276 = vector.broadcast %mul3A_275 : f32 to vector<16xf32>
        %mul3A_277 = arith.mulf %mul3A_276, %mul3A_274 : vector<16xf32>
        %sub3A_278 = arith.subf %add3A_273, %mul3A_277 : vector<16xf32>
        %bitcast3A_279 = vector.bitcast %sub3A_278 : vector<16xf32> to vector<16xi32>
        %shift_right_arithmetic3A_280 = arith.constant 31 : i32
        %shift_right_arithmetic3A_281 = vector.broadcast %shift_right_arithmetic3A_280 : i32 to vector<16xi32>
        %shift_right_arithmetic3A_282 = arith.shrsi %bitcast3A_279, %shift_right_arithmetic3A_281 : vector<16xi32>
        %bitcast3A_283 = vector.bitcast %shift_right_arithmetic3A_282 : vector<16xi32> to vector<16xi32>
        %or3A_284 = arith.constant -2147483648 : i32
        %or3A_285 = vector.broadcast %or3A_284 : i32 to vector<16xi32>
        %or3A_286 = arith.ori %bitcast3A_283, %or3A_285 : vector<16xi32>
        %bitcast3A_287 = vector.bitcast %bitcast3A_279 : vector<16xi32> to vector<16xi32>
        %xor3A_288 = arith.xori %bitcast3A_287, %or3A_286 : vector<16xi32>
        %add3A_289 = arith.constant 65536 : i32
        %add3A_290 = vector.broadcast %add3A_289 : i32 to vector<16xi32>
        %add3A_291 = arith.addi %xor3A_288, %add3A_290 : vector<16xi32>
        %shift_right_logical3A_292 = arith.constant 17 : i32
        %shift_right_logical3A_293 = vector.broadcast %shift_right_logical3A_292 : i32 to vector<16xi32>
        %shift_right_logical3A_294 = arith.shrui %add3A_291, %shift_right_logical3A_293 : vector<16xi32>
        %bitcast3A_295 = vector.bitcast %get3A_269 : vector<16xi32> to vector<16xi32>
        %shift_left3A_296 = arith.constant 15 : i32
        %shift_left3A_297 = vector.broadcast %shift_left3A_296 : i32 to vector<16xi32>
        %shift_left3A_298 = arith.shli %bitcast3A_295, %shift_left3A_297 : vector<16xi32>
        %or3A_299 = arith.ori %shift_right_logical3A_294, %shift_left3A_298 : vector<16xi32>
        %bitcast3A_300 = vector.bitcast %or3A_299 : vector<16xi32> to vector<16xi32>
        %add3A_301 = vector.broadcast %mul3A_34 : i32 to vector<16xi32>
        %add3A_302 = arith.addi %bitcast3A_300, %add3A_301 : vector<16xi32>
        %swap3A_303 = arith.index_cast %mul3A_265 : i32 to index
        %swap3A_304 = tpu.vector_load %arg10[%swap3A_303] {strides = array<i32>} : memref<4096xi32, #tpu.memory_space<vmem>>, vector<16xi32>,
        tpu.vector_store %arg10[%swap3A_303], %add3A_302 {strides = array<i32>} : memref<4096xi32, #tpu.memory_space<vmem>>, vector<16xi32>,
        %add3A_305 = arith.addf %add3A_259, %convert_element_type3A_270 : vector<16xf32>
        %mul3A_306 = arith.constant 8 : i32
        %mul3A_307 = arith.muli %scan3A_219, %mul3A_306 : i32
        %add3A_308 = arith.constant 2 : i32
        %add3A_309 = arith.addi %mul3A_307, %add3A_308 : i32
        %mul3A_310 = arith.constant 16 : i32
        %mul3A_311 = arith.muli %add3A_309, %mul3A_310 : i32
        %get3A_312 = arith.index_cast %mul3A_311 : i32 to index
        %get3A_313 = tpu.vector_load %arg6[%get3A_312] {strides = array<i32>} : memref<4096xf32, #tpu.memory_space<vmem>>, vector<16xf32>,
        %get3A_314 = arith.index_cast %mul3A_311 : i32 to index
        %get3A_315 = tpu.vector_load %arg8[%get3A_314] {strides = array<i32>} : memref<4096xi32, #tpu.memory_space<vmem>>, vector<16xi32>,
        %convert_element_type3A_316 = arith.sitofp %get3A_315 : vector<16xi32> to vector<16xf32>
        %add3A_317 = arith.constant 1.000000e+00 : f32
        %add3A_318 = vector.broadcast %add3A_317 : f32 to vector<16xf32>
        %add3A_319 = arith.addf %add3A_318, %get3A_313 : vector<16xf32>
        %mul3A_320 = arith.mulf %get3A_313, %convert_element_type3A_316 : vector<16xf32>
        %mul3A_321 = arith.constant 2.000000e+00 : f32
        %mul3A_322 = vector.broadcast %mul3A_321 : f32 to vector<16xf32>
        %mul3A_323 = arith.mulf %mul3A_322, %mul3A_320 : vector<16xf32>
        %sub3A_324 = arith.subf %add3A_319, %mul3A_323 : vector<16xf32>
        %bitcast3A_325 = vector.bitcast %sub3A_324 : vector<16xf32> to vector<16xi32>
        %shift_right_arithmetic3A_326 = arith.constant 31 : i32
        %shift_right_arithmetic3A_327 = vector.broadcast %shift_right_arithmetic3A_326 : i32 to vector<16xi32>
        %shift_right_arithmetic3A_328 = arith.shrsi %bitcast3A_325, %shift_right_arithmetic3A_327 : vector<16xi32>
        %bitcast3A_329 = vector.bitcast %shift_right_arithmetic3A_328 : vector<16xi32> to vector<16xi32>
        %or3A_330 = arith.constant -2147483648 : i32
        %or3A_331 = vector.broadcast %or3A_330 : i32 to vector<16xi32>
        %or3A_332 = arith.ori %bitcast3A_329, %or3A_331 : vector<16xi32>
        %bitcast3A_333 = vector.bitcast %bitcast3A_325 : vector<16xi32> to vector<16xi32>
        %xor3A_334 = arith.xori %bitcast3A_333, %or3A_332 : vector<16xi32>
        %add3A_335 = arith.constant 65536 : i32
        %add3A_336 = vector.broadcast %add3A_335 : i32 to vector<16xi32>
        %add3A_337 = arith.addi %xor3A_334, %add3A_336 : vector<16xi32>
        %shift_right_logical3A_338 = arith.constant 17 : i32
        %shift_right_logical3A_339 = vector.broadcast %shift_right_logical3A_338 : i32 to vector<16xi32>
        %shift_right_logical3A_340 = arith.shrui %add3A_337, %shift_right_logical3A_339 : vector<16xi32>
        %bitcast3A_341 = vector.bitcast %get3A_315 : vector<16xi32> to vector<16xi32>
        %shift_left3A_342 = arith.constant 15 : i32
        %shift_left3A_343 = vector.broadcast %shift_left3A_342 : i32 to vector<16xi32>
        %shift_left3A_344 = arith.shli %bitcast3A_341, %shift_left3A_343 : vector<16xi32>
        %or3A_345 = arith.ori %shift_right_logical3A_340, %shift_left3A_344 : vector<16xi32>
        %bitcast3A_346 = vector.bitcast %or3A_345 : vector<16xi32> to vector<16xi32>
        %add3A_347 = vector.broadcast %mul3A_34 : i32 to vector<16xi32>
        %add3A_348 = arith.addi %bitcast3A_346, %add3A_347 : vector<16xi32>
        %swap3A_349 = arith.index_cast %mul3A_311 : i32 to index
        %swap3A_350 = tpu.vector_load %arg10[%swap3A_349] {strides = array<i32>} : memref<4096xi32, #tpu.memory_space<vmem>>, vector<16xi32>,
        tpu.vector_store %arg10[%swap3A_349], %add3A_348 {strides = array<i32>} : memref<4096xi32, #tpu.memory_space<vmem>>, vector<16xi32>,
        %add3A_351 = arith.addf %add3A_305, %convert_element_type3A_316 : vector<16xf32>
        %mul3A_352 = arith.constant 8 : i32
        %mul3A_353 = arith.muli %scan3A_219, %mul3A_352 : i32
        %add3A_354 = arith.constant 3 : i32
        %add3A_355 = arith.addi %mul3A_353, %add3A_354 : i32
        %mul3A_356 = arith.constant 16 : i32
        %mul3A_357 = arith.muli %add3A_355, %mul3A_356 : i32
        %get3A_358 = arith.index_cast %mul3A_357 : i32 to index
        %get3A_359 = tpu.vector_load %arg6[%get3A_358] {strides = array<i32>} : memref<4096xf32, #tpu.memory_space<vmem>>, vector<16xf32>,
        %get3A_360 = arith.index_cast %mul3A_357 : i32 to index
        %get3A_361 = tpu.vector_load %arg8[%get3A_360] {strides = array<i32>} : memref<4096xi32, #tpu.memory_space<vmem>>, vector<16xi32>,
        %convert_element_type3A_362 = arith.sitofp %get3A_361 : vector<16xi32> to vector<16xf32>
        %add3A_363 = arith.constant 1.000000e+00 : f32
        %add3A_364 = vector.broadcast %add3A_363 : f32 to vector<16xf32>
        %add3A_365 = arith.addf %add3A_364, %get3A_359 : vector<16xf32>
        %mul3A_366 = arith.mulf %get3A_359, %convert_element_type3A_362 : vector<16xf32>
        %mul3A_367 = arith.constant 2.000000e+00 : f32
        %mul3A_368 = vector.broadcast %mul3A_367 : f32 to vector<16xf32>
        %mul3A_369 = arith.mulf %mul3A_368, %mul3A_366 : vector<16xf32>
        %sub3A_370 = arith.subf %add3A_365, %mul3A_369 : vector<16xf32>
        %bitcast3A_371 = vector.bitcast %sub3A_370 : vector<16xf32> to vector<16xi32>
        %shift_right_arithmetic3A_372 = arith.constant 31 : i32
        %shift_right_arithmetic3A_373 = vector.broadcast %shift_right_arithmetic3A_372 : i32 to vector<16xi32>
        %shift_right_arithmetic3A_374 = arith.shrsi %bitcast3A_371, %shift_right_arithmetic3A_373 : vector<16xi32>
        %bitcast3A_375 = vector.bitcast %shift_right_arithmetic3A_374 : vector<16xi32> to vector<16xi32>
        %or3A_376 = arith.constant -2147483648 : i32
        %or3A_377 = vector.broadcast %or3A_376 : i32 to vector<16xi32>
        %or3A_378 = arith.ori %bitcast3A_375, %or3A_377 : vector<16xi32>
        %bitcast3A_379 = vector.bitcast %bitcast3A_371 : vector<16xi32> to vector<16xi32>
        %xor3A_380 = arith.xori %bitcast3A_379, %or3A_378 : vector<16xi32>
        %add3A_381 = arith.constant 65536 : i32
        %add3A_382 = vector.broadcast %add3A_381 : i32 to vector<16xi32>
        %add3A_383 = arith.addi %xor3A_380, %add3A_382 : vector<16xi32>
        %shift_right_logical3A_384 = arith.constant 17 : i32
        %shift_right_logical3A_385 = vector.broadcast %shift_right_logical3A_384 : i32 to vector<16xi32>
        %shift_right_logical3A_386 = arith.shrui %add3A_383, %shift_right_logical3A_385 : vector<16xi32>
        %bitcast3A_387 = vector.bitcast %get3A_361 : vector<16xi32> to vector<16xi32>
        %shift_left3A_388 = arith.constant 15 : i32
        %shift_left3A_389 = vector.broadcast %shift_left3A_388 : i32 to vector<16xi32>
        %shift_left3A_390 = arith.shli %bitcast3A_387, %shift_left3A_389 : vector<16xi32>
        %or3A_391 = arith.ori %shift_right_logical3A_386, %shift_left3A_390 : vector<16xi32>
        %bitcast3A_392 = vector.bitcast %or3A_391 : vector<16xi32> to vector<16xi32>
        %add3A_393 = vector.broadcast %mul3A_34 : i32 to vector<16xi32>
        %add3A_394 = arith.addi %bitcast3A_392, %add3A_393 : vector<16xi32>
        %swap3A_395 = arith.index_cast %mul3A_357 : i32 to index
        %swap3A_396 = tpu.vector_load %arg10[%swap3A_395] {strides = array<i32>} : memref<4096xi32, #tpu.memory_space<vmem>>, vector<16xi32>,
        tpu.vector_store %arg10[%swap3A_395], %add3A_394 {strides = array<i32>} : memref<4096xi32, #tpu.memory_space<vmem>>, vector<16xi32>,
        %add3A_397 = arith.addf %add3A_351, %convert_element_type3A_362 : vector<16xf32>
        %mul3A_398 = arith.constant 8 : i32
        %mul3A_399 = arith.muli %scan3A_219, %mul3A_398 : i32
        %add3A_400 = arith.constant 4 : i32
        %add3A_401 = arith.addi %mul3A_399, %add3A_400 : i32
        %mul3A_402 = arith.constant 16 : i32
        %mul3A_403 = arith.muli %add3A_401, %mul3A_402 : i32
        %get3A_404 = arith.index_cast %mul3A_403 : i32 to index
        %get3A_405 = tpu.vector_load %arg6[%get3A_404] {strides = array<i32>} : memref<4096xf32, #tpu.memory_space<vmem>>, vector<16xf32>,
        %get3A_406 = arith.index_cast %mul3A_403 : i32 to index
        %get3A_407 = tpu.vector_load %arg8[%get3A_406] {strides = array<i32>} : memref<4096xi32, #tpu.memory_space<vmem>>, vector<16xi32>,
        %convert_element_type3A_408 = arith.sitofp %get3A_407 : vector<16xi32> to vector<16xf32>
        %add3A_409 = arith.constant 1.000000e+00 : f32
        %add3A_410 = vector.broadcast %add3A_409 : f32 to vector<16xf32>
        %add3A_411 = arith.addf %add3A_410, %get3A_405 : vector<16xf32>
        %mul3A_412 = arith.mulf %get3A_405, %convert_element_type3A_408 : vector<16xf32>
        %mul3A_413 = arith.constant 2.000000e+00 : f32
        %mul3A_414 = vector.broadcast %mul3A_413 : f32 to vector<16xf32>
        %mul3A_415 = arith.mulf %mul3A_414, %mul3A_412 : vector<16xf32>
        %sub3A_416 = arith.subf %add3A_411, %mul3A_415 : vector<16xf32>
        %bitcast3A_417 = vector.bitcast %sub3A_416 : vector<16xf32> to vector<16xi32>
        %shift_right_arithmetic3A_418 = arith.constant 31 : i32
        %shift_right_arithmetic3A_419 = vector.broadcast %shift_right_arithmetic3A_418 : i32 to vector<16xi32>
        %shift_right_arithmetic3A_420 = arith.shrsi %bitcast3A_417, %shift_right_arithmetic3A_419 : vector<16xi32>
        %bitcast3A_421 = vector.bitcast %shift_right_arithmetic3A_420 : vector<16xi32> to vector<16xi32>
        %or3A_422 = arith.constant -2147483648 : i32
        %or3A_423 = vector.broadcast %or3A_422 : i32 to vector<16xi32>
        %or3A_424 = arith.ori %bitcast3A_421, %or3A_423 : vector<16xi32>
        %bitcast3A_425 = vector.bitcast %bitcast3A_417 : vector<16xi32> to vector<16xi32>
        %xor3A_426 = arith.xori %bitcast3A_425, %or3A_424 : vector<16xi32>
        %add3A_427 = arith.constant 65536 : i32
        %add3A_428 = vector.broadcast %add3A_427 : i32 to vector<16xi32>
        %add3A_429 = arith.addi %xor3A_426, %add3A_428 : vector<16xi32>
        %shift_right_logical3A_430 = arith.constant 17 : i32
        %shift_right_logical3A_431 = vector.broadcast %shift_right_logical3A_430 : i32 to vector<16xi32>
        %shift_right_logical3A_432 = arith.shrui %add3A_429, %shift_right_logical3A_431 : vector<16xi32>
        %bitcast3A_433 = vector.bitcast %get3A_407 : vector<16xi32> to vector<16xi32>
        %shift_left3A_434 = arith.constant 15 : i32
        %shift_left3A_435 = vector.broadcast %shift_left3A_434 : i32 to vector<16xi32>
        %shift_left3A_436 = arith.shli %bitcast3A_433, %shift_left3A_435 : vector<16xi32>
        %or3A_437 = arith.ori %shift_right_logical3A_432, %shift_left3A_436 : vector<16xi32>
        %bitcast3A_438 = vector.bitcast %or3A_437 : vector<16xi32> to vector<16xi32>
        %add3A_439 = vector.broadcast %mul3A_34 : i32 to vector<16xi32>
        %add3A_440 = arith.addi %bitcast3A_438, %add3A_439 : vector<16xi32>
        %swap3A_441 = arith.index_cast %mul3A_403 : i32 to index
        %swap3A_442 = tpu.vector_load %arg10[%swap3A_441] {strides = array<i32>} : memref<4096xi32, #tpu.memory_space<vmem>>, vector<16xi32>,
        tpu.vector_store %arg10[%swap3A_441], %add3A_440 {strides = array<i32>} : memref<4096xi32, #tpu.memory_space<vmem>>, vector<16xi32>,
        %add3A_443 = arith.addf %add3A_397, %convert_element_type3A_408 : vector<16xf32>
        %mul3A_444 = arith.constant 8 : i32
        %mul3A_445 = arith.muli %scan3A_219, %mul3A_444 : i32
        %add3A_446 = arith.constant 5 : i32
        %add3A_447 = arith.addi %mul3A_445, %add3A_446 : i32
        %mul3A_448 = arith.constant 16 : i32
        %mul3A_449 = arith.muli %add3A_447, %mul3A_448 : i32
        %get3A_450 = arith.index_cast %mul3A_449 : i32 to index
        %get3A_451 = tpu.vector_load %arg6[%get3A_450] {strides = array<i32>} : memref<4096xf32, #tpu.memory_space<vmem>>, vector<16xf32>,
        %get3A_452 = arith.index_cast %mul3A_449 : i32 to index
        %get3A_453 = tpu.vector_load %arg8[%get3A_452] {strides = array<i32>} : memref<4096xi32, #tpu.memory_space<vmem>>, vector<16xi32>,
        %convert_element_type3A_454 = arith.sitofp %get3A_453 : vector<16xi32> to vector<16xf32>
        %add3A_455 = arith.constant 1.000000e+00 : f32
        %add3A_456 = vector.broadcast %add3A_455 : f32 to vector<16xf32>
        %add3A_457 = arith.addf %add3A_456, %get3A_451 : vector<16xf32>
        %mul3A_458 = arith.mulf %get3A_451, %convert_element_type3A_454 : vector<16xf32>
        %mul3A_459 = arith.constant 2.000000e+00 : f32
        %mul3A_460 = vector.broadcast %mul3A_459 : f32 to vector<16xf32>
        %mul3A_461 = arith.mulf %mul3A_460, %mul3A_458 : vector<16xf32>
        %sub3A_462 = arith.subf %add3A_457, %mul3A_461 : vector<16xf32>
        %bitcast3A_463 = vector.bitcast %sub3A_462 : vector<16xf32> to vector<16xi32>
        %shift_right_arithmetic3A_464 = arith.constant 31 : i32
        %shift_right_arithmetic3A_465 = vector.broadcast %shift_right_arithmetic3A_464 : i32 to vector<16xi32>
        %shift_right_arithmetic3A_466 = arith.shrsi %bitcast3A_463, %shift_right_arithmetic3A_465 : vector<16xi32>
        %bitcast3A_467 = vector.bitcast %shift_right_arithmetic3A_466 : vector<16xi32> to vector<16xi32>
        %or3A_468 = arith.constant -2147483648 : i32
        %or3A_469 = vector.broadcast %or3A_468 : i32 to vector<16xi32>
        %or3A_470 = arith.ori %bitcast3A_467, %or3A_469 : vector<16xi32>
        %bitcast3A_471 = vector.bitcast %bitcast3A_463 : vector<16xi32> to vector<16xi32>
        %xor3A_472 = arith.xori %bitcast3A_471, %or3A_470 : vector<16xi32>
        %add3A_473 = arith.constant 65536 : i32
        %add3A_474 = vector.broadcast %add3A_473 : i32 to vector<16xi32>
        %add3A_475 = arith.addi %xor3A_472, %add3A_474 : vector<16xi32>
        %shift_right_logical3A_476 = arith.constant 17 : i32
        %shift_right_logical3A_477 = vector.broadcast %shift_right_logical3A_476 : i32 to vector<16xi32>
        %shift_right_logical3A_478 = arith.shrui %add3A_475, %shift_right_logical3A_477 : vector<16xi32>
        %bitcast3A_479 = vector.bitcast %get3A_453 : vector<16xi32> to vector<16xi32>
        %shift_left3A_480 = arith.constant 15 : i32
        %shift_left3A_481 = vector.broadcast %shift_left3A_480 : i32 to vector<16xi32>
        %shift_left3A_482 = arith.shli %bitcast3A_479, %shift_left3A_481 : vector<16xi32>
        %or3A_483 = arith.ori %shift_right_logical3A_478, %shift_left3A_482 : vector<16xi32>
        %bitcast3A_484 = vector.bitcast %or3A_483 : vector<16xi32> to vector<16xi32>
        %add3A_485 = vector.broadcast %mul3A_34 : i32 to vector<16xi32>
        %add3A_486 = arith.addi %bitcast3A_484, %add3A_485 : vector<16xi32>
        %swap3A_487 = arith.index_cast %mul3A_449 : i32 to index
        %swap3A_488 = tpu.vector_load %arg10[%swap3A_487] {strides = array<i32>} : memref<4096xi32, #tpu.memory_space<vmem>>, vector<16xi32>,
        tpu.vector_store %arg10[%swap3A_487], %add3A_486 {strides = array<i32>} : memref<4096xi32, #tpu.memory_space<vmem>>, vector<16xi32>,
        %add3A_489 = arith.addf %add3A_443, %convert_element_type3A_454 : vector<16xf32>
        %mul3A_490 = arith.constant 8 : i32
        %mul3A_491 = arith.muli %scan3A_219, %mul3A_490 : i32
        %add3A_492 = arith.constant 6 : i32
        %add3A_493 = arith.addi %mul3A_491, %add3A_492 : i32
        %mul3A_494 = arith.constant 16 : i32
        %mul3A_495 = arith.muli %add3A_493, %mul3A_494 : i32
        %get3A_496 = arith.index_cast %mul3A_495 : i32 to index
        %get3A_497 = tpu.vector_load %arg6[%get3A_496] {strides = array<i32>} : memref<4096xf32, #tpu.memory_space<vmem>>, vector<16xf32>,
        %get3A_498 = arith.index_cast %mul3A_495 : i32 to index
        %get3A_499 = tpu.vector_load %arg8[%get3A_498] {strides = array<i32>} : memref<4096xi32, #tpu.memory_space<vmem>>, vector<16xi32>,
        %convert_element_type3A_500 = arith.sitofp %get3A_499 : vector<16xi32> to vector<16xf32>
        %add3A_501 = arith.constant 1.000000e+00 : f32
        %add3A_502 = vector.broadcast %add3A_501 : f32 to vector<16xf32>
        %add3A_503 = arith.addf %add3A_502, %get3A_497 : vector<16xf32>
        %mul3A_504 = arith.mulf %get3A_497, %convert_element_type3A_500 : vector<16xf32>
        %mul3A_505 = arith.constant 2.000000e+00 : f32
        %mul3A_506 = vector.broadcast %mul3A_505 : f32 to vector<16xf32>
        %mul3A_507 = arith.mulf %mul3A_506, %mul3A_504 : vector<16xf32>
        %sub3A_508 = arith.subf %add3A_503, %mul3A_507 : vector<16xf32>
        %bitcast3A_509 = vector.bitcast %sub3A_508 : vector<16xf32> to vector<16xi32>
        %shift_right_arithmetic3A_510 = arith.constant 31 : i32
        %shift_right_arithmetic3A_511 = vector.broadcast %shift_right_arithmetic3A_510 : i32 to vector<16xi32>
        %shift_right_arithmetic3A_512 = arith.shrsi %bitcast3A_509, %shift_right_arithmetic3A_511 : vector<16xi32>
        %bitcast3A_513 = vector.bitcast %shift_right_arithmetic3A_512 : vector<16xi32> to vector<16xi32>
        %or3A_514 = arith.constant -2147483648 : i32
        %or3A_515 = vector.broadcast %or3A_514 : i32 to vector<16xi32>
        %or3A_516 = arith.ori %bitcast3A_513, %or3A_515 : vector<16xi32>
        %bitcast3A_517 = vector.bitcast %bitcast3A_509 : vector<16xi32> to vector<16xi32>
        %xor3A_518 = arith.xori %bitcast3A_517, %or3A_516 : vector<16xi32>
        %add3A_519 = arith.constant 65536 : i32
        %add3A_520 = vector.broadcast %add3A_519 : i32 to vector<16xi32>
        %add3A_521 = arith.addi %xor3A_518, %add3A_520 : vector<16xi32>
        %shift_right_logical3A_522 = arith.constant 17 : i32
        %shift_right_logical3A_523 = vector.broadcast %shift_right_logical3A_522 : i32 to vector<16xi32>
        %shift_right_logical3A_524 = arith.shrui %add3A_521, %shift_right_logical3A_523 : vector<16xi32>
        %bitcast3A_525 = vector.bitcast %get3A_499 : vector<16xi32> to vector<16xi32>
        %shift_left3A_526 = arith.constant 15 : i32
        %shift_left3A_527 = vector.broadcast %shift_left3A_526 : i32 to vector<16xi32>
        %shift_left3A_528 = arith.shli %bitcast3A_525, %shift_left3A_527 : vector<16xi32>
        %or3A_529 = arith.ori %shift_right_logical3A_524, %shift_left3A_528 : vector<16xi32>
        %bitcast3A_530 = vector.bitcast %or3A_529 : vector<16xi32> to vector<16xi32>
        %add3A_531 = vector.broadcast %mul3A_34 : i32 to vector<16xi32>
        %add3A_532 = arith.addi %bitcast3A_530, %add3A_531 : vector<16xi32>
        %swap3A_533 = arith.index_cast %mul3A_495 : i32 to index
        %swap3A_534 = tpu.vector_load %arg10[%swap3A_533] {strides = array<i32>} : memref<4096xi32, #tpu.memory_space<vmem>>, vector<16xi32>,
        tpu.vector_store %arg10[%swap3A_533], %add3A_532 {strides = array<i32>} : memref<4096xi32, #tpu.memory_space<vmem>>, vector<16xi32>,
        %add3A_535 = arith.addf %add3A_489, %convert_element_type3A_500 : vector<16xf32>
        %mul3A_536 = arith.constant 8 : i32
        %mul3A_537 = arith.muli %scan3A_219, %mul3A_536 : i32
        %add3A_538 = arith.constant 7 : i32
        %add3A_539 = arith.addi %mul3A_537, %add3A_538 : i32
        %mul3A_540 = arith.constant 16 : i32
        %mul3A_541 = arith.muli %add3A_539, %mul3A_540 : i32
        %get3A_542 = arith.index_cast %mul3A_541 : i32 to index
        %get3A_543 = tpu.vector_load %arg6[%get3A_542] {strides = array<i32>} : memref<4096xf32, #tpu.memory_space<vmem>>, vector<16xf32>,
        %get3A_544 = arith.index_cast %mul3A_541 : i32 to index
        %get3A_545 = tpu.vector_load %arg8[%get3A_544] {strides = array<i32>} : memref<4096xi32, #tpu.memory_space<vmem>>, vector<16xi32>,
        %convert_element_type3A_546 = arith.sitofp %get3A_545 : vector<16xi32> to vector<16xf32>
        %add3A_547 = arith.constant 1.000000e+00 : f32
        %add3A_548 = vector.broadcast %add3A_547 : f32 to vector<16xf32>
        %add3A_549 = arith.addf %add3A_548, %get3A_543 : vector<16xf32>
        %mul3A_550 = arith.mulf %get3A_543, %convert_element_type3A_546 : vector<16xf32>
        %mul3A_551 = arith.constant 2.000000e+00 : f32
        %mul3A_552 = vector.broadcast %mul3A_551 : f32 to vector<16xf32>
        %mul3A_553 = arith.mulf %mul3A_552, %mul3A_550 : vector<16xf32>
        %sub3A_554 = arith.subf %add3A_549, %mul3A_553 : vector<16xf32>
        %bitcast3A_555 = vector.bitcast %sub3A_554 : vector<16xf32> to vector<16xi32>
        %shift_right_arithmetic3A_556 = arith.constant 31 : i32
        %shift_right_arithmetic3A_557 = vector.broadcast %shift_right_arithmetic3A_556 : i32 to vector<16xi32>
        %shift_right_arithmetic3A_558 = arith.shrsi %bitcast3A_555, %shift_right_arithmetic3A_557 : vector<16xi32>
        %bitcast3A_559 = vector.bitcast %shift_right_arithmetic3A_558 : vector<16xi32> to vector<16xi32>
        %or3A_560 = arith.constant -2147483648 : i32
        %or3A_561 = vector.broadcast %or3A_560 : i32 to vector<16xi32>
        %or3A_562 = arith.ori %bitcast3A_559, %or3A_561 : vector<16xi32>
        %bitcast3A_563 = vector.bitcast %bitcast3A_555 : vector<16xi32> to vector<16xi32>
        %xor3A_564 = arith.xori %bitcast3A_563, %or3A_562 : vector<16xi32>
        %add3A_565 = arith.constant 65536 : i32
        %add3A_566 = vector.broadcast %add3A_565 : i32 to vector<16xi32>
        %add3A_567 = arith.addi %xor3A_564, %add3A_566 : vector<16xi32>
        %shift_right_logical3A_568 = arith.constant 17 : i32
        %shift_right_logical3A_569 = vector.broadcast %shift_right_logical3A_568 : i32 to vector<16xi32>
        %shift_right_logical3A_570 = arith.shrui %add3A_567, %shift_right_logical3A_569 : vector<16xi32>
        %bitcast3A_571 = vector.bitcast %get3A_545 : vector<16xi32> to vector<16xi32>
        %shift_left3A_572 = arith.constant 15 : i32
        %shift_left3A_573 = vector.broadcast %shift_left3A_572 : i32 to vector<16xi32>
        %shift_left3A_574 = arith.shli %bitcast3A_571, %shift_left3A_573 : vector<16xi32>
        %or3A_575 = arith.ori %shift_right_logical3A_570, %shift_left3A_574 : vector<16xi32>
        %bitcast3A_576 = vector.bitcast %or3A_575 : vector<16xi32> to vector<16xi32>
        %add3A_577 = vector.broadcast %mul3A_34 : i32 to vector<16xi32>
        %add3A_578 = arith.addi %bitcast3A_576, %add3A_577 : vector<16xi32>
        %swap3A_579 = arith.index_cast %mul3A_541 : i32 to index
        %swap3A_580 = tpu.vector_load %arg10[%swap3A_579] {strides = array<i32>} : memref<4096xi32, #tpu.memory_space<vmem>>, vector<16xi32>,
        tpu.vector_store %arg10[%swap3A_579], %add3A_578 {strides = array<i32>} : memref<4096xi32, #tpu.memory_space<vmem>>, vector<16xi32>,
        %add3A_581 = arith.addf %add3A_535, %convert_element_type3A_546 : vector<16xf32>
        scf.yield %add3A_581 : vector<16xf32>
      }
      %scan3A_216 = arith.constant 32 : i32
      %dma_start3A_217 = arith.constant 0 : i32
      %dma_start3A_218 = tpu.memref_slice %arg15[%dma_start3A_217] : memref<524288xf32, #tpu.memory_space<vmem_shared>> -> memref<524288xf32, #tpu.memory_space<vmem_shared>>
      tpu.enqueue_indirect_dma source(%arg11 : memref<4096xf32, #tpu.memory_space<vmem>>) target(%dma_start3A_218 : memref<524288xf32, #tpu.memory_space<vmem_shared>>) offsets(%arg10 : memref<4096xi32, #tpu.memory_space<vmem>>) semaphore(%arg22 : memref<!tpu.dma_semaphore, #tpu.memory_space<semaphore_mem>>) {add = true}
      scf.yield %scan3A_215 : vector<16xf32>
    }
    %scan3A_143 = arith.constant 9 : i32
    %dma_wait3A_144 = arith.constant 0 : i32
    %dma_wait3A_145 = tpu.memref_slice %arg15[%dma_wait3A_144] : memref<524288xf32, #tpu.memory_space<vmem_shared>> -> memref<524288xf32, #tpu.memory_space<vmem_shared>>
    tpu.wait_indirect_dma semaphore(%arg21 : memref<!tpu.dma_semaphore, #tpu.memory_space<semaphore_mem>>) src(%arg11 : memref<4096xf32, #tpu.memory_space<vmem>>) dst(%dma_wait3A_145 : memref<524288xf32, #tpu.memory_space<vmem_shared>>)
    %dma_wait3A_146 = arith.constant 0 : i32
    %dma_wait3A_147 = tpu.memref_slice %arg15[%dma_wait3A_146] : memref<524288xf32, #tpu.memory_space<vmem_shared>> -> memref<524288xf32, #tpu.memory_space<vmem_shared>>
    tpu.wait_indirect_dma semaphore(%arg22 : memref<!tpu.dma_semaphore, #tpu.memory_space<semaphore_mem>>) src(%arg11 : memref<4096xf32, #tpu.memory_space<vmem>>) dst(%dma_wait3A_147 : memref<524288xf32, #tpu.memory_space<vmem_shared>>)
    "tpu.trace_stop"() : () -> ()
    "tpu.trace_start"() <{level = 10 : i32, message = "ph_sync"}> : () -> ()
    %swap3A = arith.constant 0 : index
    %swap3A_148 = tpu.vector_load %arg14[%swap3A] {strides = array<i32>} : memref<16xf32, #tpu.memory_space<vmem>>, vector<16xf32>,
    tpu.vector_store %arg14[%swap3A], %scan3A_142 {strides = array<i32>} : memref<16xf32, #tpu.memory_space<vmem>>, vector<16xf32>,
    "tpu.region"() ({
      %run_scoped3A = tpu.sem_alloc : memref<!tpu.dma_semaphore, #tpu.memory_space<semaphore_mem>>
      %dma_start3A_153 = arith.constant 0 : i32
      %dma_start3A_154 = tpu.memref_slice %arg16[%arg1, %dma_start3A_153] : memref<16x16xf32, #tpu.memory_space<vmem_shared>> -> memref<1x16xf32, #tpu.memory_space<vmem_shared>>
      %dma_start3A_155 = tpu.memref_squeeze %dma_start3A_154 : memref<1x16xf32, #tpu.memory_space<vmem_shared>> -> memref<16xf32, #tpu.memory_space<vmem_shared>>
      %dma_start3A_156 = arith.constant 0 : i32
      %dma_start3A_157 = tpu.memref_slice %arg16[%arg1, %dma_start3A_156] : memref<16x16xf32, #tpu.memory_space<vmem_shared>> -> memref<1x16xf32, #tpu.memory_space<vmem_shared>>
      %dma_start3A_158 = tpu.memref_squeeze %dma_start3A_157 : memref<1x16xf32, #tpu.memory_space<vmem_shared>> -> memref<16xf32, #tpu.memory_space<vmem_shared>>
      tpu.enqueue_dma source(%arg14 : memref<16xf32, #tpu.memory_space<vmem>>) target(%dma_start3A_158 : memref<16xf32, #tpu.memory_space<vmem_shared>>) target_semaphore(%run_scoped3A : memref<!tpu.dma_semaphore, #tpu.memory_space<semaphore_mem>>)
      %dma_wait3A_159 = arith.constant 0 : i32
      %dma_wait3A_160 = tpu.memref_slice %arg16[%arg1, %dma_wait3A_159] : memref<16x16xf32, #tpu.memory_space<vmem_shared>> -> memref<1x16xf32, #tpu.memory_space<vmem_shared>>
      %dma_wait3A_161 = tpu.memref_squeeze %dma_wait3A_160 : memref<1x16xf32, #tpu.memory_space<vmem_shared>> -> memref<16xf32, #tpu.memory_space<vmem_shared>>
      %dma_wait3A_162 = arith.constant 0 : i32
      %dma_wait3A_163 = tpu.memref_slice %arg16[%arg1, %dma_wait3A_162] : memref<16x16xf32, #tpu.memory_space<vmem_shared>> -> memref<1x16xf32, #tpu.memory_space<vmem_shared>>
      %dma_wait3A_164 = tpu.memref_squeeze %dma_wait3A_163 : memref<1x16xf32, #tpu.memory_space<vmem_shared>> -> memref<16xf32, #tpu.memory_space<vmem_shared>>
      tpu.wait_dma2 semaphore(%run_scoped3A : memref<!tpu.dma_semaphore, #tpu.memory_space<semaphore_mem>>) src(%arg14 : memref<16xf32, #tpu.memory_space<vmem>>) dst(%dma_wait3A_164 : memref<16xf32, #tpu.memory_space<vmem_shared>>)
      tpu.yield
    }) : () -> ()
    %barrier3A_149 = arith.constant 0 : index
    tpu.barrier barrier_id(%barrier3A_149)
    %eq3A_150 = arith.constant 0 : i32
    "tpu.trace_stop"() : () -> ()
    %eq3A_151 = arith.cmpi eq, %select_n3A_28, %eq3A_150 : i32
    %convert_element_type3A = arith.extui %eq3A_151 : i1 to i32
    %cond3A = arith.constant 0 : i32
    %cond3A_152 = arith.cmpi ne, %convert_element_type3A, %cond3A : i32
    scf.if %cond3A_152 {
      "tpu.trace_start"() <{level = 10 : i32, message = "ph_scan"}> : () -> ()
      "tpu.region"() ({
        %run_scoped3A = tpu.sem_alloc : memref<!tpu.dma_semaphore, #tpu.memory_space<semaphore_mem>>
        %dma_start3A_185 = tpu.memref_slice %arg15[%mul3A_34] : memref<524288xf32, #tpu.memory_space<vmem_shared>> -> memref<65536xf32, #tpu.memory_space<vmem_shared>>
        %dma_start3A_186 = tpu.memref_slice %arg15[%mul3A_34] : memref<524288xf32, #tpu.memory_space<vmem_shared>> -> memref<65536xf32, #tpu.memory_space<vmem_shared>>
        tpu.enqueue_dma source(%dma_start3A_186 : memref<65536xf32, #tpu.memory_space<vmem_shared>>) target(%arg12 : memref<65536xf32, #tpu.memory_space<vmem>>) target_semaphore(%run_scoped3A : memref<!tpu.dma_semaphore, #tpu.memory_space<semaphore_mem>>)
        %dma_wait3A_187 = tpu.memref_slice %arg15[%mul3A_34] : memref<524288xf32, #tpu.memory_space<vmem_shared>> -> memref<65536xf32, #tpu.memory_space<vmem_shared>>
        %dma_wait3A_188 = tpu.memref_slice %arg15[%mul3A_34] : memref<524288xf32, #tpu.memory_space<vmem_shared>> -> memref<65536xf32, #tpu.memory_space<vmem_shared>>
        tpu.wait_dma2 semaphore(%run_scoped3A : memref<!tpu.dma_semaphore, #tpu.memory_space<semaphore_mem>>) src(%dma_wait3A_188 : memref<65536xf32, #tpu.memory_space<vmem_shared>>) dst(%arg12 : memref<65536xf32, #tpu.memory_space<vmem>>)
        tpu.yield
      }) : () -> ()
      %add3A_153 = arith.constant 8 : i32
      %add3A_154 = arith.addi %arg1, %add3A_153 : i32
      "tpu.region"() ({
        %run_scoped3A = tpu.sem_alloc : memref<!tpu.dma_semaphore, #tpu.memory_space<semaphore_mem>>
        %dma_start3A_185 = arith.constant 0 : i32
        %dma_start3A_186 = tpu.memref_slice %arg16[%add3A_154, %dma_start3A_185] : memref<16x16xf32, #tpu.memory_space<vmem_shared>> -> memref<1x16xf32, #tpu.memory_space<vmem_shared>>
        %dma_start3A_187 = tpu.memref_squeeze %dma_start3A_186 : memref<1x16xf32, #tpu.memory_space<vmem_shared>> -> memref<16xf32, #tpu.memory_space<vmem_shared>>
        %dma_start3A_188 = arith.constant 0 : i32
        %dma_start3A_189 = tpu.memref_slice %arg16[%add3A_154, %dma_start3A_188] : memref<16x16xf32, #tpu.memory_space<vmem_shared>> -> memref<1x16xf32, #tpu.memory_space<vmem_shared>>
        %dma_start3A_190 = tpu.memref_squeeze %dma_start3A_189 : memref<1x16xf32, #tpu.memory_space<vmem_shared>> -> memref<16xf32, #tpu.memory_space<vmem_shared>>
        tpu.enqueue_dma source(%dma_start3A_190 : memref<16xf32, #tpu.memory_space<vmem_shared>>) target(%arg13 : memref<16xf32, #tpu.memory_space<vmem>>) target_semaphore(%run_scoped3A : memref<!tpu.dma_semaphore, #tpu.memory_space<semaphore_mem>>)
        %dma_wait3A_191 = arith.constant 0 : i32
        %dma_wait3A_192 = tpu.memref_slice %arg16[%add3A_154, %dma_wait3A_191] : memref<16x16xf32, #tpu.memory_space<vmem_shared>> -> memref<1x16xf32, #tpu.memory_space<vmem_shared>>
        %dma_wait3A_193 = tpu.memref_squeeze %dma_wait3A_192 : memref<1x16xf32, #tpu.memory_space<vmem_shared>> -> memref<16xf32, #tpu.memory_space<vmem_shared>>
        %dma_wait3A_194 = arith.constant 0 : i32
        %dma_wait3A_195 = tpu.memref_slice %arg16[%add3A_154, %dma_wait3A_194] : memref<16x16xf32, #tpu.memory_space<vmem_shared>> -> memref<1x16xf32, #tpu.memory_space<vmem_shared>>
        %dma_wait3A_196 = tpu.memref_squeeze %dma_wait3A_195 : memref<1x16xf32, #tpu.memory_space<vmem_shared>> -> memref<16xf32, #tpu.memory_space<vmem_shared>>
        tpu.wait_dma2 semaphore(%run_scoped3A : memref<!tpu.dma_semaphore, #tpu.memory_space<semaphore_mem>>) src(%dma_wait3A_196 : memref<16xf32, #tpu.memory_space<vmem_shared>>) dst(%arg13 : memref<16xf32, #tpu.memory_space<vmem>>)
        tpu.yield
      }) : () -> ()
      %reduce_sum3A = arith.constant true
      %reduce_sum3A_155 = vector.broadcast %reduce_sum3A : i1 to vector<16xi1>
      %reduce_sum3A_156 = tpu.scan <sum>, %scan3A_142 masked %reduce_sum3A_155 : vector<16xf32>, vector<16xi1> -> vector<16xf32>
      %reduce_sum3A_157 = vector.extract %reduce_sum3A_156[15] : f32 from vector<16xf32>
      %get3A = arith.constant 0 : index
      %get3A_158 = tpu.vector_load %arg13[%get3A] {strides = array<i32>} : memref<16xf32, #tpu.memory_space<vmem>>, vector<16xf32>,
      %reduce_sum3A_159 = arith.constant true
      %reduce_sum3A_160 = vector.broadcast %reduce_sum3A_159 : i1 to vector<16xi1>
      %reduce_sum3A_161 = tpu.scan <sum>, %get3A_158 masked %reduce_sum3A_160 : vector<16xf32>, vector<16xi1> -> vector<16xf32>
      %reduce_sum3A_162 = vector.extract %reduce_sum3A_161[15] : f32 from vector<16xf32>
      %add3A_163 = arith.addf %reduce_sum3A_157, %reduce_sum3A_162 : f32
      %sub3A_164 = arith.constant 1.474560e+05 : f32
      %sub3A_165 = arith.subf %sub3A_164, %add3A_163 : f32
      %iota3A = tpu.iota {dimensions = array<i32: 0>} : vector<16xi32>
      %broadcast_in_dim3A_166 = arith.constant 1.000000e+00 : f32
      %broadcast_in_dim3A_167 = vector.broadcast %broadcast_in_dim3A_166 : f32 to vector<16xf32>
      %broadcast_in_dim3A_168 = arith.constant 15 : i32
      %broadcast_in_dim3A_169 = vector.broadcast %broadcast_in_dim3A_168 : i32 to vector<16xi32>
      %scan3A_170 = arith.constant 0 : i32
      %scan3A_171 = arith.constant 256 : i32
      %scan3A_172 = arith.addi %scan3A_170, %scan3A_171 : i32
      %scan3A_173 = arith.constant 1 : i32
      %scan3A_174:3 = scf.for %scan3A_185 = %scan3A_170 to %scan3A_172 step %scan3A_173 iter_args(%scan3A_186 = %broadcast_in_dim3A_35, %scan3A_187 = %broadcast_in_dim3A_35, %scan3A_188 = %broadcast_in_dim3A_35) -> (vector<16xf32>, vector<16xf32>, vector<16xf32>)  : i32 {
        %mul3A_189 = arith.constant 4 : i32
        %mul3A_190 = arith.muli %scan3A_185, %mul3A_189 : i32
        %add3A_191 = arith.constant 0 : i32
        %add3A_192 = arith.addi %mul3A_190, %add3A_191 : i32
        %add3A_193 = arith.constant 1 : i32
        %add3A_194 = arith.addi %add3A_192, %add3A_193 : i32
        %mul3A_195 = arith.constant 16 : i32
        %mul3A_196 = arith.muli %add3A_194, %mul3A_195 : i32
        %sub3A_197 = arith.constant 32768 : i32
        %sub3A_198 = arith.subi %sub3A_197, %mul3A_196 : i32
        %add3A_199 = arith.constant 32768 : i32
        %add3A_200 = arith.addi %add3A_199, %sub3A_198 : i32
        %get3A_201 = arith.index_cast %add3A_200 : i32 to index
        %get3A_202 = tpu.vector_load %arg12[%get3A_201] {strides = array<i32>} : memref<65536xf32, #tpu.memory_space<vmem>>, vector<16xf32>,
        %rev3A = arith.constant 15 : i32
        %rev3A_203 = vector.broadcast %rev3A : i32 to vector<16xi32>
        %rev3A_204 = tpu.iota {dimensions = array<i32: 0>} : vector<16xi32>
        %rev3A_205 = arith.subi %rev3A_203, %rev3A_204 : vector<16xi32>
        %rev3A_206 = tpu.dynamic_gather %get3A_202[%rev3A_205] in [0] : vector<16xf32>, vector<16xi32> -> vector<16xf32>
        %get3A_207 = arith.index_cast %sub3A_198 : i32 to index
        %get3A_208 = tpu.vector_load %arg12[%get3A_207] {strides = array<i32>} : memref<65536xf32, #tpu.memory_space<vmem>>, vector<16xf32>,
        %rev3A_209 = arith.constant 15 : i32
        %rev3A_210 = vector.broadcast %rev3A_209 : i32 to vector<16xi32>
        %rev3A_211 = tpu.iota {dimensions = array<i32: 0>} : vector<16xi32>
        %rev3A_212 = arith.subi %rev3A_210, %rev3A_211 : vector<16xi32>
        %rev3A_213 = tpu.dynamic_gather %get3A_208[%rev3A_212] in [0] : vector<16xf32>, vector<16xi32> -> vector<16xf32>
        %broadcast_in_dim3A_214 = arith.constant true
        %broadcast_in_dim3A_215 = vector.broadcast %broadcast_in_dim3A_214 : i1 to vector<16xi1>
        %masked_cumsum3A = tpu.scan <sum>, %rev3A_206 masked %broadcast_in_dim3A_215 : vector<16xf32>, vector<16xi1> -> vector<16xf32>
        %broadcast_in_dim3A_216 = arith.constant true
        %broadcast_in_dim3A_217 = vector.broadcast %broadcast_in_dim3A_216 : i1 to vector<16xi1>
        %masked_cumsum3A_218 = tpu.scan <sum>, %rev3A_213 masked %broadcast_in_dim3A_217 : vector<16xf32>, vector<16xi1> -> vector<16xf32>
        %sub3A_219 = arith.subf %masked_cumsum3A, %rev3A_206 : vector<16xf32>
        %add3A_220 = arith.addf %scan3A_188, %sub3A_219 : vector<16xf32>
        %sub3A_221 = arith.subf %masked_cumsum3A_218, %rev3A_213 : vector<16xf32>
        %add3A_222 = arith.addf %scan3A_187, %sub3A_221 : vector<16xf32>
        %add3A_223 = vector.broadcast %add3A_163 : f32 to vector<16xf32>
        %add3A_224 = arith.addf %add3A_223, %add3A_222 : vector<16xf32>
        %sub3A_225 = vector.broadcast %add3A_163 : f32 to vector<16xf32>
        %sub3A_226 = arith.subf %sub3A_225, %add3A_220 : vector<16xf32>
        %mul3A_227 = arith.mulf %sub3A_226, %rev3A_213 : vector<16xf32>
        %mul3A_228 = arith.mulf %rev3A_206, %add3A_224 : vector<16xf32>
        %add3A_229 = arith.addf %mul3A_227, %mul3A_228 : vector<16xf32>
        %eq3A_230 = arith.constant 0.000000e+00 : f32
        %eq3A_231 = vector.broadcast %eq3A_230 : f32 to vector<16xf32>
        %eq3A_232 = arith.cmpf oeq, %add3A_224, %eq3A_231 : vector<16xf32>
        %add3A_233 = arith.addf %add3A_224, %rev3A_213 : vector<16xf32>
        %mul3A_234 = arith.mulf %add3A_224, %add3A_233 : vector<16xf32>
        %div3A_235 = arith.divf %add3A_229, %mul3A_234 : vector<16xf32>
        %select_n3A_236 = arith.select %eq3A_232, %broadcast_in_dim3A_167, %div3A_235 : vector<16xi1>, vector<16xf32>
        %add3A_237 = vector.broadcast %sub3A_165 : f32 to vector<16xf32>
        %add3A_238 = arith.addf %add3A_237, %add3A_220 : vector<16xf32>
        %sub3A_239 = vector.broadcast %sub3A_165 : f32 to vector<16xf32>
        %sub3A_240 = arith.subf %sub3A_239, %add3A_222 : vector<16xf32>
        %mul3A_241 = arith.mulf %sub3A_240, %rev3A_206 : vector<16xf32>
        %mul3A_242 = arith.mulf %rev3A_213, %add3A_238 : vector<16xf32>
        %add3A_243 = arith.addf %mul3A_241, %mul3A_242 : vector<16xf32>
        %eq3A_244 = arith.constant 0.000000e+00 : f32
        %eq3A_245 = vector.broadcast %eq3A_244 : f32 to vector<16xf32>
        %eq3A_246 = arith.cmpf oeq, %add3A_238, %eq3A_245 : vector<16xf32>
        %add3A_247 = arith.addf %add3A_238, %rev3A_206 : vector<16xf32>
        %mul3A_248 = arith.mulf %add3A_238, %add3A_247 : vector<16xf32>
        %div3A_249 = arith.divf %add3A_243, %mul3A_248 : vector<16xf32>
        %select_n3A_250 = arith.select %eq3A_246, %broadcast_in_dim3A_167, %div3A_249 : vector<16xi1>, vector<16xf32>
        %mul3A_251 = arith.constant 16 : i32
        %mul3A_252 = arith.muli %add3A_192, %mul3A_251 : i32
        %sub3A_253 = arith.constant 32767 : i32
        %sub3A_254 = arith.subi %sub3A_253, %mul3A_252 : i32
        %sub3A_255 = vector.broadcast %sub3A_254 : i32 to vector<16xi32>
        %sub3A_256 = arith.subi %sub3A_255, %iota3A : vector<16xi32>
        %bitcast3A = vector.bitcast %sub3A_256 : vector<16xi32> to vector<16xi32>
        %shift_left3A = arith.constant 17 : i32
        %shift_left3A_257 = vector.broadcast %shift_left3A : i32 to vector<16xi32>
        %shift_left3A_258 = arith.shli %bitcast3A, %shift_left3A_257 : vector<16xi32>
        %xor3A = arith.constant -2147483648 : i32
        %xor3A_259 = vector.broadcast %xor3A : i32 to vector<16xi32>
        %xor3A_260 = arith.xori %shift_left3A_258, %xor3A_259 : vector<16xi32>
        %bitcast3A_261 = vector.bitcast %xor3A_260 : vector<16xi32> to vector<16xf32>
        %max3A = arith.constant 0.000000e+00 : f32
        %max3A_262 = vector.broadcast %max3A : f32 to vector<16xf32>
        %max3A_263 = arith.maximumf %bitcast3A_261, %max3A_262 : vector<16xf32>
        %add3A_264 = arith.addf %select_n3A_236, %select_n3A_250 : vector<16xf32>
        %mul3A_265 = arith.mulf %max3A_263, %add3A_264 : vector<16xf32>
        %add3A_266 = arith.addf %rev3A_206, %rev3A_213 : vector<16xf32>
        %gt3A = arith.constant 0.000000e+00 : f32
        %gt3A_267 = vector.broadcast %gt3A : f32 to vector<16xf32>
        %gt3A_268 = arith.cmpf ogt, %add3A_266, %gt3A_267 : vector<16xf32>
        %select_n3A_269 = arith.select %gt3A_268, %mul3A_265, %broadcast_in_dim3A_35 : vector<16xi1>, vector<16xf32>
        %add3A_270 = arith.addf %scan3A_186, %select_n3A_269 : vector<16xf32>
        %lt3A_271 = arith.constant 0 : i32
        %lt3A_272 = vector.broadcast %lt3A_271 : i32 to vector<16xi32>
        %lt3A_273 = arith.cmpi slt, %broadcast_in_dim3A_169, %lt3A_272 : vector<16xi32>
        %add3A_274 = arith.constant 16 : i32
        %add3A_275 = vector.broadcast %add3A_274 : i32 to vector<16xi32>
        %add3A_276 = arith.addi %broadcast_in_dim3A_169, %add3A_275 : vector<16xi32>
        %select_n3A_277 = arith.select %lt3A_273, %add3A_276, %broadcast_in_dim3A_169 : vector<16xi1>, vector<16xi32>
        %reshape3A = vector.shape_cast %select_n3A_277 : vector<16xi32> to vector<16x1xi32>
        %gather3A = vector.shape_cast %reshape3A : vector<16x1xi32> to vector<16xi32>
        %gather3A_278 = tpu.dynamic_gather %masked_cumsum3A_218[%gather3A] in [0] : vector<16xf32>, vector<16xi32> -> vector<16xf32>
        %add3A_279 = arith.addf %scan3A_187, %gather3A_278 : vector<16xf32>
        %lt3A_280 = arith.constant 0 : i32
        %lt3A_281 = vector.broadcast %lt3A_280 : i32 to vector<16xi32>
        %lt3A_282 = arith.cmpi slt, %broadcast_in_dim3A_169, %lt3A_281 : vector<16xi32>
        %add3A_283 = arith.constant 16 : i32
        %add3A_284 = vector.broadcast %add3A_283 : i32 to vector<16xi32>
        %add3A_285 = arith.addi %broadcast_in_dim3A_169, %add3A_284 : vector<16xi32>
        %select_n3A_286 = arith.select %lt3A_282, %add3A_285, %broadcast_in_dim3A_169 : vector<16xi1>, vector<16xi32>
        %reshape3A_287 = vector.shape_cast %select_n3A_286 : vector<16xi32> to vector<16x1xi32>
        %gather3A_288 = vector.shape_cast %reshape3A_287 : vector<16x1xi32> to vector<16xi32>
        %gather3A_289 = tpu.dynamic_gather %masked_cumsum3A[%gather3A_288] in [0] : vector<16xf32>, vector<16xi32> -> vector<16xf32>
        %add3A_290 = arith.addf %scan3A_188, %gather3A_289 : vector<16xf32>
        %mul3A_291 = arith.constant 4 : i32
        %mul3A_292 = arith.muli %scan3A_185, %mul3A_291 : i32
        %add3A_293 = arith.constant 1 : i32
        %add3A_294 = arith.addi %mul3A_292, %add3A_293 : i32
        %add3A_295 = arith.constant 1 : i32
        %add3A_296 = arith.addi %add3A_294, %add3A_295 : i32
        %mul3A_297 = arith.constant 16 : i32
        %mul3A_298 = arith.muli %add3A_296, %mul3A_297 : i32
        %sub3A_299 = arith.constant 32768 : i32
        %sub3A_300 = arith.subi %sub3A_299, %mul3A_298 : i32
        %add3A_301 = arith.constant 32768 : i32
        %add3A_302 = arith.addi %add3A_301, %sub3A_300 : i32
        %get3A_303 = arith.index_cast %add3A_302 : i32 to index
        %get3A_304 = tpu.vector_load %arg12[%get3A_303] {strides = array<i32>} : memref<65536xf32, #tpu.memory_space<vmem>>, vector<16xf32>,
        %rev3A_305 = arith.constant 15 : i32
        %rev3A_306 = vector.broadcast %rev3A_305 : i32 to vector<16xi32>
        %rev3A_307 = tpu.iota {dimensions = array<i32: 0>} : vector<16xi32>
        %rev3A_308 = arith.subi %rev3A_306, %rev3A_307 : vector<16xi32>
        %rev3A_309 = tpu.dynamic_gather %get3A_304[%rev3A_308] in [0] : vector<16xf32>, vector<16xi32> -> vector<16xf32>
        %get3A_310 = arith.index_cast %sub3A_300 : i32 to index
        %get3A_311 = tpu.vector_load %arg12[%get3A_310] {strides = array<i32>} : memref<65536xf32, #tpu.memory_space<vmem>>, vector<16xf32>,
        %rev3A_312 = arith.constant 15 : i32
        %rev3A_313 = vector.broadcast %rev3A_312 : i32 to vector<16xi32>
        %rev3A_314 = tpu.iota {dimensions = array<i32: 0>} : vector<16xi32>
        %rev3A_315 = arith.subi %rev3A_313, %rev3A_314 : vector<16xi32>
        %rev3A_316 = tpu.dynamic_gather %get3A_311[%rev3A_315] in [0] : vector<16xf32>, vector<16xi32> -> vector<16xf32>
        %broadcast_in_dim3A_317 = arith.constant true
        %broadcast_in_dim3A_318 = vector.broadcast %broadcast_in_dim3A_317 : i1 to vector<16xi1>
        %masked_cumsum3A_319 = tpu.scan <sum>, %rev3A_309 masked %broadcast_in_dim3A_318 : vector<16xf32>, vector<16xi1> -> vector<16xf32>
        %broadcast_in_dim3A_320 = arith.constant true
        %broadcast_in_dim3A_321 = vector.broadcast %broadcast_in_dim3A_320 : i1 to vector<16xi1>
        %masked_cumsum3A_322 = tpu.scan <sum>, %rev3A_316 masked %broadcast_in_dim3A_321 : vector<16xf32>, vector<16xi1> -> vector<16xf32>
        %sub3A_323 = arith.subf %masked_cumsum3A_319, %rev3A_309 : vector<16xf32>
        %add3A_324 = arith.addf %add3A_290, %sub3A_323 : vector<16xf32>
        %sub3A_325 = arith.subf %masked_cumsum3A_322, %rev3A_316 : vector<16xf32>
        %add3A_326 = arith.addf %add3A_279, %sub3A_325 : vector<16xf32>
        %add3A_327 = vector.broadcast %add3A_163 : f32 to vector<16xf32>
        %add3A_328 = arith.addf %add3A_327, %add3A_326 : vector<16xf32>
        %sub3A_329 = vector.broadcast %add3A_163 : f32 to vector<16xf32>
        %sub3A_330 = arith.subf %sub3A_329, %add3A_324 : vector<16xf32>
        %mul3A_331 = arith.mulf %sub3A_330, %rev3A_316 : vector<16xf32>
        %mul3A_332 = arith.mulf %rev3A_309, %add3A_328 : vector<16xf32>
        %add3A_333 = arith.addf %mul3A_331, %mul3A_332 : vector<16xf32>
        %eq3A_334 = arith.constant 0.000000e+00 : f32
        %eq3A_335 = vector.broadcast %eq3A_334 : f32 to vector<16xf32>
        %eq3A_336 = arith.cmpf oeq, %add3A_328, %eq3A_335 : vector<16xf32>
        %add3A_337 = arith.addf %add3A_328, %rev3A_316 : vector<16xf32>
        %mul3A_338 = arith.mulf %add3A_328, %add3A_337 : vector<16xf32>
        %div3A_339 = arith.divf %add3A_333, %mul3A_338 : vector<16xf32>
        %select_n3A_340 = arith.select %eq3A_336, %broadcast_in_dim3A_167, %div3A_339 : vector<16xi1>, vector<16xf32>
        %add3A_341 = vector.broadcast %sub3A_165 : f32 to vector<16xf32>
        %add3A_342 = arith.addf %add3A_341, %add3A_324 : vector<16xf32>
        %sub3A_343 = vector.broadcast %sub3A_165 : f32 to vector<16xf32>
        %sub3A_344 = arith.subf %sub3A_343, %add3A_326 : vector<16xf32>
        %mul3A_345 = arith.mulf %sub3A_344, %rev3A_309 : vector<16xf32>
        %mul3A_346 = arith.mulf %rev3A_316, %add3A_342 : vector<16xf32>
        %add3A_347 = arith.addf %mul3A_345, %mul3A_346 : vector<16xf32>
        %eq3A_348 = arith.constant 0.000000e+00 : f32
        %eq3A_349 = vector.broadcast %eq3A_348 : f32 to vector<16xf32>
        %eq3A_350 = arith.cmpf oeq, %add3A_342, %eq3A_349 : vector<16xf32>
        %add3A_351 = arith.addf %add3A_342, %rev3A_309 : vector<16xf32>
        %mul3A_352 = arith.mulf %add3A_342, %add3A_351 : vector<16xf32>
        %div3A_353 = arith.divf %add3A_347, %mul3A_352 : vector<16xf32>
        %select_n3A_354 = arith.select %eq3A_350, %broadcast_in_dim3A_167, %div3A_353 : vector<16xi1>, vector<16xf32>
        %mul3A_355 = arith.constant 16 : i32
        %mul3A_356 = arith.muli %add3A_294, %mul3A_355 : i32
        %sub3A_357 = arith.constant 32767 : i32
        %sub3A_358 = arith.subi %sub3A_357, %mul3A_356 : i32
        %sub3A_359 = vector.broadcast %sub3A_358 : i32 to vector<16xi32>
        %sub3A_360 = arith.subi %sub3A_359, %iota3A : vector<16xi32>
        %bitcast3A_361 = vector.bitcast %sub3A_360 : vector<16xi32> to vector<16xi32>
        %shift_left3A_362 = arith.constant 17 : i32
        %shift_left3A_363 = vector.broadcast %shift_left3A_362 : i32 to vector<16xi32>
        %shift_left3A_364 = arith.shli %bitcast3A_361, %shift_left3A_363 : vector<16xi32>
        %xor3A_365 = arith.constant -2147483648 : i32
        %xor3A_366 = vector.broadcast %xor3A_365 : i32 to vector<16xi32>
        %xor3A_367 = arith.xori %shift_left3A_364, %xor3A_366 : vector<16xi32>
        %bitcast3A_368 = vector.bitcast %xor3A_367 : vector<16xi32> to vector<16xf32>
        %max3A_369 = arith.constant 0.000000e+00 : f32
        %max3A_370 = vector.broadcast %max3A_369 : f32 to vector<16xf32>
        %max3A_371 = arith.maximumf %bitcast3A_368, %max3A_370 : vector<16xf32>
        %add3A_372 = arith.addf %select_n3A_340, %select_n3A_354 : vector<16xf32>
        %mul3A_373 = arith.mulf %max3A_371, %add3A_372 : vector<16xf32>
        %add3A_374 = arith.addf %rev3A_309, %rev3A_316 : vector<16xf32>
        %gt3A_375 = arith.constant 0.000000e+00 : f32
        %gt3A_376 = vector.broadcast %gt3A_375 : f32 to vector<16xf32>
        %gt3A_377 = arith.cmpf ogt, %add3A_374, %gt3A_376 : vector<16xf32>
        %select_n3A_378 = arith.select %gt3A_377, %mul3A_373, %broadcast_in_dim3A_35 : vector<16xi1>, vector<16xf32>
        %add3A_379 = arith.addf %add3A_270, %select_n3A_378 : vector<16xf32>
        %lt3A_380 = arith.constant 0 : i32
        %lt3A_381 = vector.broadcast %lt3A_380 : i32 to vector<16xi32>
        %lt3A_382 = arith.cmpi slt, %broadcast_in_dim3A_169, %lt3A_381 : vector<16xi32>
        %add3A_383 = arith.constant 16 : i32
        %add3A_384 = vector.broadcast %add3A_383 : i32 to vector<16xi32>
        %add3A_385 = arith.addi %broadcast_in_dim3A_169, %add3A_384 : vector<16xi32>
        %select_n3A_386 = arith.select %lt3A_382, %add3A_385, %broadcast_in_dim3A_169 : vector<16xi1>, vector<16xi32>
        %reshape3A_387 = vector.shape_cast %select_n3A_386 : vector<16xi32> to vector<16x1xi32>
        %gather3A_388 = vector.shape_cast %reshape3A_387 : vector<16x1xi32> to vector<16xi32>
        %gather3A_389 = tpu.dynamic_gather %masked_cumsum3A_322[%gather3A_388] in [0] : vector<16xf32>, vector<16xi32> -> vector<16xf32>
        %add3A_390 = arith.addf %add3A_279, %gather3A_389 : vector<16xf32>
        %lt3A_391 = arith.constant 0 : i32
        %lt3A_392 = vector.broadcast %lt3A_391 : i32 to vector<16xi32>
        %lt3A_393 = arith.cmpi slt, %broadcast_in_dim3A_169, %lt3A_392 : vector<16xi32>
        %add3A_394 = arith.constant 16 : i32
        %add3A_395 = vector.broadcast %add3A_394 : i32 to vector<16xi32>
        %add3A_396 = arith.addi %broadcast_in_dim3A_169, %add3A_395 : vector<16xi32>
        %select_n3A_397 = arith.select %lt3A_393, %add3A_396, %broadcast_in_dim3A_169 : vector<16xi1>, vector<16xi32>
        %reshape3A_398 = vector.shape_cast %select_n3A_397 : vector<16xi32> to vector<16x1xi32>
        %gather3A_399 = vector.shape_cast %reshape3A_398 : vector<16x1xi32> to vector<16xi32>
        %gather3A_400 = tpu.dynamic_gather %masked_cumsum3A_319[%gather3A_399] in [0] : vector<16xf32>, vector<16xi32> -> vector<16xf32>
        %add3A_401 = arith.addf %add3A_290, %gather3A_400 : vector<16xf32>
        %mul3A_402 = arith.constant 4 : i32
        %mul3A_403 = arith.muli %scan3A_185, %mul3A_402 : i32
        %add3A_404 = arith.constant 2 : i32
        %add3A_405 = arith.addi %mul3A_403, %add3A_404 : i32
        %add3A_406 = arith.constant 1 : i32
        %add3A_407 = arith.addi %add3A_405, %add3A_406 : i32
        %mul3A_408 = arith.constant 16 : i32
        %mul3A_409 = arith.muli %add3A_407, %mul3A_408 : i32
        %sub3A_410 = arith.constant 32768 : i32
        %sub3A_411 = arith.subi %sub3A_410, %mul3A_409 : i32
        %add3A_412 = arith.constant 32768 : i32
        %add3A_413 = arith.addi %add3A_412, %sub3A_411 : i32
        %get3A_414 = arith.index_cast %add3A_413 : i32 to index
        %get3A_415 = tpu.vector_load %arg12[%get3A_414] {strides = array<i32>} : memref<65536xf32, #tpu.memory_space<vmem>>, vector<16xf32>,
        %rev3A_416 = arith.constant 15 : i32
        %rev3A_417 = vector.broadcast %rev3A_416 : i32 to vector<16xi32>
        %rev3A_418 = tpu.iota {dimensions = array<i32: 0>} : vector<16xi32>
        %rev3A_419 = arith.subi %rev3A_417, %rev3A_418 : vector<16xi32>
        %rev3A_420 = tpu.dynamic_gather %get3A_415[%rev3A_419] in [0] : vector<16xf32>, vector<16xi32> -> vector<16xf32>
        %get3A_421 = arith.index_cast %sub3A_411 : i32 to index
        %get3A_422 = tpu.vector_load %arg12[%get3A_421] {strides = array<i32>} : memref<65536xf32, #tpu.memory_space<vmem>>, vector<16xf32>,
        %rev3A_423 = arith.constant 15 : i32
        %rev3A_424 = vector.broadcast %rev3A_423 : i32 to vector<16xi32>
        %rev3A_425 = tpu.iota {dimensions = array<i32: 0>} : vector<16xi32>
        %rev3A_426 = arith.subi %rev3A_424, %rev3A_425 : vector<16xi32>
        %rev3A_427 = tpu.dynamic_gather %get3A_422[%rev3A_426] in [0] : vector<16xf32>, vector<16xi32> -> vector<16xf32>
        %broadcast_in_dim3A_428 = arith.constant true
        %broadcast_in_dim3A_429 = vector.broadcast %broadcast_in_dim3A_428 : i1 to vector<16xi1>
        %masked_cumsum3A_430 = tpu.scan <sum>, %rev3A_420 masked %broadcast_in_dim3A_429 : vector<16xf32>, vector<16xi1> -> vector<16xf32>
        %broadcast_in_dim3A_431 = arith.constant true
        %broadcast_in_dim3A_432 = vector.broadcast %broadcast_in_dim3A_431 : i1 to vector<16xi1>
        %masked_cumsum3A_433 = tpu.scan <sum>, %rev3A_427 masked %broadcast_in_dim3A_432 : vector<16xf32>, vector<16xi1> -> vector<16xf32>
        %sub3A_434 = arith.subf %masked_cumsum3A_430, %rev3A_420 : vector<16xf32>
        %add3A_435 = arith.addf %add3A_401, %sub3A_434 : vector<16xf32>
        %sub3A_436 = arith.subf %masked_cumsum3A_433, %rev3A_427 : vector<16xf32>
        %add3A_437 = arith.addf %add3A_390, %sub3A_436 : vector<16xf32>
        %add3A_438 = vector.broadcast %add3A_163 : f32 to vector<16xf32>
        %add3A_439 = arith.addf %add3A_438, %add3A_437 : vector<16xf32>
        %sub3A_440 = vector.broadcast %add3A_163 : f32 to vector<16xf32>
        %sub3A_441 = arith.subf %sub3A_440, %add3A_435 : vector<16xf32>
        %mul3A_442 = arith.mulf %sub3A_441, %rev3A_427 : vector<16xf32>
        %mul3A_443 = arith.mulf %rev3A_420, %add3A_439 : vector<16xf32>
        %add3A_444 = arith.addf %mul3A_442, %mul3A_443 : vector<16xf32>
        %eq3A_445 = arith.constant 0.000000e+00 : f32
        %eq3A_446 = vector.broadcast %eq3A_445 : f32 to vector<16xf32>
        %eq3A_447 = arith.cmpf oeq, %add3A_439, %eq3A_446 : vector<16xf32>
        %add3A_448 = arith.addf %add3A_439, %rev3A_427 : vector<16xf32>
        %mul3A_449 = arith.mulf %add3A_439, %add3A_448 : vector<16xf32>
        %div3A_450 = arith.divf %add3A_444, %mul3A_449 : vector<16xf32>
        %select_n3A_451 = arith.select %eq3A_447, %broadcast_in_dim3A_167, %div3A_450 : vector<16xi1>, vector<16xf32>
        %add3A_452 = vector.broadcast %sub3A_165 : f32 to vector<16xf32>
        %add3A_453 = arith.addf %add3A_452, %add3A_435 : vector<16xf32>
        %sub3A_454 = vector.broadcast %sub3A_165 : f32 to vector<16xf32>
        %sub3A_455 = arith.subf %sub3A_454, %add3A_437 : vector<16xf32>
        %mul3A_456 = arith.mulf %sub3A_455, %rev3A_420 : vector<16xf32>
        %mul3A_457 = arith.mulf %rev3A_427, %add3A_453 : vector<16xf32>
        %add3A_458 = arith.addf %mul3A_456, %mul3A_457 : vector<16xf32>
        %eq3A_459 = arith.constant 0.000000e+00 : f32
        %eq3A_460 = vector.broadcast %eq3A_459 : f32 to vector<16xf32>
        %eq3A_461 = arith.cmpf oeq, %add3A_453, %eq3A_460 : vector<16xf32>
        %add3A_462 = arith.addf %add3A_453, %rev3A_420 : vector<16xf32>
        %mul3A_463 = arith.mulf %add3A_453, %add3A_462 : vector<16xf32>
        %div3A_464 = arith.divf %add3A_458, %mul3A_463 : vector<16xf32>
        %select_n3A_465 = arith.select %eq3A_461, %broadcast_in_dim3A_167, %div3A_464 : vector<16xi1>, vector<16xf32>
        %mul3A_466 = arith.constant 16 : i32
        %mul3A_467 = arith.muli %add3A_405, %mul3A_466 : i32
        %sub3A_468 = arith.constant 32767 : i32
        %sub3A_469 = arith.subi %sub3A_468, %mul3A_467 : i32
        %sub3A_470 = vector.broadcast %sub3A_469 : i32 to vector<16xi32>
        %sub3A_471 = arith.subi %sub3A_470, %iota3A : vector<16xi32>
        %bitcast3A_472 = vector.bitcast %sub3A_471 : vector<16xi32> to vector<16xi32>
        %shift_left3A_473 = arith.constant 17 : i32
        %shift_left3A_474 = vector.broadcast %shift_left3A_473 : i32 to vector<16xi32>
        %shift_left3A_475 = arith.shli %bitcast3A_472, %shift_left3A_474 : vector<16xi32>
        %xor3A_476 = arith.constant -2147483648 : i32
        %xor3A_477 = vector.broadcast %xor3A_476 : i32 to vector<16xi32>
        %xor3A_478 = arith.xori %shift_left3A_475, %xor3A_477 : vector<16xi32>
        %bitcast3A_479 = vector.bitcast %xor3A_478 : vector<16xi32> to vector<16xf32>
        %max3A_480 = arith.constant 0.000000e+00 : f32
        %max3A_481 = vector.broadcast %max3A_480 : f32 to vector<16xf32>
        %max3A_482 = arith.maximumf %bitcast3A_479, %max3A_481 : vector<16xf32>
        %add3A_483 = arith.addf %select_n3A_451, %select_n3A_465 : vector<16xf32>
        %mul3A_484 = arith.mulf %max3A_482, %add3A_483 : vector<16xf32>
        %add3A_485 = arith.addf %rev3A_420, %rev3A_427 : vector<16xf32>
        %gt3A_486 = arith.constant 0.000000e+00 : f32
        %gt3A_487 = vector.broadcast %gt3A_486 : f32 to vector<16xf32>
        %gt3A_488 = arith.cmpf ogt, %add3A_485, %gt3A_487 : vector<16xf32>
        %select_n3A_489 = arith.select %gt3A_488, %mul3A_484, %broadcast_in_dim3A_35 : vector<16xi1>, vector<16xf32>
        %add3A_490 = arith.addf %add3A_379, %select_n3A_489 : vector<16xf32>
        %lt3A_491 = arith.constant 0 : i32
        %lt3A_492 = vector.broadcast %lt3A_491 : i32 to vector<16xi32>
        %lt3A_493 = arith.cmpi slt, %broadcast_in_dim3A_169, %lt3A_492 : vector<16xi32>
        %add3A_494 = arith.constant 16 : i32
        %add3A_495 = vector.broadcast %add3A_494 : i32 to vector<16xi32>
        %add3A_496 = arith.addi %broadcast_in_dim3A_169, %add3A_495 : vector<16xi32>
        %select_n3A_497 = arith.select %lt3A_493, %add3A_496, %broadcast_in_dim3A_169 : vector<16xi1>, vector<16xi32>
        %reshape3A_498 = vector.shape_cast %select_n3A_497 : vector<16xi32> to vector<16x1xi32>
        %gather3A_499 = vector.shape_cast %reshape3A_498 : vector<16x1xi32> to vector<16xi32>
        %gather3A_500 = tpu.dynamic_gather %masked_cumsum3A_433[%gather3A_499] in [0] : vector<16xf32>, vector<16xi32> -> vector<16xf32>
        %add3A_501 = arith.addf %add3A_390, %gather3A_500 : vector<16xf32>
        %lt3A_502 = arith.constant 0 : i32
        %lt3A_503 = vector.broadcast %lt3A_502 : i32 to vector<16xi32>
        %lt3A_504 = arith.cmpi slt, %broadcast_in_dim3A_169, %lt3A_503 : vector<16xi32>
        %add3A_505 = arith.constant 16 : i32
        %add3A_506 = vector.broadcast %add3A_505 : i32 to vector<16xi32>
        %add3A_507 = arith.addi %broadcast_in_dim3A_169, %add3A_506 : vector<16xi32>
        %select_n3A_508 = arith.select %lt3A_504, %add3A_507, %broadcast_in_dim3A_169 : vector<16xi1>, vector<16xi32>
        %reshape3A_509 = vector.shape_cast %select_n3A_508 : vector<16xi32> to vector<16x1xi32>
        %gather3A_510 = vector.shape_cast %reshape3A_509 : vector<16x1xi32> to vector<16xi32>
        %gather3A_511 = tpu.dynamic_gather %masked_cumsum3A_430[%gather3A_510] in [0] : vector<16xf32>, vector<16xi32> -> vector<16xf32>
        %add3A_512 = arith.addf %add3A_401, %gather3A_511 : vector<16xf32>
        %mul3A_513 = arith.constant 4 : i32
        %mul3A_514 = arith.muli %scan3A_185, %mul3A_513 : i32
        %add3A_515 = arith.constant 3 : i32
        %add3A_516 = arith.addi %mul3A_514, %add3A_515 : i32
        %add3A_517 = arith.constant 1 : i32
        %add3A_518 = arith.addi %add3A_516, %add3A_517 : i32
        %mul3A_519 = arith.constant 16 : i32
        %mul3A_520 = arith.muli %add3A_518, %mul3A_519 : i32
        %sub3A_521 = arith.constant 32768 : i32
        %sub3A_522 = arith.subi %sub3A_521, %mul3A_520 : i32
        %add3A_523 = arith.constant 32768 : i32
        %add3A_524 = arith.addi %add3A_523, %sub3A_522 : i32
        %get3A_525 = arith.index_cast %add3A_524 : i32 to index
        %get3A_526 = tpu.vector_load %arg12[%get3A_525] {strides = array<i32>} : memref<65536xf32, #tpu.memory_space<vmem>>, vector<16xf32>,
        %rev3A_527 = arith.constant 15 : i32
        %rev3A_528 = vector.broadcast %rev3A_527 : i32 to vector<16xi32>
        %rev3A_529 = tpu.iota {dimensions = array<i32: 0>} : vector<16xi32>
        %rev3A_530 = arith.subi %rev3A_528, %rev3A_529 : vector<16xi32>
        %rev3A_531 = tpu.dynamic_gather %get3A_526[%rev3A_530] in [0] : vector<16xf32>, vector<16xi32> -> vector<16xf32>
        %get3A_532 = arith.index_cast %sub3A_522 : i32 to index
        %get3A_533 = tpu.vector_load %arg12[%get3A_532] {strides = array<i32>} : memref<65536xf32, #tpu.memory_space<vmem>>, vector<16xf32>,
        %rev3A_534 = arith.constant 15 : i32
        %rev3A_535 = vector.broadcast %rev3A_534 : i32 to vector<16xi32>
        %rev3A_536 = tpu.iota {dimensions = array<i32: 0>} : vector<16xi32>
        %rev3A_537 = arith.subi %rev3A_535, %rev3A_536 : vector<16xi32>
        %rev3A_538 = tpu.dynamic_gather %get3A_533[%rev3A_537] in [0] : vector<16xf32>, vector<16xi32> -> vector<16xf32>
        %broadcast_in_dim3A_539 = arith.constant true
        %broadcast_in_dim3A_540 = vector.broadcast %broadcast_in_dim3A_539 : i1 to vector<16xi1>
        %masked_cumsum3A_541 = tpu.scan <sum>, %rev3A_531 masked %broadcast_in_dim3A_540 : vector<16xf32>, vector<16xi1> -> vector<16xf32>
        %broadcast_in_dim3A_542 = arith.constant true
        %broadcast_in_dim3A_543 = vector.broadcast %broadcast_in_dim3A_542 : i1 to vector<16xi1>
        %masked_cumsum3A_544 = tpu.scan <sum>, %rev3A_538 masked %broadcast_in_dim3A_543 : vector<16xf32>, vector<16xi1> -> vector<16xf32>
        %sub3A_545 = arith.subf %masked_cumsum3A_541, %rev3A_531 : vector<16xf32>
        %add3A_546 = arith.addf %add3A_512, %sub3A_545 : vector<16xf32>
        %sub3A_547 = arith.subf %masked_cumsum3A_544, %rev3A_538 : vector<16xf32>
        %add3A_548 = arith.addf %add3A_501, %sub3A_547 : vector<16xf32>
        %add3A_549 = vector.broadcast %add3A_163 : f32 to vector<16xf32>
        %add3A_550 = arith.addf %add3A_549, %add3A_548 : vector<16xf32>
        %sub3A_551 = vector.broadcast %add3A_163 : f32 to vector<16xf32>
        %sub3A_552 = arith.subf %sub3A_551, %add3A_546 : vector<16xf32>
        %mul3A_553 = arith.mulf %sub3A_552, %rev3A_538 : vector<16xf32>
        %mul3A_554 = arith.mulf %rev3A_531, %add3A_550 : vector<16xf32>
        %add3A_555 = arith.addf %mul3A_553, %mul3A_554 : vector<16xf32>
        %eq3A_556 = arith.constant 0.000000e+00 : f32
        %eq3A_557 = vector.broadcast %eq3A_556 : f32 to vector<16xf32>
        %eq3A_558 = arith.cmpf oeq, %add3A_550, %eq3A_557 : vector<16xf32>
        %add3A_559 = arith.addf %add3A_550, %rev3A_538 : vector<16xf32>
        %mul3A_560 = arith.mulf %add3A_550, %add3A_559 : vector<16xf32>
        %div3A_561 = arith.divf %add3A_555, %mul3A_560 : vector<16xf32>
        %select_n3A_562 = arith.select %eq3A_558, %broadcast_in_dim3A_167, %div3A_561 : vector<16xi1>, vector<16xf32>
        %add3A_563 = vector.broadcast %sub3A_165 : f32 to vector<16xf32>
        %add3A_564 = arith.addf %add3A_563, %add3A_546 : vector<16xf32>
        %sub3A_565 = vector.broadcast %sub3A_165 : f32 to vector<16xf32>
        %sub3A_566 = arith.subf %sub3A_565, %add3A_548 : vector<16xf32>
        %mul3A_567 = arith.mulf %sub3A_566, %rev3A_531 : vector<16xf32>
        %mul3A_568 = arith.mulf %rev3A_538, %add3A_564 : vector<16xf32>
        %add3A_569 = arith.addf %mul3A_567, %mul3A_568 : vector<16xf32>
        %eq3A_570 = arith.constant 0.000000e+00 : f32
        %eq3A_571 = vector.broadcast %eq3A_570 : f32 to vector<16xf32>
        %eq3A_572 = arith.cmpf oeq, %add3A_564, %eq3A_571 : vector<16xf32>
        %add3A_573 = arith.addf %add3A_564, %rev3A_531 : vector<16xf32>
        %mul3A_574 = arith.mulf %add3A_564, %add3A_573 : vector<16xf32>
        %div3A_575 = arith.divf %add3A_569, %mul3A_574 : vector<16xf32>
        %select_n3A_576 = arith.select %eq3A_572, %broadcast_in_dim3A_167, %div3A_575 : vector<16xi1>, vector<16xf32>
        %mul3A_577 = arith.constant 16 : i32
        %mul3A_578 = arith.muli %add3A_516, %mul3A_577 : i32
        %sub3A_579 = arith.constant 32767 : i32
        %sub3A_580 = arith.subi %sub3A_579, %mul3A_578 : i32
        %sub3A_581 = vector.broadcast %sub3A_580 : i32 to vector<16xi32>
        %sub3A_582 = arith.subi %sub3A_581, %iota3A : vector<16xi32>
        %bitcast3A_583 = vector.bitcast %sub3A_582 : vector<16xi32> to vector<16xi32>
        %shift_left3A_584 = arith.constant 17 : i32
        %shift_left3A_585 = vector.broadcast %shift_left3A_584 : i32 to vector<16xi32>
        %shift_left3A_586 = arith.shli %bitcast3A_583, %shift_left3A_585 : vector<16xi32>
        %xor3A_587 = arith.constant -2147483648 : i32
        %xor3A_588 = vector.broadcast %xor3A_587 : i32 to vector<16xi32>
        %xor3A_589 = arith.xori %shift_left3A_586, %xor3A_588 : vector<16xi32>
        %bitcast3A_590 = vector.bitcast %xor3A_589 : vector<16xi32> to vector<16xf32>
        %max3A_591 = arith.constant 0.000000e+00 : f32
        %max3A_592 = vector.broadcast %max3A_591 : f32 to vector<16xf32>
        %max3A_593 = arith.maximumf %bitcast3A_590, %max3A_592 : vector<16xf32>
        %add3A_594 = arith.addf %select_n3A_562, %select_n3A_576 : vector<16xf32>
        %mul3A_595 = arith.mulf %max3A_593, %add3A_594 : vector<16xf32>
        %add3A_596 = arith.addf %rev3A_531, %rev3A_538 : vector<16xf32>
        %gt3A_597 = arith.constant 0.000000e+00 : f32
        %gt3A_598 = vector.broadcast %gt3A_597 : f32 to vector<16xf32>
        %gt3A_599 = arith.cmpf ogt, %add3A_596, %gt3A_598 : vector<16xf32>
        %select_n3A_600 = arith.select %gt3A_599, %mul3A_595, %broadcast_in_dim3A_35 : vector<16xi1>, vector<16xf32>
        %add3A_601 = arith.addf %add3A_490, %select_n3A_600 : vector<16xf32>
        %lt3A_602 = arith.constant 0 : i32
        %lt3A_603 = vector.broadcast %lt3A_602 : i32 to vector<16xi32>
        %lt3A_604 = arith.cmpi slt, %broadcast_in_dim3A_169, %lt3A_603 : vector<16xi32>
        %add3A_605 = arith.constant 16 : i32
        %add3A_606 = vector.broadcast %add3A_605 : i32 to vector<16xi32>
        %add3A_607 = arith.addi %broadcast_in_dim3A_169, %add3A_606 : vector<16xi32>
        %select_n3A_608 = arith.select %lt3A_604, %add3A_607, %broadcast_in_dim3A_169 : vector<16xi1>, vector<16xi32>
        %reshape3A_609 = vector.shape_cast %select_n3A_608 : vector<16xi32> to vector<16x1xi32>
        %gather3A_610 = vector.shape_cast %reshape3A_609 : vector<16x1xi32> to vector<16xi32>
        %gather3A_611 = tpu.dynamic_gather %masked_cumsum3A_544[%gather3A_610] in [0] : vector<16xf32>, vector<16xi32> -> vector<16xf32>
        %add3A_612 = arith.addf %add3A_501, %gather3A_611 : vector<16xf32>
        %lt3A_613 = arith.constant 0 : i32
        %lt3A_614 = vector.broadcast %lt3A_613 : i32 to vector<16xi32>
        %lt3A_615 = arith.cmpi slt, %broadcast_in_dim3A_169, %lt3A_614 : vector<16xi32>
        %add3A_616 = arith.constant 16 : i32
        %add3A_617 = vector.broadcast %add3A_616 : i32 to vector<16xi32>
        %add3A_618 = arith.addi %broadcast_in_dim3A_169, %add3A_617 : vector<16xi32>
        %select_n3A_619 = arith.select %lt3A_615, %add3A_618, %broadcast_in_dim3A_169 : vector<16xi1>, vector<16xi32>
        %reshape3A_620 = vector.shape_cast %select_n3A_619 : vector<16xi32> to vector<16x1xi32>
        %gather3A_621 = vector.shape_cast %reshape3A_620 : vector<16x1xi32> to vector<16xi32>
        %gather3A_622 = tpu.dynamic_gather %masked_cumsum3A_541[%gather3A_621] in [0] : vector<16xf32>, vector<16xi32> -> vector<16xf32>
        %add3A_623 = arith.addf %add3A_512, %gather3A_622 : vector<16xf32>
        scf.yield %add3A_601, %add3A_612, %add3A_623 : vector<16xf32>, vector<16xf32>, vector<16xf32>
      }
      %scan3A_175 = arith.constant 256 : i32
      %reduce_sum3A_176 = arith.constant true
      %reduce_sum3A_177 = vector.broadcast %reduce_sum3A_176 : i1 to vector<16xi1>
      %reduce_sum3A_178 = tpu.scan <sum>, %scan3A_174#0 masked %reduce_sum3A_177 : vector<16xf32>, vector<16xi1> -> vector<16xf32>
      %reduce_sum3A_179 = vector.extract %reduce_sum3A_178[15] : f32 from vector<16xf32>
      %mul3A_180 = arith.constant 5.000000e-01 : f32
      %mul3A_181 = arith.mulf %reduce_sum3A_179, %mul3A_180 : f32
      %broadcast_in_dim3A_182 = vector.broadcast %mul3A_181 : f32 to vector<16xf32>
      %swap3A_183 = arith.constant 0 : index
      %swap3A_184 = tpu.vector_load %arg14[%swap3A_183] {strides = array<i32>} : memref<16xf32, #tpu.memory_space<vmem>>, vector<16xf32>,
      tpu.vector_store %arg14[%swap3A_183], %broadcast_in_dim3A_182 {strides = array<i32>} : memref<16xf32, #tpu.memory_space<vmem>>, vector<16xf32>,
      "tpu.region"() ({
        %run_scoped3A = tpu.sem_alloc : memref<!tpu.dma_semaphore, #tpu.memory_space<semaphore_mem>>
        %dma_start3A_185 = arith.constant 0 : i32
        %dma_start3A_186 = tpu.memref_slice %arg4[%add3A_30, %dma_start3A_185] : memref<16x16xf32, #tpu.memory_space<hbm>> -> memref<1x16xf32, #tpu.memory_space<hbm>>
        %dma_start3A_187 = tpu.memref_squeeze %dma_start3A_186 : memref<1x16xf32, #tpu.memory_space<hbm>> -> memref<16xf32, #tpu.memory_space<hbm>>
        %dma_start3A_188 = arith.constant 0 : i32
        %dma_start3A_189 = tpu.memref_slice %arg4[%add3A_30, %dma_start3A_188] : memref<16x16xf32, #tpu.memory_space<hbm>> -> memref<1x16xf32, #tpu.memory_space<hbm>>
        %dma_start3A_190 = tpu.memref_squeeze %dma_start3A_189 : memref<1x16xf32, #tpu.memory_space<hbm>> -> memref<16xf32, #tpu.memory_space<hbm>>
        tpu.enqueue_dma source(%arg14 : memref<16xf32, #tpu.memory_space<vmem>>) target(%dma_start3A_190 : memref<16xf32, #tpu.memory_space<hbm>>) target_semaphore(%run_scoped3A : memref<!tpu.dma_semaphore, #tpu.memory_space<semaphore_mem>>)
        %dma_wait3A_191 = arith.constant 0 : i32
        %dma_wait3A_192 = tpu.memref_slice %arg4[%add3A_30, %dma_wait3A_191] : memref<16x16xf32, #tpu.memory_space<hbm>> -> memref<1x16xf32, #tpu.memory_space<hbm>>
        %dma_wait3A_193 = tpu.memref_squeeze %dma_wait3A_192 : memref<1x16xf32, #tpu.memory_space<hbm>> -> memref<16xf32, #tpu.memory_space<hbm>>
        %dma_wait3A_194 = arith.constant 0 : i32
        %dma_wait3A_195 = tpu.memref_slice %arg4[%add3A_30, %dma_wait3A_194] : memref<16x16xf32, #tpu.memory_space<hbm>> -> memref<1x16xf32, #tpu.memory_space<hbm>>
        %dma_wait3A_196 = tpu.memref_squeeze %dma_wait3A_195 : memref<1x16xf32, #tpu.memory_space<hbm>> -> memref<16xf32, #tpu.memory_space<hbm>>
        tpu.wait_dma2 semaphore(%run_scoped3A : memref<!tpu.dma_semaphore, #tpu.memory_space<semaphore_mem>>) src(%arg14 : memref<16xf32, #tpu.memory_space<vmem>>) dst(%dma_wait3A_196 : memref<16xf32, #tpu.memory_space<hbm>>)
        tpu.yield
      }) : () -> ()
      "tpu.trace_stop"() : () -> ()
    } else {
    }
    return
  }
}

</mosaic_0001>

<sc_bundles>
// kernel: kernel.3.cloned.1.call-start
scs
__scs_entry_jumppad:
0x0: {  	(pc) =	sbr.rel $0x88, $3  }
0x1: {  	(tag) =	ssettag $0x0;
	lr =	simm.s32 $0x1  }
0x2: {  	[smem:$0x3F9F] =	sst lr;
	_ =	strace $0xD0000000  }
0x3: {  	_ = 	snop  }
0x4: {  	_ = 	snop  }
0x5: {  	_ = 	snop  }
0x6: {  	_ = 	snop  }
0x7: {  	_ = 	snop  }
__scs_overlays_trampoline_lowered:
0x8: {  	[smem:$0x3FAE] =	sst s0  }
0x9: {  	[smem:$0x3FAF] =	sst s1  }
0xa: {  	[smem:$0x3FB0] =	sst s2  }
0xb: {  	[smem:$0x3FB1] =	sst s3  }
0xc: {  	[smem:$0x3FB2] =	sst s4  }
0xd: {  	[smem:$0x3FB3] =	sst s5  }
0xe: {  	[smem:$0x3FB4] =	sst s6  }
0xf: {  	[smem:$0x3FB5] =	sst s7  }
0x10: {  	[smem:$0x3FB6] =	sst s8  }
0x11: {  	[smem:$0x3FB7] =	sst s9;
	s0 =	simm.s32 @!p0 $0x0  }
0x12: {  	s1 =	sld [smem:$0x3F9D];
	s0 =	simm.s32 @p0 $0x1  }
0x13: {  	[smem:$0x3FB8] =	sst s0;
	s0 =	simm.s32 @!p1 $0x0  }
0x14: {  	s2 =	sld [smem:$0x3F9C];
	s0 =	simm.s32 @p1 $0x1  }
0x15: {  	[smem:$0x3FB9] =	sst s0;
	s0 =	simm.s32 @!p2 $0x0  }
0x16: {  	s3 =	sld [smem:$0x3FDB];
	s0 =	simm.s32 @p2 $0x1  }
0x17: {  	s4 =	simm.s32 $0x1BF5;
	[smem:$0x3FBB] =	sst s0  }
0x18: {  	s0 =	sld [smem:$0x3F9E];
	_ =	swait.ge [sflag:s4], $0x0  }
0x19: {  	s7 =	sld [smem:$0x3F9F]  }
0x1a: {  	s8 =	sadd.s32 $0xFFFFE003, lr  }
0x1b: {  	s9 =	sadd.s32 $0xFFFFFEF7, lr;
	s5 =	simm.s32 $0xFFFFFFFF;
	p2 =	slt.u32 s8, $0xFFFFF086  }
0x1c: {  	p1 =	slt.u32 s9, $0xF7A;
	s5 =	simm.s32 @!p2 $0x0  }
0x1d: {  	s5 =	simm.s32 @p1 $0x1;
	p0 =	seq.s32 s7, s2  }
0x1e: {  	s7 =	smul.u32 @!p0 $0xF7A, s2;
	p2 =	seq.s32 @!p0 s5, $0x0  }
0x1f: {  	s9 =	smul.u32 $0xF7A, s1;
	s8 =	simm.s32 @!p0 $0x1BF5;
	p2 =	por !p2, p0  }
0x20: {  	[sflag:s8] =	ssyncset.s32 @!p0 $0xFFFFF086;
	s6 =	sadd.s32 @!p0 s3, s7;
	s7 =	simm.s32 @!p0 $0x108  }
0x21: {  	s3 =	sadd.s32 s3, s9;
	s6 =	sadd.s32 @!p0 $0x88, s6;
	s7 =	simm.s32 @p2 $0x1082  }
0x22: {  	[simem:s7], [sflag:s8] =	dma.local @!p0 [hbm:s6], $0xF7A  }
0x23: {  	s9 =	sor.u32 $0xD0000000, s2;
	s6 =	simm.s32 $0x108;
	_ =	swait.ge @!p0 [sflag:s8], $0x0  }
0x24: {  	s3 =	sadd.s32 $0x88, s3;
	s6 =	simm.s32 @!p1 $0x1082;
	[sflag:s4] =	ssyncset.s32 $0xFFFFF086  }
0x25: {  	[simem:s6], [sflag:s4] =	dma.local [hbm:s3], $0xF7A  }
0x26: {  	[smem:$0x3F9F] =	sst s1;
	(tag) =	ssettag s2;
	_ =	strace s9  }
0x27: {  	s1 =	sld [smem:$0x3FAF]  }
0x28: {  	s2 =	sld [smem:$0x3FB0]  }
0x29: {  	s4 =	sld [smem:$0x3FB2]  }
0x2a: {  	p0 =	seq.s32 s5, $0x0;
	s5 =	sld [smem:$0x3FB3]  }
0x2b: {  	s6 =	sld [smem:$0x3FB4]  }
0x2c: {  	s7 =	sld [smem:$0x3FB5]  }
0x2d: {  	s3 =	simm.s32 $0x108;
	s8 =	sld [smem:$0x3FB6]  }
0x2e: {  	s3 =	simm.s32 @!p0 $0x1082;
	s9 =	sld [smem:$0x3FB7]  }
0x2f: {  	lr =	sadd.s32 s0, s3;
	s0 =	sld [smem:$0x3FAE]  }
0x30: {  	s3 =	sld [smem:$0x3FB1]  }
0x31: {  	[smem:$0x3FBA] =	sst s10  }
0x32: {  	s10 =	sld [smem:$0x3FB8];
	_ =	sdelay $0x3  }
0x33: {  	p0 =	seq.s32 s10, $0x1;
	s10 =	sld [smem:$0x3FBA];
	_ =	sdelay $0x3  }
0x34: {  	[smem:$0x3FBA] =	sst s10  }
0x35: {  	s10 =	sld [smem:$0x3FB9];
	_ =	sdelay $0x3  }
0x36: {  	p1 =	seq.s32 s10, $0x1;
	s10 =	sld [smem:$0x3FBA];
	_ =	sdelay $0x3  }
0x37: {  	[smem:$0x3FBA] =	sst s10  }
0x38: {  	s10 =	sld [smem:$0x3FBB]  }
0x39: {  	_ = 	snop;
	(pc) =	sbr.ind lr, $3  }
0x3a: {  	_ = 	snop  }
0x3b: {  	_ = 	snop  }
0x3c: {  	p2 =	seq.s32 s10, $0x1;
	s10 =	sld [smem:$0x3FBA]  }
0x3d: {  	_ =	shalt  }
0x3e: {  	_ =	shalt  }
0x3f: {  	_ =	shalt  }
0x40: {  	_ =	shalt  }
0x41: {  	_ =	shalt  }
0x42: {  	_ =	shalt  }
0x43: {  	_ =	shalt  }
0x44: {  	_ =	shalt  }
0x45: {  	_ =	shalt  }
0x46: {  	_ =	shalt  }
0x47: {  	_ =	shalt  }
0x48: {  	_ =	shalt  }
0x49: {  	_ =	shalt  }
0x4a: {  	_ =	shalt  }
0x4b: {  	_ =	shalt  }
0x4c: {  	_ =	shalt  }
0x4d: {  	_ =	shalt  }
0x4e: {  	_ =	shalt  }
0x4f: {  	_ =	shalt  }
0x50: {  	_ =	shalt  }
0x51: {  	_ =	shalt  }
0x52: {  	_ =	shalt  }
0x53: {  	_ =	shalt  }
0x54: {  	_ =	shalt  }
0x55: {  	_ =	shalt  }
0x56: {  	_ =	shalt  }
0x57: {  	_ =	shalt  }
0x58: {  	_ =	shalt  }
0x59: {  	_ =	shalt  }
0x5a: {  	_ =	shalt  }
0x5b: {  	_ =	shalt  }
0x5c: {  	_ =	shalt  }
0x5d: {  	_ =	shalt  }
0x5e: {  	_ =	shalt  }
0x5f: {  	_ =	shalt  }
0x60: {  	_ =	shalt  }
0x61: {  	_ =	shalt  }
0x62: {  	_ =	shalt  }
0x63: {  	_ =	shalt  }
0x64: {  	_ =	shalt  }
0x65: {  	_ =	shalt  }
0x66: {  	_ =	shalt  }
0x67: {  	_ =	shalt  }
0x68: {  	_ =	shalt  }
0x69: {  	_ =	shalt  }
0x6a: {  	_ =	shalt  }
0x6b: {  	_ =	shalt  }
0x6c: {  	_ =	shalt  }
0x6d: {  	_ =	shalt  }
0x6e: {  	_ =	shalt  }
0x6f: {  	_ =	shalt  }
0x70: {  	_ =	shalt  }
0x71: {  	_ =	shalt  }
0x72: {  	_ =	shalt  }
0x73: {  	_ =	shalt  }
0x74: {  	_ =	shalt  }
0x75: {  	_ =	shalt  }
0x76: {  	_ =	shalt  }
0x77: {  	_ =	shalt  }
0x78: {  	_ =	shalt  }
0x79: {  	_ =	shalt  }
0x7a: {  	_ =	shalt  }
0x7b: {  	_ =	shalt  }
0x7c: {  	_ =	shalt  }
0x7d: {  	_ =	shalt  }
0x7e: {  	_ =	shalt  }
0x7f: {  	_ =	shalt  }
0x80: {  	_ =	shalt  }
0x81: {  	_ =	shalt  }
0x82: {  	_ =	shalt  }
0x83: {  	_ =	shalt  }
0x84: {  	_ =	shalt  }
0x85: {  	_ =	shalt  }
0x86: {  	_ =	shalt  }
0x87: {  	_ =	shalt  }
.Lfunc_end0:
.L_simem_size_0:
called_computation_lowered:
.L_overlay_start_0:
0x88: {  	s2 =	sld [smem:$0x3FD9]  }
0x89: {  	s3 =	sld [smem:$0x3FFE];
	_ =	sdelay $0x1  }
0x8a: {  	s1 =	srdreg.scid  }
0x8b: {  	s0 =	sand.u32 $0x1, s1  }
0x8c: {  	s16 =	sshll.u32 s0, $0xA;
	s2 =	sadd.s32 s3, s2  }
0x8d: {  	s2 =	sadd.s32 s2, s16  }
0x8e: {  	[smem:$0x3FC6] =	sst s2  }
0x8f: {  	_ = 	snop  }
0x90: {  	(tm) =	ssettm $0x1  }
0x91: {  	s17 =	sld [smem:$0x3FFB];
	_ =	sdelay $0x3  }
0x92: {  	_ =	strace s17  }
0x93: {  	s2 =	sld [smem:$0x3FFC];
	_ =	sdelay $0x3  }
0x94: {  	_ =	strace s2  }
0x95: {  	s2 =	sld [smem:$0x3FFD];
	_ =	sdelay $0x3  }
0x96: {  	_ =	strace s2  }
0x97: {  	_ =	strace $0x8FFFFFFF  }
0x98: {  	s18 =	sld [smem:$0x3FDB];
	_ =	sdelay $0x1  }
0x99: {  	s19 =	simm.s32 $_scs_section_size  }
0x9a: {  	s4 =	simm.s32 $_size__tile_overlayer_lowered;
	s5 =	simm.s32 $_tile_overlayer_lowered  }
0x9b: {  	s22 =	simm.s32 $0x1BFF;
	s21 =	sshll.u32 s5, $0x1;
	s2 =	sadd.s32 s19, s18  }
0x9c: {  	s6 =	simm.s32 $0x0;
	s20 =	sshll.u32 s4, $0x1;
	s4 =	sadd.s32 s21, s2  }
0x9d: {  	[timem:s6], [sflag:s22] =	dma.local [hbm:s4], s20  }
0x9e: {  	_ =	swait.ge [sflag:s22], s20  }
0x9f: {  	s3 =	ssub.s32 $0x0, s20;
	[sflag:s22] =	ssyncset.done $0x0  }
0xa0: {  	[sflag:s22] =	ssyncadd.s32 s3;
	_ =	sdelay $0x1  }
0xa1: {  	s23 =	simm.s32 $0x1B8B  }
0xa2: {  	_ =	swait.ge [sflag:s23], $0x1  }
0xa3: {  	[sflag:s23] =	ssyncset.done $0x0  }
0xa4: {  	s25 =	simm.s32 $0x1B8E;
	s24 =	sld [smem:$0x3FFE];
	[sflag:s23] =	ssyncadd.s32 $0xFFFFFFFF  }
0xa5: {  	s26 =	simm.s32 $execute0_lowered;
	[smem:$0x3FD2] =	sst s25  }
0xa6: {  	s4 =	sshll.u32 s26, $0x1;
	_ =	strace $0x80000046;
	[dreg:$0x1] =	wrdreg $0xFFFFFFFF  }
0xa7: {  	s28 =	simm.s32 $_size_execute0_lowered;
	s2 =	sadd.s32 s2, s4;
	[dreg:$0x0] =	wrdreg $0x0  }
0xa8: {  	s4 =	sshll.u32 s28, $0x1;
	[dreg:$0x2] =	wrdreg s2  }
0xa9: {  	[dreg:$0x3] =	wrdreg s4  }
0xaa: {  	[dreg:$0x4] =	wrdreg $0xC0  }
0xab: {  	_ =	task [dreg:s6], $0x5FFFF  }
0xac: {  	[dreg:$0x1] =	wrdreg $0xFFFFFFFF  }
0xad: {  	[dreg:$0x0] =	wrdreg $0x60  }
0xae: {  	[dreg:$0x2] =	wrdreg s24  }
0xaf: {  	[dreg:$0x3] =	wrdreg $0x1F1000  }
0xb0: {  	[dreg:$0x4] =	wrdreg $0x171000  }
0xb1: {  	[dreg:$0x5] =	wrdreg $0x9  }
0xb2: {  	_ =	task.clear_ibuf [dreg:s6], $0x6FFFF;
	_ =	strace $0x90000046  }
0xb3: {  	s29 =	simm.s32 $0x9;
	_ =	strace $0x8000004C  }
0xb4: {  	_ =	swait.ge [sflag:s29], $0x1  }
0xb5: {  	[sflag:s29] =	ssyncadd.s32 $0xFFFFFFFF  }
0xb6: {  	_ =	strace $0x9000004C  }
0xb7: {  	_ =	sfence  }
0xb8: {  	s30 =	sld [smem:$0x0];
	_ =	sdelay $0x2  }
0xb9: {  	s31 =	sshll.u32 s1, $0xD;
	s1 =	sshrl.u32 s1, $0x2  }
0xba: {  	s3 =	sand.u32 $0x4000, s31;
	s1 =	sadd.s32 s1, s30  }
0xbb: {  	s0 =	sor.u32 s3, s0;
	s1 =	sshll.u32 s1, $0x11  }
0xbc: {  	s0 =	sor.u32 s1, s0  }
0xbd: {  	s0 =	sadd.s32 $0x8F2B, s0  }
0xbe: {  	[sflag:s0] =	ssyncadd.remote.s32 $0x1  }
0xbf: {  	_ =	sfence.sel $0xFFFF  }
0xc0: {  	[dreg:$0x0] =	wrdreg $0xFFFFFFFF;
	(pc) =	sbr.abs _section_cstart, $3  }
0xc1: {  	[dreg:$0x1] =	wrdreg $0xFFFFFFFF  }
0xc2: {  	_ =	task.clear_ibuf [dreg:s6], $0x2FFFF;
	_ =	strace $0x9FFFFFFF  }
0xc3: {  	(tm) =	ssettm $0x7FFFFFFF  }
tec
execute0_lowered:
.L_overlay_start_1:
0x0: {  	(tag) =	ssettag $0x1  }
0x1: {  	s0 =	rddreg [dreg:$0x0]  }
0x2: {  	s1 =	rddreg [dreg:$0x1]  }
0x3: {  	s2 =	rddreg [dreg:$0x2];
	s3 =	srdreg.scid  }
0x4: {  	s17 =	stileid.u32;
	s28 =	simm.s32 $0x4000;
	s29 =	simm.s32 $0x6000  }
0x5: {  	s30 =	simm.s32 $0x3;
	s31 =	simm.s32 $0x4;
	s18 =	simm.s32 $0x8  }
0x6: {  	s7 =	sand.u32 $0x1, s3;
	s3 =	simm.s32 $0x0;
	s8 =	sand.u32 $0x7, s17  }
0x7: {  	s10 =	sshrl.u32 s17, $0x3;
	s6 =	sadd.s32 $0x48200, s0;
	s12 =	sshll.u32 s17, $0x4  }
0x8: {  	s21 =	sshll.u32 s17, $0xF;
	s24 =	sshll.u32 s17, $0x7;
	s25 =	sshll.u32 s17, $0x10  }
0x9: {  	s4 =	sshll.u32 s7, $0x3;
	[smem:$0x7FF] =	sst s3;
	s9 =	ssub.s32 $0x2, s7  }
0xa: {  	s5 =	smul.u32 $0x12000, s10;
	s15 =	sadd.s32 s24, s1;
	s7 =	sshll.u32 s7, $0x7  }
0xb: {  	s1 =	sadd.s32 s25, s2;
	p0 =	sne.s32 s10, $0x0;
	s24 =	simm.s32 $0x3000  }
0xc: {  	s25 =	simm.s32 $0x1;
	s4 =	sor.u32 s8, s4;
	_ =	strace $0x80000047  }
0xd: {  	s13 =	sshrl.u32 s9, $0x1;
	s8 =	sshll.u32 s8, $0x10;
	[dreg:$0x8] =	wrdreg s1  }
0xe: {  	s26 =	sadd.s32 $0x400, s15;
	s1 =	simm.s32 $0x5;
	s11 =	smul.u32 $0x24000, s4  }
0xf: {  	s4 =	sadd.s32 $0x200, s0;
	s0 =	sadd.s32 s12, s0;
	s16 =	ssub.s32 s9, s13  }
0x10: {  	[dreg:$0x9] =	wrdreg s26;
	s26 =	simm.s32 $0x2;
	s0 =	sadd.s32 s7, s0  }
0x11: {  	s19 =	smax.u32 s16, $0x1;
	s16 =	simm.s32 $0x6;
	s20 =	sadd.s32 s5, s11  }
0x12: {  	s13 =	sor.u32 $0x1000, s11;
	s14 =	sor.u32 $0x2000, s11;
	s0 =	sadd.s32 $0x90200, s0  }
0x13: {  	s9 =	sshrl.u32 s20, $0x3;
	[dreg:$0xa] =	wrdreg s0;
	s0 =	simm.s32 $0x5000  }
.Ltmp0:
0x14: {  	s22 =	sadd.s32 s4, s9;
	s9 =	sadd.s32 s6, s9;
	(pc) =	sbr.rel .LBB2_1-.Ltmp0, $4  }
0x15: {  	s20 =	simm.s32 $0x0;
	[dreg:$0x5] =	wrdreg s9;
	s9 =	sadd.s32 s21, s2  }
0x16: {  	[dreg:$0x4] =	wrdreg s22;
	s21 =	simm.s32 $0x7000;
	s12 =	sadd.s32 $0x2000, s9  }
0x17: {  	v1 =	vimm.f32 $0.0e+00;
	v2 =	vimm.f32 $1.000000000e+00;
	s22 =	simm.s32 $0x7;
	s23 =	sadd.s32 $0x4000, s9;
	[dreg:$0x6] =	wrdreg s12  }
0x18: {  	v3 =	vlaneseq.u32;
	v4 =	vimm.s32 $0xF;
	v0 =	vmov s8;
	[dreg:$0x7] =	wrdreg s23;
	s12 =	sadd.s32 $0x6000, s9;
	s23 =	simm.s32 $0x1000  }
.LBB2_15:
0x19: {  	s20 =	sadd.s32 $0x1, s20  }
0x1a: {  	p1 =	sne.s32 s20, s19  }
.Ltmp1:
0x1b: {  	_ = 	snop;
	(pc) =	sbr.rel @!p1 .LBB2_16-.Ltmp1, $1  }
0x1c: {  	_ =	sdelay $0x3  }
.LBB2_1:
0x1d: {  	s7 =	rddreg [dreg:$0x4]  }
0x1e: {  	[tilespmem:s3], [sflag:$0x1] =	stream.linear.gather [hbm4b:s7+s3], $0x1000, $0x38;
	[tilespmem:$0x1F110] =	vst v63  }
0x1f: {  	s17 =	rddreg [dreg:$0x5];
	s8 =	simm.s32 $0x2000  }
0x20: {  	[tilespmem:s8], [sflag:$0x2] =	stream.linear.gather [hbm4b:s17+s3], $0x1000, $0x38;
	[tilespmem:$0x1F110] =	vst v63  }
0x21: {  	s7 =	simm.s32 $0x0;
	s8 =	simm.s32 $0x400;
	_ =	strace $0x80000048  }
.LBB2_2:
0x22: {  	p1 =	sne.s32 s8, $0x7C00;
	[tilespmem:s7+$0x70F0] =	vst v1  }
0x23: {  	[tilespmem:s7+$0x7000] =	vst v1  }
0x24: {  	[tilespmem:s7+$0x7010] =	vst v1  }
0x25: {  	[tilespmem:s7+$0x7020] =	vst v1  }
0x26: {  	[tilespmem:s7+$0x7030] =	vst v1  }
0x27: {  	[tilespmem:s7+$0x7040] =	vst v1  }
0x28: {  	[tilespmem:s7+$0x7050] =	vst v1  }
0x29: {  	[tilespmem:s7+$0x7060] =	vst v1  }
0x2a: {  	[tilespmem:s7+$0x7070] =	vst v1  }
0x2b: {  	[tilespmem:s7+$0x7080] =	vst v1  }
0x2c: {  	[tilespmem:s7+$0x7090] =	vst v1  }
.Ltmp2:
0x2d: {  	[tilespmem:s7+$0x70A0] =	vst v1;
	(pc) =	sbr.rel @p1 .LBB2_2-.Ltmp2, $4  }
0x2e: {  	[tilespmem:s7+$0x70B0] =	vst v1  }
0x2f: {  	[tilespmem:s7+$0x70C0] =	vst v1  }
0x30: {  	[tilespmem:s7+$0x70D0] =	vst v1  }
0x31: {  	[tilespmem:s7+$0x70E0] =	vst v1;
	s7 =	sshra.s32 s8, $0x2;
	s8 =	sadd.s32 $0x400, s8  }
0x32: {  	[tilespmem:s7+$0x70F0] =	vst v1  }
0x33: {  	[tilespmem:s7+$0x7000] =	vst v1  }
0x34: {  	[tilespmem:s7+$0x7010] =	vst v1  }
0x35: {  	[tilespmem:s7+$0x7020] =	vst v1  }
0x36: {  	[tilespmem:s7+$0x7030] =	vst v1  }
0x37: {  	[tilespmem:s7+$0x7040] =	vst v1  }
0x38: {  	[tilespmem:s7+$0x7050] =	vst v1  }
0x39: {  	[tilespmem:s7+$0x7060] =	vst v1  }
0x3a: {  	[tilespmem:s7+$0x7070] =	vst v1  }
0x3b: {  	[tilespmem:s7+$0x7080] =	vst v1  }
0x3c: {  	[tilespmem:s7+$0x7090] =	vst v1  }
0x3d: {  	[tilespmem:s7+$0x70A0] =	vst v1  }
0x3e: {  	[tilespmem:s7+$0x70B0] =	vst v1  }
0x3f: {  	[tilespmem:s7+$0x70C0] =	vst v1  }
0x40: {  	[tilespmem:s7+$0x70D0] =	vst v1  }
0x41: {  	[tilespmem:s7+$0x70E0] =	vst v1  }
0x42: {  	[spmem:s9] =	stream.linear.scatter [tilespmem:s21], [sflag:$0x7], $0x2000, $0x200038;
	[tilespmem:$0x1F110] =	vst v63  }
0x43: {  	s11 =	rddreg [dreg:$0x6]  }
0x44: {  	[spmem:s11] =	stream.linear.scatter [tilespmem:s21], [sflag:$0x7], $0x2000, $0x200038;
	[tilespmem:$0x1F110] =	vst v63  }
0x45: {  	s17 =	rddreg [dreg:$0x7]  }
0x46: {  	[spmem:s17] =	stream.linear.scatter [tilespmem:s21], [sflag:$0x7], $0x2000, $0x200038;
	[tilespmem:$0x1F110] =	vst v63  }
0x47: {  	s7 =	simm.s32 $0x0;
	s8 =	simm.s32 $0x200  }
0x48: {  	[spmem:s12] =	stream.linear.scatter [tilespmem:s21], [sflag:$0x7], $0x2000, $0x200038;
	[tilespmem:$0x1F110] =	vst v63  }
.LBB2_4:
0x49: {  	p1 =	sne.s32 s8, $0x3E00;
	[tilespmem:s7+$0x6070] =	vst v2  }
0x4a: {  	[tilespmem:s7+$0x6000] =	vst v2  }
0x4b: {  	[tilespmem:s7+$0x6010] =	vst v2  }
.Ltmp3:
0x4c: {  	[tilespmem:s7+$0x6020] =	vst v2;
	(pc) =	sbr.rel @p1 .LBB2_4-.Ltmp3, $4  }
0x4d: {  	[tilespmem:s7+$0x6030] =	vst v2  }
0x4e: {  	[tilespmem:s7+$0x6040] =	vst v2  }
0x4f: {  	[tilespmem:s7+$0x6050] =	vst v2  }
0x50: {  	[tilespmem:s7+$0x6060] =	vst v2;
	s7 =	sshra.s32 s8, $0x2;
	s8 =	sadd.s32 $0x200, s8  }
0x51: {  	[tilespmem:s7+$0x6070] =	vst v2  }
0x52: {  	[tilespmem:s7+$0x6000] =	vst v2  }
0x53: {  	[tilespmem:s7+$0x6010] =	vst v2  }
0x54: {  	[tilespmem:s7+$0x6020] =	vst v2  }
0x55: {  	[tilespmem:s7+$0x6030] =	vst v2  }
0x56: {  	[tilespmem:s7+$0x6040] =	vst v2  }
0x57: {  	[tilespmem:s7+$0x6050] =	vst v2  }
0x58: {  	[tilespmem:s7+$0x6060] =	vst v2  }
0x59: {  	_ =	swait.ge [sflag:s22], $0x2000  }
0x5a: {  	[sflag:s22] =	ssyncset.done $0x0  }
0x5b: {  	[sflag:s22] =	ssyncadd.s32 $0xFFFFE000  }
0x5c: {  	_ =	swait.ge [sflag:s22], $0x2000  }
0x5d: {  	[sflag:s22] =	ssyncset.done $0x0  }
0x5e: {  	[sflag:s22] =	ssyncadd.s32 $0xFFFFE000  }
0x5f: {  	_ =	swait.ge [sflag:s22], $0x2000  }
0x60: {  	[sflag:s22] =	ssyncset.done $0x0  }
0x61: {  	[sflag:s22] =	ssyncadd.s32 $0xFFFFE000  }
0x62: {  	_ =	swait.ge [sflag:s22], $0x2000  }
0x63: {  	[sflag:s22] =	ssyncset.done $0x0  }
0x64: {  	[sflag:s22] =	ssyncadd.s32 $0xFFFFE000  }
0x65: {  	_ =	strace $0x90000048  }
0x66: {  	[bflag:$0x0] =	sbarrier.arrive $0xFFFF  }
0x67: {  	s17 =	simm.s32 $0x0;
	v5 =	vimm.f32 $0.0e+00;
	_ =	strace $0x80000049  }
.LBB2_6:
0x68: {  	s7 =	sshll.u32 s17, $0xD  }
0x69: {  	s7 =	sadd.s32 s5, s7  }
0x6a: {  	s8 =	sadd.s32 s7, s13  }
0x6b: {  	s8 =	sshrl.u32 s8, $0x3  }
0x6c: {  	s10 =	sadd.s32 s4, s8  }
0x6d: {  	[tilespmem:s23], [sflag:$0x3] =	stream.linear.gather [hbm4b:s10+s3], $0x1000, $0x200038;
	[tilespmem:$0x1F110] =	vst v63  }
0x6e: {  	s8 =	sadd.s32 s6, s8  }
0x6f: {  	[tilespmem:s24], [sflag:$0x4] =	stream.linear.gather [hbm4b:s8+s3], $0x1000, $0x200038;
	[tilespmem:$0x1F110] =	vst v63  }
0x70: {  	_ =	swait.ge [sflag:s25], $0x1000  }
0x71: {  	[sflag:s25] =	ssyncset.done $0x0  }
0x72: {  	[sflag:s25] =	ssyncadd.s32 $0xFFFFF000  }
0x73: {  	_ =	swait.ge [sflag:s26], $0x1000  }
0x74: {  	p1 =	seq.s32 s17, $0x0;
	[sflag:s26] =	ssyncset.done $0x0  }
0x75: {  	s8 =	simm.s32 @!p1 $0x5;
	[sflag:s26] =	ssyncadd.s32 $0xFFFFF000  }
0x76: {  	_ =	swait.ge @!p1 [sflag:s8], $0x1000  }
0x77: {  	[sflag:s8] =	ssyncset.done @!p1 $0x0  }
0x78: {  	[sflag:s8] =	ssyncadd.s32 @!p1 $0xFFFFF000;
	s8 =	simm.s32 $0x0  }
0x79: {  	v6 =	vld [tilespmem:s8+$0x2000]  }
0x7a: {  	v7 =	vld [tilespmem:s8+$0x0]  }
0x7b: {  	v8 =	vld [tilespmem:s8+$0x2010]  }
0x7c: {  	v9 =	vld [tilespmem:s8+$0x10]  }
0x7d: {  	v10 =	vld [tilespmem:s8+$0x2020]  }
0x7e: {  	v12 =	vld [tilespmem:s8+$0x20]  }
0x7f: {  	v15 =	vld [tilespmem:s8+$0x30]  }
0x80: {  	v17 =	vld [tilespmem:s8+$0x2040]  }
0x81: {  	v20 =	vld [tilespmem:s8+$0x40]  }
0x82: {  	v23 =	vld [tilespmem:s8+$0x50]  }
0x83: {  	v27 =	vld [tilespmem:s8+$0x2070]  }
0x84: {  	v29 =	vld [tilespmem:s8+$0x70]  }
0x85: {  	v11 =	vcvt.s32.f32 v6;
	v14 =	vcvt.s32.f32 v8;
	v6 =	vshll.u32 v6, $0xF  }
0x86: {  	v13 =	vld [tilespmem:s8+$0x2030];
	v16 =	vadd.f32 $1.000000000e+00, v7;
	v18 =	vadd.f32 $1.000000000e+00, v9;
	v19 =	vcvt.s32.f32 v10  }
0x87: {  	v22 =	vadd.f32 $1.000000000e+00, v12;
	v24 =	vadd.f32 $1.000000000e+00, v15;
	v25 =	vcvt.s32.f32 v17  }
0x88: {  	v28 =	vadd.f32 $1.000000000e+00, v20;
	v55 =	vadd.f32 $1.000000000e+00, v23;
	v30 =	vcvt.s32.f32 v27  }
0x89: {  	v21 =	vld [tilespmem:s8+$0x2050];
	v31 =	vadd.f32 $1.000000000e+00, v29;
	v5 =	vadd.f32 v11, v5;
	v11 =	vmul.f32 v11, v7  }
0x8a: {  	v7 =	vshll.u32 v8, $0xF;
	v9 =	vmul.f32 v14, v9;
	v8 =	vshll.u32 v10, $0xF  }
0x8b: {  	v5 =	vadd.f32 v14, v5;
	v14 =	vadd.f32 v11, v11;
	v11 =	vcvt.s32.f32 v13  }
0x8c: {  	v12 =	vmul.f32 v19, v12;
	v10 =	vshll.u32 v13, $0xF;
	v29 =	vmul.f32 v30, v29  }
0x8d: {  	v9 =	vadd.f32 v9, v9;
	v5 =	vadd.f32 v19, v5;
	v13 =	vmul.f32 v11, v15  }
0x8e: {  	v15 =	vadd.f32 v12, v12;
	v12 =	vcvt.s32.f32 v21;
	v14 =	vsub.f32 v16, v14  }
0x8f: {  	v19 =	vld [tilespmem:s8+$0x2060];
	v16 =	vsub.f32 v18, v9;
	v9 =	vshll.u32 v27, $0xF;
	v18 =	vadd.f32 v29, v29  }
0x90: {  	v5 =	vadd.f32 v11, v5;
	v11 =	vshll.u32 v17, $0xF;
	v17 =	vmul.f32 v25, v20  }
0x91: {  	v26 =	vld [tilespmem:s8+$0x60];
	v20 =	vadd.f32 v13, v13;
	v15 =	vsub.f32 v22, v15;
	v22 =	vshra.s32 v16, $0x1F  }
0x92: {  	v18 =	vsub.f32 v31, v18;
	v22 =	vor.u32 $0x80000000, v22;
	v5 =	vadd.f32 v25, v5  }
0x93: {  	v17 =	vadd.f32 v17, v17;
	v20 =	vsub.f32 v24, v20;
	v56 =	vshra.s32 v15, $0x1F  }
0x94: {  	v61 =	vshra.s32 v18, $0x1F;
	v16 =	vxor.u32 v16, v22;
	v13 =	vcvt.s32.f32 v19  }
0x95: {  	v24 =	vor.u32 $0x80000000, v56;
	v29 =	vor.u32 $0x80000000, v61;
	v16 =	vadd.s32 $0x10000, v16  }
0x96: {  	v5 =	vadd.f32 v12, v5;
	v12 =	vmul.f32 v12, v23;
	v23 =	vadd.f32 $1.000000000e+00, v26  }
0x97: {  	v17 =	vsub.f32 v28, v17;
	v57 =	vshra.s32 v20, $0x1F;
	v15 =	vxor.u32 v15, v24  }
0x98: {  	v18 =	vxor.u32 v18, v29;
	v26 =	vmul.f32 v13, v26;
	v25 =	vor.u32 $0x80000000, v57  }
0x99: {  	v15 =	vadd.s32 $0x10000, v15;
	v62 =	vadd.s32 $0x10000, v18;
	v5 =	vadd.f32 v13, v5  }
0x9a: {  	v13 =	vshll.u32 v21, $0xF;
	v21 =	vadd.f32 v12, v12;
	v12 =	vshll.u32 v19, $0xF  }
0x9b: {  	v19 =	vshra.s32 v14, $0x1F;
	v58 =	vshra.s32 v17, $0x1F;
	v63 =	vshrl.u32 v15, $0x1  }
0x9c: {  	v15 =	vshrl.u32 v62, $0x1;
	v26 =	vadd.f32 v26, v26;
	v19 =	vor.u32 $0x80000000, v19  }
0x9d: {  	v5 =	vadd.f32 v30, v5;
	v21 =	vsub.f32 v55, v21;
	v14 =	vxor.u32 v14, v19  }
0x9e: {  	v19 =	vxor.u32 v20, v25;
	v23 =	vsub.f32 v23, v26;
	v26 =	vor.u32 $0x80000000, v58  }
0x9f: {  	v14 =	vadd.s32 $0x10000, v14;
	v19 =	vadd.s32 $0x10000, v19;
	v59 =	vshra.s32 v21, $0x1F  }
0xa0: {  	v17 =	vxor.u32 v17, v26;
	v22 =	vshrl.u32 v14, $0x1;
	v18 =	vshrl.u32 v19, $0x1  }
0xa1: {  	v19 =	vshrl.u32 v63, $0x10;
	v60 =	vshra.s32 v23, $0x1F;
	v27 =	vor.u32 $0x80000000, v59  }
0xa2: {  	v17 =	vadd.s32 $0x10000, v17;
	v28 =	vor.u32 $0x80000000, v60;
	v20 =	vxor.u32 v21, v27  }
0xa3: {  	v17 =	vshrl.u32 v17, $0x1;
	v21 =	vxor.u32 v23, v28;
	v20 =	vadd.s32 $0x10000, v20  }
0xa4: {  	v23 =	vshrl.u32 v16, $0x1;
	v21 =	vadd.s32 $0x10000, v21;
	v16 =	vshrl.u32 v20, $0x1  }
0xa5: {  	s11 =	simm.s32 $0x400;
	s10 =	simm.s32 $0x80;
	v20 =	vshrl.u32 v23, $0x10;
	v14 =	vshrl.u32 v21, $0x1;
	v21 =	vshrl.u32 v22, $0x10  }
.LBB2_7:
0xa6: {  	p2 =	sne.s32 s11, $0x3E00;
	v22 =	vld [tilespmem:s10+$0x2000];
	v18 =	vshrl.u32 v18, $0x10;
	v17 =	vshrl.u32 v17, $0x10;
	v16 =	vshrl.u32 v16, $0x10  }
0xa7: {  	v6 =	vor.u32 v21, v6;
	v14 =	vshrl.u32 v14, $0x10;
	v15 =	vshrl.u32 v15, $0x10;
	v23 =	vld [tilespmem:s10+$0x0]  }
0xa8: {  	v7 =	vor.u32 v20, v7;
	v8 =	vor.u32 v19, v8;
	v10 =	vor.u32 v18, v10;
	v21 =	vld [tilespmem:s10+$0x2010]  }
0xa9: {  	v11 =	vor.u32 v17, v11;
	v13 =	vor.u32 v16, v13;
	v14 =	vor.u32 v14, v12;
	v18 =	vld [tilespmem:s10+$0x10]  }
0xaa: {  	v16 =	vadd.s32 v0, v6;
	v7 =	vadd.s32 v0, v7;
	v15 =	vor.u32 v15, v9;
	v12 =	vld [tilespmem:s10+$0x2020]  }
0xab: {  	v8 =	vadd.s32 v0, v8;
	v9 =	vcvt.s32.f32 v22;
	v6 =	vshll.u32 v22, $0xF;
	v17 =	vld [tilespmem:s10+$0x20];
	[tilespmem:s8+$0x4000] =	vst v16  }
0xac: {  	v10 =	vadd.s32 v0, v10;
	v11 =	vadd.s32 v0, v11;
	v16 =	vadd.f32 $1.000000000e+00, v23;
	v19 =	vld [tilespmem:s10+$0x2030];
	[tilespmem:s8+$0x4010] =	vst v7  }
0xad: {  	v20 =	vmul.f32 v9, v23;
	v5 =	vadd.f32 v9, v5;
	v9 =	vcvt.s32.f32 v21;
	v22 =	vld [tilespmem:s10+$0x30];
	[tilespmem:s8+$0x4020] =	vst v8  }
0xae: {  	v7 =	vshll.u32 v21, $0xF;
	v23 =	vadd.f32 $1.000000000e+00, v18;
	v21 =	vld [tilespmem:s10+$0x2040];
	[tilespmem:s8+$0x4030] =	vst v10;
	v10 =	vadd.s32 v0, v13  }
0xaf: {  	v13 =	vmul.f32 v9, v18;
	v5 =	vadd.f32 v9, v5;
	v9 =	vcvt.s32.f32 v12;
	v18 =	vld [tilespmem:s10+$0x40];
	[tilespmem:s8+$0x4040] =	vst v11  }
0xb0: {  	v20 =	vadd.f32 v20, v20;
	v8 =	vshll.u32 v12, $0xF;
	v24 =	vadd.f32 $1.000000000e+00, v17;
	v12 =	vld [tilespmem:s10+$0x2050];
	[tilespmem:s8+$0x4050] =	vst v10  }
0xb1: {  	v11 =	vmul.f32 v9, v17;
	v5 =	vadd.f32 v9, v5;
	v9 =	vcvt.s32.f32 v19;
	v17 =	vld [tilespmem:s10+$0x50]  }
0xb2: {  	v25 =	vadd.f32 v13, v13;
	v10 =	vshll.u32 v19, $0xF;
	v26 =	vadd.f32 $1.000000000e+00, v22;
	v19 =	vld [tilespmem:s10+$0x2060]  }
0xb3: {  	v13 =	vmul.f32 v9, v22;
	v5 =	vadd.f32 v9, v5;
	v9 =	vcvt.s32.f32 v21;
	v22 =	vld [tilespmem:s10+$0x60]  }
0xb4: {  	v27 =	vadd.f32 v11, v11;
	v11 =	vshll.u32 v21, $0xF;
	v28 =	vadd.f32 $1.000000000e+00, v18;
	v21 =	vld [tilespmem:s10+$0x2070]  }
0xb5: {  	v18 =	vmul.f32 v9, v18;
	v5 =	vadd.f32 v9, v5;
	v9 =	vcvt.s32.f32 v12;
	v29 =	vld [tilespmem:s10+$0x70]  }
0xb6: {  	v30 =	vadd.f32 v13, v13;
	v13 =	vshll.u32 v12, $0xF;
	v31 =	vadd.f32 $1.000000000e+00, v17  }
0xb7: {  	v17 =	vmul.f32 v9, v17;
	v5 =	vadd.f32 v9, v5;
	v9 =	vcvt.s32.f32 v19  }
0xb8: {  	v18 =	vadd.f32 v18, v18;
	v12 =	vshll.u32 v19, $0xF;
	v32 =	vadd.f32 $1.000000000e+00, v22  }
0xb9: {  	v19 =	vmul.f32 v9, v22;
	v5 =	vadd.f32 v9, v5;
	v22 =	vcvt.s32.f32 v21  }
0xba: {  	v17 =	vadd.f32 v17, v17;
	v9 =	vshll.u32 v21, $0xF;
	v33 =	vadd.f32 $1.000000000e+00, v29  }
0xbb: {  	v19 =	vadd.f32 v19, v19;
	v21 =	vmul.f32 v22, v29;
	v5 =	vadd.f32 v22, v5  }
0xbc: {  	v14 =	vadd.s32 v0, v14;
	v16 =	vsub.f32 v16, v20;
	v20 =	vsub.f32 v23, v25  }
0xbd: {  	v22 =	vsub.f32 v24, v27;
	v21 =	vadd.f32 v21, v21;
	[tilespmem:s8+$0x4060] =	vst v14;
	v14 =	vadd.s32 v0, v15  }
0xbe: {  	v23 =	vsub.f32 v26, v30;
	v18 =	vsub.f32 v28, v18;
	v15 =	vshra.s32 v16, $0x1F;
	[tilespmem:s8+$0x4070] =	vst v14;
	s8 =	smov.u32 s10  }
0xbf: {  	v17 =	vsub.f32 v31, v17;
	v19 =	vsub.f32 v32, v19;
	v14 =	vshra.s32 v20, $0x1F  }
0xc0: {  	v25 =	vshra.s32 v23, $0x1F;
	v24 =	vshra.s32 v22, $0x1F;
	v21 =	vsub.f32 v33, v21  }
0xc1: {  	v26 =	vshra.s32 v18, $0x1F;
	v27 =	vshra.s32 v17, $0x1F;
	v28 =	vshra.s32 v19, $0x1F  }
0xc2: {  	v15 =	vor.u32 $0x80000000, v15;
	v14 =	vor.u32 $0x80000000, v14;
	v29 =	vshra.s32 v21, $0x1F  }
0xc3: {  	v25 =	vor.u32 $0x80000000, v25;
	v26 =	vor.u32 $0x80000000, v26;
	v24 =	vor.u32 $0x80000000, v24  }
0xc4: {  	v27 =	vor.u32 $0x80000000, v27;
	v28 =	vor.u32 $0x80000000, v28;
	v29 =	vor.u32 $0x80000000, v29  }
0xc5: {  	v15 =	vxor.u32 v16, v15;
	v16 =	vxor.u32 v22, v24;
	v14 =	vxor.u32 v20, v14  }
0xc6: {  	v18 =	vxor.u32 v18, v26;
	v17 =	vxor.u32 v17, v27;
	v20 =	vxor.u32 v23, v25  }
0xc7: {  	v15 =	vadd.s32 $0x10000, v15;
	v19 =	vxor.u32 v19, v28;
	v21 =	vxor.u32 v21, v29  }
0xc8: {  	v16 =	vadd.s32 $0x10000, v16;
	v14 =	vadd.s32 $0x10000, v14;
	v20 =	vadd.s32 $0x10000, v20  }
.Ltmp4:
0xc9: {  	v22 =	vadd.s32 $0x10000, v18;
	v23 =	vadd.s32 $0x10000, v17;
	v19 =	vadd.s32 $0x10000, v19;
	(pc) =	sbr.rel @p2 .LBB2_7-.Ltmp4, $4  }
0xca: {  	v24 =	vshrl.u32 v15, $0x1;
	v25 =	vshrl.u32 v14, $0x1;
	v15 =	vadd.s32 $0x10000, v21  }
0xcb: {  	v17 =	vshrl.u32 v22, $0x1;
	v26 =	vshrl.u32 v16, $0x1;
	v18 =	vshrl.u32 v20, $0x1  }
0xcc: {  	v16 =	vshrl.u32 v23, $0x1;
	v14 =	vshrl.u32 v19, $0x1;
	v15 =	vshrl.u32 v15, $0x1  }
0xcd: {  	s10 =	sshra.s32 s11, $0x2;
	s11 =	sadd.s32 $0x200, s11;
	v20 =	vshrl.u32 v25, $0x10;
	v19 =	vshrl.u32 v26, $0x10;
	v21 =	vshrl.u32 v24, $0x10  }
0xce: {  	v22 =	vld [tilespmem:s10+$0x2000]  }
0xcf: {  	v23 =	vld [tilespmem:s10+$0x0]  }
0xd0: {  	v24 =	vld [tilespmem:s10+$0x2010]  }
0xd1: {  	v25 =	vld [tilespmem:s10+$0x10];
	v6 =	vor.u32 v21, v6  }
0xd2: {  	v26 =	vld [tilespmem:s10+$0x20];
	v7 =	vor.u32 v20, v7;
	v6 =	vadd.s32 v0, v6  }
0xd3: {  	v21 =	vld [tilespmem:s10+$0x2020];
	[tilespmem:s8+$0x4000] =	vst v6;
	v6 =	vadd.s32 v0, v7  }
0xd4: {  	v15 =	vshrl.u32 v15, $0x10;
	v7 =	vor.u32 v19, v8;
	v20 =	vld [tilespmem:s10+$0x2030];
	[tilespmem:s8+$0x4010] =	vst v6;
	v6 =	vshrl.u32 v18, $0x10  }
0xd5: {  	v9 =	vor.u32 v15, v9;
	v7 =	vadd.s32 v0, v7;
	v6 =	vor.u32 v6, v10  }
0xd6: {  	v9 =	vadd.s32 v0, v9;
	v18 =	vld [tilespmem:s10+$0x30];
	[tilespmem:s8+$0x4020] =	vst v7;
	v7 =	vshrl.u32 v17, $0x10;
	v6 =	vadd.s32 v0, v6  }
0xd7: {  	v17 =	vld [tilespmem:s10+$0x2040];
	v7 =	vor.u32 v7, v11;
	v29 =	vadd.f32 $1.000000000e+00, v26;
	[tilespmem:s8+$0x4030] =	vst v6;
	v6 =	vshrl.u32 v16, $0x10  }
0xd8: {  	v8 =	vadd.s32 v0, v7;
	v7 =	vcvt.s32.f32 v22;
	v22 =	vshll.u32 v22, $0xF  }
0xd9: {  	v10 =	vor.u32 v6, v13;
	v6 =	vcvt.s32.f32 v24;
	v13 =	vshrl.u32 v14, $0x10  }
0xda: {  	v16 =	vld [tilespmem:s10+$0x40];
	[tilespmem:s8+$0x4040] =	vst v8;
	v14 =	vadd.f32 $1.000000000e+00, v23;
	v24 =	vshll.u32 v24, $0xF;
	v8 =	vadd.s32 v0, v10  }
0xdb: {  	v10 =	vmul.f32 v7, v23;
	v34 =	vor.u32 v13, v12;
	v11 =	vmul.f32 v6, v25  }
0xdc: {  	v19 =	vld [tilespmem:s10+$0x2050];
	[tilespmem:s8+$0x4050] =	vst v8;
	v8 =	vcvt.s32.f32 v21;
	v25 =	vadd.f32 $1.000000000e+00, v25;
	v32 =	vadd.f32 $1.000000000e+00, v18  }
0xdd: {  	v21 =	vshll.u32 v21, $0xF;
	v47 =	vadd.s32 v0, v34;
	v23 =	vld [tilespmem:s10+$0x50];
	v27 =	vadd.f32 v10, v10  }
0xde: {  	v10 =	vcvt.s32.f32 v20;
	v28 =	vld [tilespmem:s10+$0x2060];
	v20 =	vshll.u32 v20, $0xF;
	v26 =	vmul.f32 v8, v26  }
0xdf: {  	v31 =	vld [tilespmem:s10+$0x2070];
	v30 =	vadd.f32 v11, v11;
	v11 =	vcvt.s32.f32 v17;
	v17 =	vshll.u32 v17, $0xF  }
0xe0: {  	v33 =	vld [tilespmem:s10+$0x60];
	v18 =	vmul.f32 v10, v18;
	v35 =	vadd.f32 $1.000000000e+00, v16;
	v27 =	vsub.f32 v14, v27  }
0xe1: {  	v26 =	vadd.f32 v26, v26;
	v16 =	vmul.f32 v11, v16;
	v12 =	vcvt.s32.f32 v19  }
0xe2: {  	v25 =	vsub.f32 v25, v30;
	v19 =	vshll.u32 v19, $0xF;
	v18 =	vadd.f32 v18, v18  }
0xe3: {  	v36 =	vld [tilespmem:s10+$0x70];
	v39 =	vshra.s32 v27, $0x1F;
	v37 =	vadd.f32 $1.000000000e+00, v23;
	v13 =	vcvt.s32.f32 v28  }
0xe4: {  	v16 =	vadd.f32 v16, v16;
	v14 =	vcvt.s32.f32 v31;
	v23 =	vmul.f32 v12, v23  }
0xe5: {  	v26 =	vsub.f32 v29, v26;
	v61 =	vadd.f32 $1.000000000e+00, v33;
	v40 =	vshra.s32 v25, $0x1F  }
0xe6: {  	v28 =	vshll.u32 v28, $0xF;
	v31 =	vshll.u32 v31, $0xF;
	v18 =	vsub.f32 v32, v18  }
0xe7: {  	v32 =	vor.u32 $0x80000000, v39;
	v29 =	vor.u32 $0x80000000, v40;
	v62 =	vmul.f32 v13, v33  }
0xe8: {  	v63 =	vmul.f32 v14, v36;
	v23 =	vadd.f32 v23, v23;
	v36 =	vadd.f32 $1.000000000e+00, v36  }
0xe9: {  	v16 =	vsub.f32 v35, v16;
	v41 =	vshra.s32 v26, $0x1F;
	v27 =	vxor.u32 v27, v32  }
0xea: {  	v25 =	vxor.u32 v25, v29;
	v42 =	vshra.s32 v18, $0x1F;
	v33 =	vor.u32 $0x80000000, v41  }
0xeb: {  	v27 =	vadd.s32 $0x10000, v27;
	v25 =	vadd.s32 $0x10000, v25;
	v15 =	vadd.f32 v62, v62  }
0xec: {  	v38 =	vadd.f32 v63, v63;
	v23 =	vsub.f32 v37, v23;
	v43 =	vshra.s32 v16, $0x1F  }
0xed: {  	v32 =	vor.u32 $0x80000000, v42;
	v26 =	vxor.u32 v26, v33;
	v27 =	vshrl.u32 v27, $0x1  }
0xee: {  	v25 =	vshrl.u32 v25, $0x1;
	v18 =	vxor.u32 v18, v32;
	v29 =	vor.u32 $0x80000000, v43  }
0xef: {  	v26 =	vadd.s32 $0x10000, v26;
	v27 =	vshrl.u32 v27, $0x10;
	v25 =	vshrl.u32 v25, $0x10  }
0xf0: {  	v15 =	vsub.f32 v61, v15;
	v30 =	vsub.f32 v36, v38;
	v16 =	vxor.u32 v16, v29  }
0xf1: {  	v44 =	vshra.s32 v23, $0x1F;
	v18 =	vadd.s32 $0x10000, v18;
	v26 =	vshrl.u32 v26, $0x1  }
0xf2: {  	v22 =	vor.u32 v27, v22;
	v24 =	vor.u32 v25, v24;
	v29 =	vor.u32 $0x80000000, v44  }
0xf3: {  	[tilespmem:s8+$0x4070] =	vst v9;
	v16 =	vadd.s32 $0x10000, v16;
	v18 =	vshrl.u32 v18, $0x1;
	v9 =	vshrl.u32 v26, $0x10  }
0xf4: {  	v22 =	vadd.s32 v0, v22;
	v23 =	vxor.u32 v23, v29;
	v45 =	vshra.s32 v15, $0x1F  }
0xf5: {  	v46 =	vshra.s32 v30, $0x1F;
	v16 =	vshrl.u32 v16, $0x1;
	v18 =	vshrl.u32 v18, $0x10  }
0xf6: {  	v9 =	vor.u32 v9, v21;
	v21 =	vadd.s32 v0, v24;
	v29 =	vor.u32 $0x80000000, v45  }
0xf7: {  	v23 =	vadd.s32 $0x10000, v23;
	v16 =	vshrl.u32 v16, $0x10;
	v18 =	vor.u32 v18, v20  }
0xf8: {  	[tilespmem:s8+$0x4060] =	vst v47;
	v9 =	vadd.s32 v0, v9;
	v15 =	vxor.u32 v15, v29;
	v29 =	vor.u32 $0x80000000, v46  }
0xf9: {  	[tilespmem:s10+$0x4000] =	vst v22;
	v23 =	vshrl.u32 v23, $0x1;
	v16 =	vor.u32 v16, v17;
	v17 =	vadd.s32 v0, v18  }
0xfa: {  	[tilespmem:s10+$0x4010] =	vst v21;
	v29 =	vxor.u32 v30, v29;
	v15 =	vadd.s32 $0x10000, v15;
	v20 =	vshrl.u32 v23, $0x10  }
0xfb: {  	[tilespmem:s10+$0x4020] =	vst v9;
	v16 =	vadd.s32 v0, v16;
	v29 =	vadd.s32 $0x10000, v29;
	v15 =	vshrl.u32 v15, $0x1  }
0xfc: {  	[tilespmem:s10+$0x4030] =	vst v17;
	v29 =	vshrl.u32 v29, $0x1;
	v9 =	vshrl.u32 v15, $0x10;
	v15 =	vor.u32 v20, v19  }
0xfd: {  	[tilespmem:s10+$0x4040] =	vst v16;
	v17 =	vshrl.u32 v29, $0x10;
	v9 =	vor.u32 v9, v28;
	v15 =	vadd.s32 v0, v15  }
0xfe: {  	p2 =	seq.s32 s17, $0x8;
	v16 =	vor.u32 v17, v31;
	[tilespmem:s10+$0x4050] =	vst v15;
	v9 =	vadd.s32 v0, v9  }
0xff: {  	s7 =	sadd.s32 @!p2 s7, s14;
	[tilespmem:s10+$0x4060] =	vst v9;
	v9 =	vadd.s32 v0, v16  }
0x100: {  	s7 =	sshrl.u32 @!p2 s7, $0x3;
	[tilespmem:s10+$0x4070] =	vst v9  }
0x101: {  	[spmem:s2] =	stream.indirect.scatter.add.f32 [tilespmem:s29], [sflag:$0x5], $0x1, s28, s23, $0x2000b8;
	[tilespmem:$0x1F110] =	vst v63  }
0x102: {  	s8 =	sadd.s32 @!p2 s4, s7;
	s10 =	simm.s32 @!p2 $0x0  }
0x103: {  	[tilespmem:s10], [sflag:$0x1] =	stream.linear.gather @!p2 [hbm4b:s8+s10], $0x1000, $0x200038;
	[tilespmem:$0x1F110] =	vst v63  }
0x104: {  	s7 =	sadd.s32 @!p2 s6, s7;
	s8 =	simm.s32 @!p2 $0x2000  }
0x105: {  	[tilespmem:s8], [sflag:$0x2] =	stream.linear.gather @!p2 [hbm4b:s7+s10], $0x1000, $0x200038;
	[tilespmem:$0x1F110] =	vst v63  }
0x106: {  	_ =	swait.ge [sflag:s30], $0x1000  }
0x107: {  	[sflag:s30] =	ssyncset.done $0x0  }
0x108: {  	[sflag:s30] =	ssyncadd.s32 $0xFFFFF000  }
0x109: {  	_ =	swait.ge [sflag:s31], $0x1000  }
0x10a: {  	v5 =	vadd.f32 v7, v5;
	[sflag:s31] =	ssyncset.done $0x0  }
0x10b: {  	s7 =	simm.s32 @!p1 $0x6;
	[sflag:s31] =	ssyncadd.s32 $0xFFFFF000  }
0x10c: {  	v5 =	vadd.f32 v6, v5;
	_ =	swait.ge @!p1 [sflag:s7], $0x1000  }
0x10d: {  	[sflag:s7] =	ssyncset.done @!p1 $0x0  }
0x10e: {  	v5 =	vadd.f32 v8, v5;
	[sflag:s7] =	ssyncadd.s32 @!p1 $0xFFFFF000;
	s7 =	simm.s32 $0x0  }
0x10f: {  	v6 =	vld [tilespmem:s7+$0x3000]  }
0x110: {  	v5 =	vadd.f32 v10, v5;
	v7 =	vld [tilespmem:s7+$0x1000]  }
0x111: {  	v8 =	vld [tilespmem:s7+$0x3010]  }
0x112: {  	v5 =	vadd.f32 v11, v5;
	v9 =	vld [tilespmem:s7+$0x1010]  }
0x113: {  	v10 =	vld [tilespmem:s7+$0x3020]  }
0x114: {  	v5 =	vadd.f32 v12, v5;
	v12 =	vld [tilespmem:s7+$0x1020]  }
0x115: {  	v16 =	vld [tilespmem:s7+$0x1030]  }
0x116: {  	v20 =	vld [tilespmem:s7+$0x1040]  }
0x117: {  	v5 =	vadd.f32 v13, v5;
	v21 =	vld [tilespmem:s7+$0x3050]  }
0x118: {  	v23 =	vld [tilespmem:s7+$0x1050]  }
0x119: {  	v5 =	vadd.f32 v14, v5;
	v50 =	vld [tilespmem:s7+$0x1060]  }
0x11a: {  	v11 =	vcvt.s32.f32 v6;
	v17 =	vadd.f32 $1.000000000e+00, v7;
	v18 =	vadd.f32 $1.000000000e+00, v9  }
0x11b: {  	v15 =	vcvt.s32.f32 v8;
	v22 =	vadd.f32 $1.000000000e+00, v12;
	v48 =	vadd.f32 $1.000000000e+00, v16  }
0x11c: {  	v13 =	vld [tilespmem:s7+$0x3030];
	v19 =	vcvt.s32.f32 v10;
	v51 =	vadd.f32 $1.000000000e+00, v20;
	v14 =	vadd.f32 v11, v5  }
0x11d: {  	v52 =	vcvt.s32.f32 v21;
	v54 =	vadd.f32 $1.000000000e+00, v23;
	v7 =	vmul.f32 v11, v7;
	v11 =	vld [tilespmem:s7+$0x3040]  }
0x11e: {  	v56 =	vadd.f32 $1.000000000e+00, v50;
	v5 =	vshll.u32 v6, $0xF;
	v14 =	vadd.f32 v15, v14  }
0x11f: {  	v6 =	vshll.u32 v8, $0xF;
	v8 =	vmul.f32 v15, v9;
	v15 =	vadd.f32 v7, v7  }
0x120: {  	v7 =	vshll.u32 v10, $0xF;
	v10 =	vmul.f32 v19, v12;
	v9 =	vadd.f32 v19, v14  }
0x121: {  	v12 =	vld [tilespmem:s7+$0x3060];
	v14 =	vcvt.s32.f32 v13;
	v19 =	vadd.f32 v8, v8;
	v15 =	vsub.f32 v17, v15  }
0x122: {  	v23 =	vmul.f32 v52, v23;
	v8 =	vshll.u32 v13, $0xF;
	v49 =	vcvt.s32.f32 v11  }
0x123: {  	v9 =	vadd.f32 v14, v9;
	v17 =	vsub.f32 v18, v19;
	v18 =	vshra.s32 v15, $0x1F  }
0x124: {  	v13 =	vmul.f32 v14, v16;
	v14 =	vadd.f32 v10, v10;
	v18 =	vor.u32 $0x80000000, v18  }
0x125: {  	v53 =	vld [tilespmem:s7+$0x1070];
	v10 =	vadd.f32 v49, v9;
	v9 =	vshll.u32 v11, $0xF;
	v11 =	vmul.f32 v49, v20  }
0x126: {  	v20 =	vadd.f32 v13, v13;
	v13 =	vcvt.s32.f32 v12;
	v12 =	vshll.u32 v12, $0xF  }
0x127: {  	v14 =	vsub.f32 v22, v14;
	v22 =	vshra.s32 v17, $0x1F;
	v15 =	vxor.u32 v15, v18  }
0x128: {  	v16 =	vld [tilespmem:s7+$0x3070];
	v22 =	vor.u32 $0x80000000, v22;
	v15 =	vadd.s32 $0x10000, v15;
	v10 =	vadd.f32 v52, v10  }
0x129: {  	v55 =	vadd.f32 v11, v11;
	v11 =	vshll.u32 v21, $0xF;
	v21 =	vadd.f32 v23, v23  }
0x12a: {  	v26 =	vmul.f32 v13, v50;
	v23 =	vadd.f32 $1.000000000e+00, v53;
	v19 =	vsub.f32 v48, v20  }
0x12b: {  	v58 =	vshra.s32 v14, $0x1F;
	v17 =	vxor.u32 v17, v22;
	v22 =	vshrl.u32 v15, $0x1  }
0x12c: {  	v25 =	vor.u32 $0x80000000, v58;
	v17 =	vadd.s32 $0x10000, v17;
	v10 =	vadd.f32 v13, v10  }
0x12d: {  	v13 =	vcvt.s32.f32 v16;
	v26 =	vadd.f32 v26, v26;
	v20 =	vsub.f32 v51, v55  }
0x12e: {  	v21 =	vsub.f32 v54, v21;
	v59 =	vshra.s32 v19, $0x1F;
	v14 =	vxor.u32 v14, v25  }
0x12f: {  	v14 =	vadd.s32 $0x10000, v14;
	v29 =	vmul.f32 v13, v53;
	v10 =	vadd.f32 v13, v10  }
0x130: {  	v13 =	vshll.u32 v16, $0xF;
	v57 =	vsub.f32 v56, v26;
	v60 =	vshra.s32 v21, $0x1F  }
0x131: {  	v26 =	vor.u32 $0x80000000, v59;
	v63 =	vshrl.u32 v14, $0x1;
	v16 =	vadd.f32 v29, v29  }
0x132: {  	v27 =	vor.u32 $0x80000000, v60;
	v18 =	vxor.u32 v19, v26;
	v61 =	vshra.s32 v57, $0x1F  }
0x133: {  	v18 =	vadd.s32 $0x10000, v18;
	v16 =	vsub.f32 v23, v16;
	v23 =	vshra.s32 v20, $0x1F  }
0x134: {  	v28 =	vor.u32 $0x80000000, v61;
	v18 =	vshrl.u32 v18, $0x1;
	v23 =	vor.u32 $0x80000000, v23  }
0x135: {  	v62 =	vshra.s32 v16, $0x1F;
	v19 =	vxor.u32 v20, v23;
	v20 =	vxor.u32 v21, v27  }
0x136: {  	v21 =	vxor.u32 v57, v28;
	v23 =	vshrl.u32 v17, $0x1;
	v29 =	vor.u32 $0x80000000, v62  }
0x137: {  	v19 =	vadd.s32 $0x10000, v19;
	v20 =	vadd.s32 $0x10000, v20;
	v21 =	vadd.s32 $0x10000, v21  }
0x138: {  	v16 =	vxor.u32 v16, v29;
	v17 =	vshrl.u32 v20, $0x1;
	v14 =	vshrl.u32 v21, $0x1  }
0x139: {  	v21 =	vshrl.u32 v22, $0x10;
	v20 =	vshrl.u32 v23, $0x10;
	v15 =	vadd.s32 $0x10000, v16  }
0x13a: {  	s8 =	simm.s32 $0x80;
	s10 =	simm.s32 $0x400;
	v16 =	vshrl.u32 v19, $0x1;
	v19 =	vshrl.u32 v63, $0x10;
	v15 =	vshrl.u32 v15, $0x1  }
.LBB2_9:
0x13b: {  	p1 =	sne.s32 s10, $0x3E00;
	v22 =	vld [tilespmem:s8+$0x3000];
	v18 =	vshrl.u32 v18, $0x10;
	v16 =	vshrl.u32 v16, $0x10;
	v17 =	vshrl.u32 v17, $0x10  }
0x13c: {  	v5 =	vor.u32 v21, v5;
	v14 =	vshrl.u32 v14, $0x10;
	v15 =	vshrl.u32 v15, $0x10;
	v23 =	vld [tilespmem:s8+$0x1000]  }
0x13d: {  	v6 =	vor.u32 v20, v6;
	v7 =	vor.u32 v19, v7;
	v8 =	vor.u32 v18, v8;
	v21 =	vld [tilespmem:s8+$0x3010]  }
0x13e: {  	v9 =	vor.u32 v16, v9;
	v11 =	vor.u32 v17, v11;
	v14 =	vor.u32 v14, v12;
	v18 =	vld [tilespmem:s8+$0x1010]  }
0x13f: {  	v16 =	vadd.s32 v0, v5;
	v6 =	vadd.s32 v0, v6;
	v15 =	vor.u32 v15, v13;
	v12 =	vld [tilespmem:s8+$0x3020]  }
0x140: {  	v7 =	vadd.s32 v0, v7;
	v13 =	vcvt.s32.f32 v22;
	v5 =	vshll.u32 v22, $0xF;
	v17 =	vld [tilespmem:s8+$0x1020];
	[tilespmem:s7+$0x5000] =	vst v16  }
0x141: {  	v8 =	vadd.s32 v0, v8;
	v9 =	vadd.s32 v0, v9;
	v16 =	vadd.f32 $1.000000000e+00, v23;
	v19 =	vld [tilespmem:s8+$0x3030];
	[tilespmem:s7+$0x5010] =	vst v6  }
0x142: {  	v20 =	vmul.f32 v13, v23;
	v10 =	vadd.f32 v13, v10;
	v13 =	vcvt.s32.f32 v21;
	v22 =	vld [tilespmem:s8+$0x1030];
	[tilespmem:s7+$0x5020] =	vst v7  }
0x143: {  	v6 =	vshll.u32 v21, $0xF;
	v23 =	vadd.f32 $1.000000000e+00, v18;
	v21 =	vld [tilespmem:s8+$0x3040];
	[tilespmem:s7+$0x5030] =	vst v8;
	v8 =	vadd.s32 v0, v11  }
0x144: {  	v11 =	vmul.f32 v13, v18;
	v10 =	vadd.f32 v13, v10;
	v13 =	vcvt.s32.f32 v12;
	v18 =	vld [tilespmem:s8+$0x1040];
	[tilespmem:s7+$0x5040] =	vst v9  }
0x145: {  	v20 =	vadd.f32 v20, v20;
	v7 =	vshll.u32 v12, $0xF;
	v24 =	vadd.f32 $1.000000000e+00, v17;
	v12 =	vld [tilespmem:s8+$0x3050];
	[tilespmem:s7+$0x5050] =	vst v8  }
0x146: {  	v9 =	vmul.f32 v13, v17;
	v10 =	vadd.f32 v13, v10;
	v13 =	vcvt.s32.f32 v19;
	v17 =	vld [tilespmem:s8+$0x1050]  }
0x147: {  	v25 =	vadd.f32 v11, v11;
	v8 =	vshll.u32 v19, $0xF;
	v26 =	vadd.f32 $1.000000000e+00, v22;
	v19 =	vld [tilespmem:s8+$0x3060]  }
0x148: {  	v11 =	vmul.f32 v13, v22;
	v10 =	vadd.f32 v13, v10;
	v13 =	vcvt.s32.f32 v21;
	v22 =	vld [tilespmem:s8+$0x1060]  }
0x149: {  	v27 =	vadd.f32 v9, v9;
	v9 =	vshll.u32 v21, $0xF;
	v28 =	vadd.f32 $1.000000000e+00, v18;
	v21 =	vld [tilespmem:s8+$0x3070]  }
0x14a: {  	v18 =	vmul.f32 v13, v18;
	v10 =	vadd.f32 v13, v10;
	v13 =	vcvt.s32.f32 v12;
	v29 =	vld [tilespmem:s8+$0x1070]  }
0x14b: {  	v30 =	vadd.f32 v11, v11;
	v11 =	vshll.u32 v12, $0xF;
	v31 =	vadd.f32 $1.000000000e+00, v17  }
0x14c: {  	v17 =	vmul.f32 v13, v17;
	v10 =	vadd.f32 v13, v10;
	v13 =	vcvt.s32.f32 v19  }
0x14d: {  	v18 =	vadd.f32 v18, v18;
	v12 =	vshll.u32 v19, $0xF;
	v32 =	vadd.f32 $1.000000000e+00, v22  }
0x14e: {  	v19 =	vmul.f32 v13, v22;
	v10 =	vadd.f32 v13, v10;
	v22 =	vcvt.s32.f32 v21  }
0x14f: {  	v17 =	vadd.f32 v17, v17;
	v13 =	vshll.u32 v21, $0xF;
	v33 =	vadd.f32 $1.000000000e+00, v29  }
0x150: {  	v19 =	vadd.f32 v19, v19;
	v21 =	vmul.f32 v22, v29;
	v10 =	vadd.f32 v22, v10  }
0x151: {  	v14 =	vadd.s32 v0, v14;
	v16 =	vsub.f32 v16, v20;
	v20 =	vsub.f32 v23, v25  }
0x152: {  	v22 =	vsub.f32 v24, v27;
	v21 =	vadd.f32 v21, v21;
	[tilespmem:s7+$0x5060] =	vst v14;
	v14 =	vadd.s32 v0, v15  }
0x153: {  	v23 =	vsub.f32 v26, v30;
	v18 =	vsub.f32 v28, v18;
	v15 =	vshra.s32 v16, $0x1F;
	[tilespmem:s7+$0x5070] =	vst v14;
	s7 =	smov.u32 s8  }
0x154: {  	v17 =	vsub.f32 v31, v17;
	v19 =	vsub.f32 v32, v19;
	v14 =	vshra.s32 v20, $0x1F  }
0x155: {  	v25 =	vshra.s32 v23, $0x1F;
	v24 =	vshra.s32 v22, $0x1F;
	v21 =	vsub.f32 v33, v21  }
0x156: {  	v26 =	vshra.s32 v18, $0x1F;
	v27 =	vshra.s32 v17, $0x1F;
	v28 =	vshra.s32 v19, $0x1F  }
0x157: {  	v15 =	vor.u32 $0x80000000, v15;
	v14 =	vor.u32 $0x80000000, v14;
	v29 =	vshra.s32 v21, $0x1F  }
0x158: {  	v25 =	vor.u32 $0x80000000, v25;
	v26 =	vor.u32 $0x80000000, v26;
	v24 =	vor.u32 $0x80000000, v24  }
0x159: {  	v27 =	vor.u32 $0x80000000, v27;
	v28 =	vor.u32 $0x80000000, v28;
	v29 =	vor.u32 $0x80000000, v29  }
0x15a: {  	v15 =	vxor.u32 v16, v15;
	v16 =	vxor.u32 v22, v24;
	v14 =	vxor.u32 v20, v14  }
0x15b: {  	v18 =	vxor.u32 v18, v26;
	v17 =	vxor.u32 v17, v27;
	v20 =	vxor.u32 v23, v25  }
0x15c: {  	v15 =	vadd.s32 $0x10000, v15;
	v19 =	vxor.u32 v19, v28;
	v21 =	vxor.u32 v21, v29  }
0x15d: {  	v16 =	vadd.s32 $0x10000, v16;
	v14 =	vadd.s32 $0x10000, v14;
	v20 =	vadd.s32 $0x10000, v20  }
.Ltmp5:
0x15e: {  	v22 =	vadd.s32 $0x10000, v18;
	v17 =	vadd.s32 $0x10000, v17;
	v19 =	vadd.s32 $0x10000, v19;
	(pc) =	sbr.rel @p1 .LBB2_9-.Ltmp5, $4  }
0x15f: {  	v23 =	vshrl.u32 v15, $0x1;
	v24 =	vshrl.u32 v14, $0x1;
	v15 =	vadd.s32 $0x10000, v21  }
0x160: {  	v25 =	vshrl.u32 v16, $0x1;
	v16 =	vshrl.u32 v22, $0x1;
	v18 =	vshrl.u32 v20, $0x1  }
0x161: {  	v17 =	vshrl.u32 v17, $0x1;
	v14 =	vshrl.u32 v19, $0x1;
	v15 =	vshrl.u32 v15, $0x1  }
0x162: {  	s8 =	sshra.s32 s10, $0x2;
	s10 =	sadd.s32 $0x200, s10;
	v20 =	vshrl.u32 v24, $0x10;
	v19 =	vshrl.u32 v25, $0x10;
	v21 =	vshrl.u32 v23, $0x10  }
0x163: {  	v22 =	vld [tilespmem:s8+$0x3000]  }
0x164: {  	v23 =	vld [tilespmem:s8+$0x1000]  }
0x165: {  	v24 =	vld [tilespmem:s8+$0x3010];
	v5 =	vor.u32 v21, v5;
	v6 =	vor.u32 v20, v6  }
0x166: {  	v25 =	vld [tilespmem:s8+$0x1010];
	v16 =	vshrl.u32 v16, $0x10;
	v17 =	vshrl.u32 v17, $0x10;
	v7 =	vor.u32 v19, v7  }
0x167: {  	v54 =	vld [tilespmem:s8+$0x3020];
	v56 =	vshrl.u32 v15, $0x10;
	v5 =	vadd.s32 v0, v5;
	v6 =	vadd.s32 v0, v6  }
0x168: {  	v26 =	vld [tilespmem:s8+$0x1020];
	v7 =	vadd.s32 v0, v7;
	v58 =	vor.u32 v16, v9;
	[tilespmem:s7+$0x5000] =	vst v5;
	v5 =	vshrl.u32 v18, $0x10  }
0x169: {  	v59 =	vor.u32 v17, v11;
	v55 =	vld [tilespmem:s8+$0x3030];
	[tilespmem:s7+$0x5010] =	vst v6;
	v6 =	vshrl.u32 v14, $0x10;
	v5 =	vor.u32 v5, v8  }
0x16a: {  	v61 =	vor.u32 v56, v13;
	v6 =	vor.u32 v6, v12;
	v5 =	vadd.s32 v0, v5  }
0x16b: {  	v57 =	vld [tilespmem:s8+$0x1030];
	[tilespmem:s7+$0x5020] =	vst v7;
	v12 =	vadd.s32 v0, v61;
	v7 =	vcvt.s32.f32 v22;
	v62 =	vshll.u32 v22, $0xF  }
0x16c: {  	v60 =	vld [tilespmem:s8+$0x3040];
	v63 =	vadd.f32 $1.000000000e+00, v23;
	[tilespmem:s7+$0x5030] =	vst v5;
	v5 =	vadd.s32 v0, v58;
	v35 =	vcvt.s32.f32 v24  }
0x16d: {  	v37 =	vadd.f32 $1.000000000e+00, v25;
	v38 =	vshll.u32 v24, $0xF;
	v39 =	vcvt.s32.f32 v54  }
0x16e: {  	v41 =	vadd.f32 $1.000000000e+00, v26;
	v36 =	vld [tilespmem:s8+$0x1040];
	[tilespmem:s7+$0x5040] =	vst v5;
	v5 =	vadd.s32 v0, v59;
	v34 =	vadd.f32 v7, v10  }
0x16f: {  	v6 =	vadd.s32 v0, v6;
	v7 =	vmul.f32 v7, v23;
	v40 =	vld [tilespmem:s8+$0x3050];
	v10 =	vmul.f32 v35, v25;
	[tilespmem:s7+$0x5050] =	vst v5  }
0x170: {  	v5 =	vshll.u32 v54, $0xF;
	v9 =	vmul.f32 v39, v26;
	v43 =	vld [tilespmem:s8+$0x1050];
	v8 =	vadd.f32 v35, v34  }
0x171: {  	v42 =	vcvt.s32.f32 v55;
	v45 =	vld [tilespmem:s8+$0x3060];
	v7 =	vadd.f32 v7, v7;
	v10 =	vadd.f32 v10, v10  }
0x172: {  	v18 =	vshll.u32 v55, $0xF;
	v27 =	vld [tilespmem:s8+$0x3070];
	v44 =	vadd.f32 $1.000000000e+00, v57;
	v9 =	vadd.f32 v9, v9  }
0x173: {  	v47 =	vld [tilespmem:s8+$0x1060];
	v46 =	vcvt.s32.f32 v60;
	v15 =	vmul.f32 v42, v57;
	v8 =	vadd.f32 v39, v8  }
0x174: {  	v11 =	vshll.u32 v60, $0xF;
	v28 =	vadd.f32 $1.000000000e+00, v36;
	v7 =	vsub.f32 v63, v7  }
0x175: {  	v10 =	vsub.f32 v37, v10;
	v9 =	vsub.f32 v41, v9;
	v16 =	vmul.f32 v46, v36  }
0x176: {  	v29 =	vcvt.s32.f32 v40;
	v15 =	vadd.f32 v15, v15;
	v20 =	vshll.u32 v40, $0xF  }
0x177: {  	v30 =	vld [tilespmem:s8+$0x1070];
	v8 =	vadd.f32 v42, v8;
	v31 =	vadd.f32 $1.000000000e+00, v43;
	v32 =	vcvt.s32.f32 v45  }
0x178: {  	v48 =	vcvt.s32.f32 v27;
	v49 =	vadd.f32 $1.000000000e+00, v47;
	v25 =	vshll.u32 v45, $0xF  }
0x179: {  	v27 =	vshll.u32 v27, $0xF;
	v51 =	vshra.s32 v7, $0x1F;
	v52 =	vshra.s32 v10, $0x1F  }
0x17a: {  	v53 =	vshra.s32 v9, $0x1F;
	v23 =	vmul.f32 v29, v43;
	v16 =	vadd.f32 v16, v16  }
0x17b: {  	v15 =	vsub.f32 v44, v15;
	v24 =	vor.u32 $0x80000000, v51;
	v21 =	vmul.f32 v32, v47  }
0x17c: {  	v50 =	vmul.f32 v48, v30;
	v30 =	vadd.f32 $1.000000000e+00, v30;
	v7 =	vxor.u32 v7, v24  }
0x17d: {  	v23 =	vadd.f32 v23, v23;
	v16 =	vsub.f32 v28, v16;
	v54 =	vshra.s32 v15, $0x1F  }
0x17e: {  	v28 =	vor.u32 $0x80000000, v52;
	v7 =	vadd.s32 $0x10000, v7;
	v21 =	vadd.f32 v21, v21  }
0x17f: {  	v22 =	vadd.f32 v50, v50;
	v10 =	vxor.u32 v10, v28;
	v7 =	vshrl.u32 v7, $0x1  }
0x180: {  	v23 =	vsub.f32 v31, v23;
	v55 =	vshra.s32 v16, $0x1F;
	v31 =	vor.u32 $0x80000000, v54  }
0x181: {  	v10 =	vadd.s32 $0x10000, v10;
	v7 =	vshrl.u32 v7, $0x10;
	v17 =	vsub.f32 v49, v21  }
0x182: {  	v22 =	vsub.f32 v30, v22;
	v21 =	vor.u32 $0x80000000, v53;
	v30 =	vor.u32 $0x80000000, v55  }
0x183: {  	v15 =	vxor.u32 v15, v31;
	v10 =	vshrl.u32 v10, $0x1;
	v7 =	vor.u32 v7, v62  }
0x184: {  	v56 =	vshra.s32 v23, $0x1F;
	v9 =	vxor.u32 v9, v21;
	v16 =	vxor.u32 v16, v30  }
0x185: {  	v15 =	vadd.s32 $0x10000, v15;
	v10 =	vshrl.u32 v10, $0x10;
	v7 =	vadd.s32 v0, v7  }
0x186: {  	v57 =	vshra.s32 v17, $0x1F;
	v58 =	vshra.s32 v22, $0x1F;
	v24 =	vor.u32 $0x80000000, v56  }
0x187: {  	v9 =	vadd.s32 $0x10000, v9;
	v16 =	vadd.s32 $0x10000, v16;
	v15 =	vshrl.u32 v15, $0x1  }
0x188: {  	v10 =	vor.u32 v10, v38;
	v28 =	vor.u32 $0x80000000, v57;
	v21 =	vor.u32 $0x80000000, v58  }
0x189: {  	v23 =	vxor.u32 v23, v24;
	v9 =	vshrl.u32 v9, $0x1;
	v16 =	vshrl.u32 v16, $0x1  }
0x18a: {  	[tilespmem:s7+$0x5060] =	vst v6;
	v60 =	vshrl.u32 v15, $0x10;
	v61 =	vadd.s32 v0, v10;
	v17 =	vxor.u32 v17, v28  }
0x18b: {  	[tilespmem:s7+$0x5070] =	vst v12;
	v21 =	vxor.u32 v22, v21;
	v59 =	vadd.s32 $0x10000, v23;
	v9 =	vshrl.u32 v9, $0x10  }
0x18c: {  	[tilespmem:s8+$0x5000] =	vst v7;
	v7 =	vshrl.u32 v16, $0x10;
	v62 =	vor.u32 v60, v18;
	v17 =	vadd.s32 $0x10000, v17  }
0x18d: {  	v21 =	vadd.s32 $0x10000, v21;
	v22 =	vshrl.u32 v59, $0x1;
	v5 =	vor.u32 v9, v5  }
0x18e: {  	v7 =	vor.u32 v7, v11;
	v17 =	vshrl.u32 v17, $0x1;
	v5 =	vadd.s32 v0, v5  }
0x18f: {  	v6 =	vshrl.u32 v21, $0x1;
	v7 =	vadd.s32 v0, v7;
	[tilespmem:s8+$0x5020] =	vst v5;
	v5 =	vshrl.u32 v17, $0x10  }
0x190: {  	s17 =	sadd.s32 $0x1, s17;
	v6 =	vshrl.u32 v6, $0x10;
	[tilespmem:s8+$0x5040] =	vst v7;
	v7 =	vadd.f32 v46, v8;
	v5 =	vor.u32 v5, v25  }
0x191: {  	p1 =	sne.s32 s17, $0x9;
	[tilespmem:s8+$0x5010] =	vst v61;
	v10 =	vadd.s32 v0, v62;
	v6 =	vor.u32 v6, v27;
	v5 =	vadd.s32 v0, v5  }
.Ltmp6:
0x192: {  	v63 =	vshrl.u32 v22, $0x10;
	[tilespmem:s8+$0x5060] =	vst v5;
	v5 =	vadd.s32 v0, v6;
	v6 =	vadd.f32 v29, v7;
	(pc) =	sbr.rel @p1 .LBB2_6-.Ltmp6, $4  }
0x193: {  	[tilespmem:s8+$0x5030] =	vst v10;
	v9 =	vor.u32 v63, v20  }
0x194: {  	v9 =	vadd.s32 v0, v9;
	[tilespmem:s8+$0x5070] =	vst v5;
	v5 =	vadd.f32 v32, v6  }
0x195: {  	[tilespmem:s8+$0x5050] =	vst v9  }
0x196: {  	[spmem:s2] =	stream.indirect.scatter.add.f32 [tilespmem:s29], [sflag:$0x6], $0x1, s0, s23, $0x2000b8;
	v5 =	vadd.f32 v48, v5;
	[tilespmem:$0x1F110] =	vst v63  }
0x197: {  	_ =	swait.ge [sflag:s1], $0x1000  }
0x198: {  	[sflag:s1] =	ssyncset.done $0x0  }
0x199: {  	[sflag:s1] =	ssyncadd.s32 $0xFFFFF000  }
0x19a: {  	_ =	swait.ge [sflag:s16], $0x1000  }
0x19b: {  	[sflag:s16] =	ssyncset.done $0x0  }
0x19c: {  	[sflag:s16] =	ssyncadd.s32 $0xFFFFF000  }
0x19d: {  	_ =	strace $0x90000049  }
0x19e: {  	s7 =	simm.s32 $0x17080;
	_ =	strace $0x8000004A;
	[tilespmem:$0x17080] =	vst v5  }
0x19f: {  	[spmem:s15] =	stream.linear.scatter [tilespmem:s7], [sflag:$0x8], $0x80, $0x200038;
	[tilespmem:$0x1F110] =	vst v63  }
.Ltmp7:
0x1a0: {  	_ =	swait.ge [sflag:s18], $0x80;
	(pc) =	sbr.rel @p0 .LBB2_15-.Ltmp7, $4  }
0x1a1: {  	[sflag:s18] =	ssyncset.done $0x0  }
0x1a2: {  	[sflag:s18] =	ssyncadd.s32 $0xFFFFFF80  }
0x1a3: {  	[bflag:$0x0] =	sbarrier.arrive $0xFFFF  }
0x1a4: {  	_ =	strace $0x9000004A  }
0x1a5: {  	_ =	strace $0x8000004B  }
0x1a6: {  	s7 =	rddreg [dreg:$0x8]  }
0x1a7: {  	[tilespmem:s21], [sflag:$0x8] =	stream.linear.gather [spmem:s7], $0x10000, $0x200038;
	[tilespmem:$0x1F110] =	vst v63  }
0x1a8: {  	_ =	swait.ge [sflag:s18], $0x10000  }
0x1a9: {  	[sflag:s18] =	ssyncset.done $0x0  }
0x1aa: {  	s8 =	simm.s32 $0x17000;
	s10 =	rddreg [dreg:$0x9];
	[sflag:s18] =	ssyncadd.s32 $0xFFFF0000  }
0x1ab: {  	[tilespmem:s8], [sflag:$0x8] =	stream.linear.gather [spmem:s10], $0x80, $0x200038;
	[tilespmem:$0x1F110] =	vst v63  }
0x1ac: {  	_ =	swait.ge [sflag:s18], $0x80  }
0x1ad: {  	[sflag:s18] =	ssyncset.done $0x0  }
0x1ae: {  	[sflag:s18] =	ssyncadd.s32 $0xFFFFFF80  }
0x1af: {  	v6 =	vld [tilespmem:$0x17000];
	_ =	sdelay $0x3  }
0x1b0: {  	(xrf2) =	vadd.scan.msk.f32 $0xffff, v5  }
0x1b1: {  	(xrf2) =	vadd.scan.msk.f32 $0xffff, v6;
	_ =	sdelay $0x7  }
0x1b2: {  	s11 =	simm.s32 $0x0  }
0x1b3: {  	v6 =	vld [tilespmem:s11+$0xEFE0];
	v5, _, _ =	vpop (xrf2)  }
0x1b4: {  	(v2sf) =	vpush v5, $0xF;
	v5, _, _ =	vpop (xrf2)  }
0x1b5: {  	v7 =	vld [tilespmem:s11+$0x16FE0];
	(v2sf) =	vpush v5, $0xF;
	v5 =	vmul.u32 $0xFFFFFFFF, v3  }
0x1b6: {  	v8 =	vld [tilespmem:s11+$0xEFF0]  }
0x1b7: {  	v5 =	vadd.s32 $0xF, v5  }
0x1b8: {  	v23 =	vperm.xlane v6, v5  }
0x1b9: {  	v6 =	vld [tilespmem:s11+$0x16FF0]  }
0x1ba: {  	v20 =	vperm.xlane v7, v5;
	(xrf2) =	vadd.scan.msk.f32 $0xffff, v23  }
0x1bb: {  	v18 =	vperm.xlane v8, v5  }
0x1bc: {  	v10 =	vld [tilespmem:s11+$0x16FC0];
	(xrf2) =	vadd.scan.msk.f32 $0xffff, v20  }
0x1bd: {  	v7 =	vld [tilespmem:s11+$0xEFD0];
	(xrf2) =	vadd.scan.msk.f32 $0xffff, v18  }
0x1be: {  	v11 =	vld [tilespmem:s11+$0x16FD0];
	v22 =	vperm.xlane v6, v5  }
0x1bf: {  	v13 =	vld [tilespmem:s11+$0xEFC0]  }
0x1c0: {  	(xrf2) =	vadd.scan.msk.f32 $0xffff, v22;
	_ =	sdelay $0x1  }
0x1c1: {  	s7 =	simm.s32 $0x7FFF;
	v12 =	vperm.xlane v7, v5  }
0x1c2: {  	v30 =	vmov s7;
	v14 =	vperm.xlane v10, v5;
	v26 =	vadd.f32 v23, v20  }
0x1c3: {  	s11 =	simm.s32 $0x7FEF;
	v15 =	vperm.xlane v11, v5;
	v17 =	vperm.xlane v13, v5;
	s17 =	spop (v2sf);
	v19 =	vadd.f32 v18, v22;
	v10, _, _ =	vpop (xrf2);
	(xrf2) =	vadd.scan.msk.f32 $0xffff, v12  }
0x1c4: {  	v24 =	vmov s11;
	vm0 =	vgt.f32 v26, $0.0e+00;
	v6 =	vimm.f32 $0.0e+00;
	s10 =	spop (v2sf)  }
0x1c5: {  	v7 =	vadd.f32 v17, v14;
	v11 =	vadd.f32 v12, v15;
	vm1 =	vgt.f32 v19, $0.0e+00;
	s8 =	sadd.f32 s10, s17;
	v21, _, _ =	vpop (xrf2)  }
0x1c6: {  	v19 =	vshll.u32 v24, $0x11;
	v25 =	vsub.f32 v10, v23;
	s17 =	simm.s32 $0x7FDF;
	v27 =	vsub.f32 v21, v20;
	v28, _, _ =	vpop (xrf2)  }
0x1c7: {  	v13 =	vmov s17;
	v33 =	vperm.xlane v21, v4;
	s10 =	ssub.f32 $1.474560000e+05, s8;
	v29 =	vsub.f32 v28, v18  }
0x1c8: {  	(xrf2) =	vadd.scan.msk.f32 $0xffff, v17;
	v8 =	vmov s8;
	v13 =	vshll.u32 v13, $0x11;
	v28 =	vperm.xlane v28, v4  }
0x1c9: {  	v9 =	vmov s10;
	s10 =	simm.s32 $0x7FCF;
	v26 =	vadd.f32 v29, v6;
	v29 =	vperm.xlane v10, v4;
	v10, _, _ =	vpop (xrf2)  }
0x1ca: {  	v28 =	vadd.f32 v28, v6;
	v16 =	vmov s10;
	v32 =	vperm.xlane v10, v4  }
0x1cb: {  	v24 =	vadd.f32 v26, v8;
	v31 =	vshll.u32 v16, $0x11;
	v16 =	vsub.f32 v10, v22  }
0x1cc: {  	v21 =	vsub.f32 v9, v26;
	v10 =	vmul.u32 $0xFFFE0000, v3;
	v29 =	vadd.f32 v29, v28  }
0x1cd: {  	v28 =	vadd.f32 v25, v28;
	v26 =	vadd.f32 v32, v6;
	v34 =	vmul.f32 v24, v22;
	v52, _, _ =	vpop (xrf2)  }
0x1ce: {  	(xrf2) =	vadd.scan.msk.f32 $0xffff, v15;
	v35 =	vmul.f32 v21, v22;
	v36 =	vadd.f32 v16, v6;
	v21 =	vsub.f32 v52, v12  }
0x1cf: {  	v16 =	vadd.s32 v10, v19;
	v37 =	vadd.f32 v27, v26;
	v27 =	vadd.f32 v24, v18  }
0x1d0: {  	vm2 =	veq.f32 v24, $0.0e+00;
	v60 =	vsub.f32 v9, v28;
	v16 =	vxor.u32 $0x80000000, v16  }
0x1d1: {  	v32 =	vperm.xlane v52, v4;
	v42 =	vadd.f32 v36, v9;
	v24 =	vmul.f32 v27, v24  }
0x1d2: {  	(xrf2) =	vadd.scan.msk.f32 $0xffff, v14;
	v27 =	vshll.u32 v30, $0x11;
	v30 =	vadd.f32 v33, v26;
	v43 =	vadd.f32 v21, v29;
	v21, _, _ =	vpop (xrf2)  }
0x1d3: {  	v16 =	vmax.f32 v16, $0.0e+00;
	v19 =	vadd.f32 v32, v29;
	v25 =	vsub.f32 v21, v17  }
0x1d4: {  	v54 =	vsub.f32 v8, v37;
	v29 =	vadd.s32 v10, v27;
	v27 =	vsub.f32 v8, v36  }
0x1d5: {  	v40 =	vmul.f32 v42, v18;
	v22 =	vadd.f32 v42, v22;
	v44 =	vadd.f32 v25, v19  }
0x1d6: {  	(erf) = vrcp.f32 v24;
	v24 =	vadd.s32 v10, v31;
	v31 =	vmul.f32 v27, v18  }
0x1d7: {  	v27 =	vadd.f32 v28, v8;
	v53 =	vmul.f32 v22, v42;
	v25 =	vadd.f32 v44, v8  }
0x1d8: {  	v22 =	vadd.f32 v37, v9;
	v38 =	vxor.u32 $0x80000000, v24;
	v47 =	vadd.f32 v35, v40;
	v26, _, _ =	vpop (xrf2)  }
0x1d9: {  	v49 =	vsub.f32 v9, v43;
	v18 =	vperm.xlane v26, v4;
	v39 =	vadd.f32 v25, v17  }
0x1da: {  	v55 =	vsub.f32 v26, v15;
	v41 =	vadd.f32 v27, v23;
	(erf) = vrcp.f32 v53  }
0x1db: {  	v58 =	vadd.f32 v34, v31;
	v34 =	vmul.f32 v22, v23;
	v57 =	vmul.f32 v39, v25  }
0x1dc: {  	v31 =	vadd.f32 v43, v8;
	v23 =	vmul.f32 v54, v23;
	v24 =	vadd.f32 v18, v30;
	v26, _, _ =	vpop (xrf2)  }
0x1dd: {  	v56 =	vadd.f32 v55, v30;
	v30 =	vsub.f32 v26, v14;
	(erf) = vrcp.f32 v57  }
0x1de: {  	v61 =	vadd.f32 v22, v20;
	v40 =	vmul.f32 v27, v20;
	v37 =	vmul.f32 v49, v15  }
0x1df: {  	v18 =	vmax.f32 v38, $0.0e+00;
	v41 =	vmul.f32 v41, v27;
	v46 =	vadd.f32 v31, v12  }
0x1e0: {  	v38 =	vmul.f32 v61, v22;
	v44 =	vsub.f32 v9, v44;
	v59 =	vadd.f32 v30, v24  }
0x1e1: {  	v28 =	vadd.f32 v56, v9;
	v36 =	vsub.f32 v8, v56;
	v48 =	vmul.f32 v46, v31;
	v30 =	vpop (erf)  }
0x1e2: {  	v45 =	vmul.f32 v30, v58;
	v30 =	vadd.f32 v59, v9;
	(erf) = vrcp.f32 v41  }
0x1e3: {  	v32 =	vmul.f32 v25, v14;
	v33 =	vmul.f32 v28, v12;
	v46 =	vadd.f32 v28, v15;
	v62 =	vpop (erf)  }
0x1e4: {  	v39 =	vsub.f32 v8, v59;
	v63 =	vmul.f32 v47, v62;
	v35 =	vmul.f32 v30, v17  }
0x1e5: {  	v41 =	vsel vm2, $0x3F800000, v45;
	v43 =	vadd.f32 v30, v14;
	vm2 =	veq.f32 v42, $0.0e+00  }
0x1e6: {  	s11 =	simm.s32 $0xFFFFFF00;
	v42 =	vmul.f32 v60, v20;
	(erf) = vrcp.f32 v48;
	v45 =	vsel vm2, $0x3F800000, v63;
	v20 =	vpop (erf)  }
.LBB2_13:
0x1e7: {  	s8 =	smov.u32 s11  }
0x1e8: {  	s10 =	sshra.s32 s11, $0x2;
	v29 =	vxor.u32 $0x80000000, v29;
	v46 =	vmul.f32 v46, v28;
	v14 =	vmul.f32 v44, v14;
	s7 =	sadd.s32 $0xFFFFFFC0, s7;
	s8 =	sadd.s32 $0xFFFFFF00, s11  }
0x1e9: {  	p1 =	sne.s32 s11, $0xFFFF0100;
	v41 =	vadd.f32 v41, v45;
	v17 =	vmul.f32 v39, v17;
	v44 =	vld [tilespmem:s10+$0x16FE0];
	(erf) = vrcp.f32 v38  }
0x1ea: {  	v23 =	vadd.f32 v40, v23;
	v34 =	vadd.f32 v42, v34;
	v29 =	vmax.f32 v29, $0.0e+00;
	v38 =	vld [tilespmem:s10+$0xEFE0]  }
0x1eb: {  	v12 =	vmul.f32 v36, v12;
	v17 =	vadd.f32 v32, v17;
	v32 =	vmul.f32 v43, v30;
	v39 =	vld [tilespmem:s10+$0xEFF0];
	v36 =	vpop (erf)  }
0x1ec: {  	v15 =	vmul.f32 v31, v15;
	v40 =	vld [tilespmem:s10+$0x16FF0];
	v23 =	vmul.f32 v36, v23  }
0x1ed: {  	vm2 =	veq.f32 v27, $0.0e+00;
	v17 =	vmul.f32 v20, v17;
	(erf) = vrcp.f32 v46  }
0x1ee: {  	v12 =	vadd.f32 v15, v12;
	v27 =	vsel vm2, $0x3F800000, v23  }
0x1ef: {  	vm3 =	veq.f32 v25, $0.0e+00;
	v15 =	vmul.f32 v41, v29;
	v23 =	vperm.xlane v38, v5  }
0x1f0: {  	v29 =	vadd.f32 v14, v35;
	v20 =	vperm.xlane v44, v5;
	v14 =	vpop (erf);
	(erf) = vrcp.f32 v32  }
0x1f1: {  	vm4 =	veq.f32 v31, $0.0e+00;
	s11 =	sadd.s32 $0xFFFFFFD0, s7;
	v31 =	vadd.f32 v37, v33;
	v25 =	vperm.xlane v40, v5;
	(xrf2) =	vadd.scan.msk.f32 $0xffff, v23  }
0x1f2: {  	v13 =	vadd.s32 v10, v13;
	v32 =	vmov s11;
	v12 =	vmul.f32 v14, v12;
	v14 =	vpop (erf)  }
0x1f3: {  	vm5 =	veq.f32 v22, $0.0e+00;
	v15 =	vnsel vm1, $0x0, v15;
	vm2 =	veq.f32 v30, $0.0e+00;
	v33 =	vld [tilespmem:s10+$0x16FC0]  }
0x1f4: {  	v21 =	vperm.xlane v21, v4;
	v17 =	vsel vm3, $0x3F800000, v17;
	v35 =	vsel vm4, $0x3F800000, v12;
	v30 =	vld [tilespmem:s10+$0xEFD0];
	(xrf2) =	vadd.scan.msk.f32 $0xffff, v20  }
0x1f5: {  	vm3 =	veq.f32 v28, $0.0e+00;
	v22 =	vperm.xlane v39, v5;
	v12 =	vmul.f32 v34, v14  }
0x1f6: {  	v13 =	vxor.u32 $0x80000000, v13;
	vm1 =	vgt.f32 v11, $0.0e+00;
	v11 =	vperm.xlane v26, v4;
	v14 =	vpop (erf)  }
0x1f7: {  	v13 =	vmax.f32 v13, $0.0e+00;
	v26 =	vadd.f32 v22, v25;
	(xrf2) =	vadd.scan.msk.f32 $0xffff, v22;
	v28 =	vmul.f32 v31, v14  }
0x1f8: {  	v24 =	vadd.f32 v11, v24;
	v31 =	vld [tilespmem:s10+$0x16FD0];
	v14 =	vperm.xlane v33, v5;
	v33 =	vsel vm5, $0x3F800000, v12  }
0x1f9: {  	v19 =	vadd.f32 v21, v19;
	s11 =	sadd.s32 $0xFFFFFFF0, s7;
	v12 =	vperm.xlane v30, v5;
	v11 =	vsel vm3, $0x3F800000, v28;
	v21 =	vpop (erf)  }
0x1fa: {  	v28 =	vmov s11;
	v27 =	vadd.f32 v27, v33;
	v21 =	vmul.f32 v29, v21  }
0x1fb: {  	v6 =	vadd.f32 v15, v6;
	vm3 =	vgt.f32 v7, $0.0e+00;
	v11 =	vadd.f32 v35, v11;
	v29 =	vld [tilespmem:s10+$0xEFC0];
	v30, _, _ =	vpop (xrf2)  }
0x1fc: {  	s10 =	sadd.s32 $0xFFFFFFE0, s7;
	v7 =	vmul.f32 v27, v16;
	v33 =	vsub.f32 v30, v23;
	(xrf2) =	vadd.scan.msk.f32 $0xffff, v25;
	v16 =	vsel vm2, $0x3F800000, v21  }
0x1fd: {  	v21 =	vmov s10;
	v11 =	vmul.f32 v11, v13;
	v15 =	vperm.xlane v31, v5  }
0x1fe: {  	v13 =	vadd.f32 v23, v20;
	v7 =	vnsel vm0, $0x0, v7;
	v16 =	vadd.f32 v17, v16;
	v27, _, _ =	vpop (xrf2)  }
0x1ff: {  	v6 =	vadd.f32 v7, v6;
	v7 =	vnsel vm1, $0x0, v11;
	v31 =	vsub.f32 v27, v20;
	(xrf2) =	vadd.scan.msk.f32 $0xffff, v12  }
0x200: {  	v11 =	vadd.f32 v12, v15;
	v16 =	vmul.f32 v16, v18;
	v17 =	vperm.xlane v29, v5  }
0x201: {  	v6 =	vadd.f32 v7, v6;
	v18, _, _ =	vpop (xrf2)  }
0x202: {  	v16 =	vnsel vm3, $0x0, v16;
	v29 =	vsub.f32 v18, v22;
	v7 =	vadd.f32 v17, v14  }
0x203: {  	vm0 =	vgt.f32 v13, $0.0e+00;
	v13 =	vshll.u32 v21, $0x11;
	v6 =	vadd.f32 v16, v6  }
0x204: {  	v21 =	vperm.xlane v30, v4;
	v18 =	vperm.xlane v18, v4;
	v16 =	vadd.f32 v29, v19;
	(xrf2) =	vadd.scan.msk.f32 $0xffff, v17  }
0x205: {  	vm1 =	vgt.f32 v26, $0.0e+00;
	v26 =	vshll.u32 v28, $0x11;
	v29 =	vmov s7  }
0x206: {  	v30 =	vshll.u32 v32, $0x11;
	v18 =	vadd.f32 v18, v19;
	v28 =	vadd.f32 v16, v8;
	v19, _, _ =	vpop (xrf2)  }
0x207: {  	v27 =	vperm.xlane v27, v4;
	v32 =	vsub.f32 v19, v25;
	v36 =	vperm.xlane v19, v4;
	(xrf2) =	vadd.scan.msk.f32 $0xffff, v15  }
0x208: {  	v16 =	vsub.f32 v9, v16;
	v34 =	vmul.f32 v28, v25  }
0x209: {  	v21 =	vadd.f32 v21, v18;
	vm2 =	veq.f32 v28, $0.0e+00;
	v35 =	vadd.f32 v36, v24;
	v19, _, _ =	vpop (xrf2)  }
0x20a: {  	v37 =	vmul.f32 v16, v25;
	v36 =	vsub.f32 v19, v12;
	v16 =	vperm.xlane v19, v4;
	(xrf2) =	vadd.scan.msk.f32 $0xffff, v14  }
0x20b: {  	v24 =	vadd.f32 v32, v24;
	v19 =	vadd.s32 v10, v26;
	v31 =	vadd.f32 v31, v35  }
0x20c: {  	v26 =	vadd.f32 v28, v22;
	v32 =	vxor.u32 $0x80000000, v19;
	v19 =	vadd.f32 v16, v21  }
0x20d: {  	v42 =	vadd.f32 v24, v9;
	v16 =	vmax.f32 v32, $0.0e+00;
	v43 =	vadd.f32 v36, v21  }
0x20e: {  	v33 =	vadd.f32 v33, v18;
	v32 =	vmul.f32 v26, v28;
	v28 =	vshll.u32 v29, $0x11;
	v21, _, _ =	vpop (xrf2)  }
0x20f: {  	v40 =	vmul.f32 v42, v22;
	v29 =	vadd.s32 v10, v28;
	v18 =	vsub.f32 v21, v17  }
0x210: {  	v24 =	vsub.f32 v8, v24;
	v28 =	vadd.f32 v27, v35;
	(erf) = vrcp.f32 v32  }
0x211: {  	v25 =	vadd.f32 v42, v25;
	v44 =	vadd.f32 v18, v19;
	v18 =	vadd.s32 v10, v30;
	v26, _, _ =	vpop (xrf2)  }
0x212: {  	v27 =	vadd.f32 v33, v8;
	v30 =	vmul.f32 v24, v22;
	v24 =	vperm.xlane v26, v4  }
0x213: {  	v36 =	vsub.f32 v8, v31;
	v35 =	vmul.f32 v25, v42;
	v25 =	vadd.f32 v44, v8  }
0x214: {  	v22 =	vadd.f32 v31, v9;
	v31 =	vsub.f32 v26, v15;
	v18 =	vxor.u32 $0x80000000, v18;
	v26, _, _ =	vpop (xrf2)  }
0x215: {  	v24 =	vadd.f32 v24, v28;
	v32 =	vmul.f32 v25, v14;
	v38 =	vadd.f32 v25, v17  }
0x216: {  	v39 =	vadd.f32 v27, v23;
	v18 =	vmax.f32 v18, $0.0e+00;
	(erf) = vrcp.f32 v35  }
0x217: {  	v45 =	vsub.f32 v26, v14;
	v35 =	vadd.f32 v31, v28;
	v38 =	vmul.f32 v38, v25  }
0x218: {  	v41 =	vmul.f32 v39, v27;
	v30 =	vadd.f32 v34, v30;
	v34 =	vmul.f32 v22, v23  }
0x219: {  	v31 =	vadd.f32 v43, v8;
	v39 =	vadd.f32 v45, v24;
	v28 =	vpop (erf);
	(erf) = vrcp.f32 v38  }
0x21a: {  	v23 =	vmul.f32 v36, v23;
	v45 =	vsub.f32 v9, v33;
	v33 =	vadd.f32 v22, v20  }
0x21b: {  	v46 =	vmul.f32 v28, v30;
	v28 =	vadd.f32 v35, v9;
	v30 =	vadd.f32 v39, v9  }
0x21c: {  	v36 =	vsub.f32 v8, v35;
	v38 =	vmul.f32 v33, v22;
	v39 =	vsub.f32 v8, v39  }
0x21d: {  	v47 =	vadd.f32 v31, v12;
	v33 =	vmul.f32 v28, v12;
	(erf) = vrcp.f32 v41  }
.Ltmp8:
0x21e: {  	v37 =	vadd.f32 v37, v40;
	v40 =	vmul.f32 v27, v20;
	v35 =	vmul.f32 v30, v17;
	(pc) =	sbr.rel @p1 .LBB2_13-.Ltmp8, $4  }
0x21f: {  	v48 =	vsub.f32 v9, v43;
	v47 =	vmul.f32 v47, v31;
	v41 =	vsel vm2, $0x3F800000, v46;
	v43 =	vpop (erf)  }
0x220: {  	v44 =	vsub.f32 v9, v44;
	v37 =	vmul.f32 v37, v43;
	v43 =	vadd.f32 v30, v14  }
0x221: {  	vm2 =	veq.f32 v42, $0.0e+00;
	v42 =	vmul.f32 v45, v20;
	v46 =	vadd.f32 v28, v15  }
0x222: {  	s11 =	smov.u32 s8;
	v45 =	vsel vm2, $0x3F800000, v37;
	v37 =	vmul.f32 v48, v15;
	(erf) = vrcp.f32 v47;
	v20 =	vpop (erf)  }
0x223: {  	v5 =	vmul.f32 v46, v28;
	(erf) = vrcp.f32 v38;
	_ =	sdelay $0x1  }
0x224: {  	v8 =	vmul.f32 v43, v30;
	(erf) = vrcp.f32 v5  }
0x225: {  	v9 =	vmul.f32 v39, v17;
	v14 =	vmul.f32 v44, v14  }
0x226: {  	v55 =	vadd.f32 v40, v23;
	v19 =	vadd.f32 v41, v45;
	(erf) = vrcp.f32 v8  }
0x227: {  	v12 =	vmul.f32 v36, v12;
	v15 =	vmul.f32 v31, v15;
	v57 =	vadd.f32 v42, v34  }
0x228: {  	vm2 =	veq.f32 v27, $0.0e+00;
	vm11 =	veq.f32 v25, $0.0e+00;
	vm3 =	veq.f32 v31, $0.0e+00  }
0x229: {  	v10 =	vadd.s32 v10, v13;
	vm12 =	veq.f32 v22, $0.0e+00;
	vm4 =	veq.f32 v30, $0.0e+00;
	v56 =	vpop (erf)  }
0x22a: {  	vm13 =	veq.f32 v28, $0.0e+00;
	v60 =	vadd.f32 v37, v33;
	v10 =	vxor.u32 $0x80000000, v10;
	v58 =	vpop (erf)  }
0x22b: {  	v5 =	vxor.u32 $0x80000000, v29;
	v9 =	vadd.f32 v32, v9;
	v8 =	vmul.f32 v56, v55;
	v59 =	vpop (erf)  }
0x22c: {  	v12 =	vadd.f32 v15, v12;
	v14 =	vadd.f32 v14, v35;
	v15 =	vmul.f32 v57, v59  }
0x22d: {  	v10 =	vmax.f32 v10, $0.0e+00;
	v5 =	vmax.f32 v5, $0.0e+00;
	v8 =	vsel vm2, $0x3F800000, v8;
	v61 =	vpop (erf)  }
0x22e: {  	v12 =	vmul.f32 v58, v12;
	v13 =	vmul.f32 v60, v61;
	v15 =	vsel vm12, $0x3F800000, v15  }
0x22f: {  	v9 =	vmul.f32 v20, v9;
	v5 =	vmul.f32 v19, v5;
	v62 =	vpop (erf);
	v8 =	vadd.f32 v8, v15  }
0x230: {  	v12 =	vsel vm3, $0x3F800000, v12;
	v14 =	vmul.f32 v14, v62;
	v13 =	vsel vm13, $0x3F800000, v13  }
0x231: {  	v5 =	vnsel vm1, $0x0, v5;
	v12 =	vadd.f32 v12, v13;
	v8 =	vmul.f32 v8, v16  }
0x232: {  	v9 =	vsel vm11, $0x3F800000, v9;
	v5 =	vadd.f32 v5, v6;
	v6 =	vsel vm4, $0x3F800000, v14  }
0x233: {  	v6 =	vadd.f32 v9, v6;
	v10 =	vmul.f32 v12, v10;
	v8 =	vnsel vm0, $0x0, v8  }
0x234: {  	vm14 =	vgt.f32 v11, $0.0e+00;
	v5 =	vadd.f32 v8, v5  }
0x235: {  	v6 =	vmul.f32 v6, v18;
	v63 =	vnsel vm14, $0x0, v10  }
0x236: {  	vm15 =	vgt.f32 v7, $0.0e+00;
	v5 =	vadd.f32 v63, v5  }
0x237: {  	v6 =	vnsel vm15, $0x0, v6  }
0x238: {  	v5 =	vadd.f32 v6, v5;
	_ =	sdelay $0x1  }
0x239: {  	(xrf2) =	vadd.scan.msk.f32 $0xffff, v5;
	_ =	sdelay $0x9  }
0x23a: {  	v5, _, _ =	vpop (xrf2)  }
0x23b: {  	(v2sf) =	vpush v5, $0xF;
	_ =	sdelay $0xe  }
0x23c: {  	s7 =	spop (v2sf)  }
0x23d: {  	s7 =	smul.f32 $5.000000000e-01, s7;
	_ =	sdelay $0x1  }
0x23e: {  	v5 =	vmov s7  }
0x23f: {  	s17 =	rddreg [dreg:$0xa];
	s8 =	simm.s32 $0x17080;
	[tilespmem:$0x17080] =	vst v5  }
0x240: {  	[hbm4b:s17+s3] =	stream.linear.scatter [tilespmem:s8], [sflag:$0x8], $0x80, $0x200038;
	[tilespmem:$0x1F110] =	vst v63  }
.Ltmp9:
0x241: {  	_ = 	snop;
	(pc) =	sbr.rel .LBB2_15-.Ltmp9, $4  }
0x242: {  	_ =	swait.ge [sflag:s18], $0x80  }
0x243: {  	[sflag:s18] =	ssyncset.done $0x0  }
0x244: {  	[sflag:s18] =	ssyncadd.s32 $0xFFFFFF80  }
0x245: {  	_ =	strace $0x9000004B  }
.LBB2_16:
0x246: {  	_ =	sfence.sel $0x180000  }
0x247: {  	[bflag:$0x0] =	sbarrier.arrive $0xFFFF  }
0x248: {  	_ =	strace $0x90000047  }
0x249: {  	s0 =	stileid.u32;
	[bflag:$0x2] =	sbarrier.arrive $0xFFFF  }
0x24a: {  	p0 =	sne.s32 s0, $0x0;
	s0 =	rddreg [dreg:$0x3]  }
0x24b: {  	s0 =	sadd.s32 @!p0 $0x100000, s0  }
0x24c: {  	[sflag:s0] =	ssyncadd.tile.s32 @!p0 $0x1;
	_ =	shalt  }
.Lfunc_end2:
_tile_overlayer_lowered:
.L_overlay_start_2:
0x24d: {  	(tag) =	ssettag $0x2  }
0x24e: {  	s0 =	rddreg [dreg:$0x0];
	s2 =	stileid.u32  }
0x24f: {  	s1 =	rddreg [dreg:$0x1];
	p0 =	sne.s32 s2, $0x0  }
0x250: {  	s3 =	rddreg [dreg:$0x2];
	[bflag:$0x3] =	sbarrier.arrive $0xFFFF;
	s2 =	simm.s32 @!p0 $0x1C08  }
0x251: {  	[timem:s3], [sflag:s2] =	dma.local @!p0 [hbm:s0], s1  }
0x252: {  	s0 =	simm.s32 @!p0 $0x8  }
0x253: {  	_ =	swait.ge @!p0 [sflag:s0], s1  }
0x254: {  	s1 =	ssub.s32 @!p0 $0x0, s1;
	[sflag:s0] =	ssyncset.done @!p0 $0x0  }
0x255: {  	[sflag:s0] =	ssyncadd.s32 @!p0 s1  }
0x256: {  	[bflag:$0x3] =	sbarrier.arrive $0xFFFF  }
0x257: {  	_ =	shalt  }

</sc_bundles>
